<compile_context>
chip_gen: v7x
topology: tpu7x:2x2x1
jax: 0.10.2.dev20260603
libtpu: 0.0.44.dev20260713+nightly
codegen_flags: <defaults>
</compile_context>

<pallas_src>
import functools

import jax
import jax.numpy as jnp
from jax import lax
from jax.experimental import pallas as pl
from jax.experimental.pallas import tpu as pltpu
from jax.experimental.pallas import tpu_sc as plsc

BLANK = 0
W = 16
TOP = 4
NEG = -1.0e30
T = 256
B = 16
C = 64
L = 16


def _logaddexp(a, b):
    m = jnp.maximum(a, b)
    d = -jnp.abs(a - b)
    e = jnp.exp(d)
    w = e / (e + 2.0)
    t = w * w
    p = jnp.full_like(w, 1.0 / 15.0)
    for coef in (1.0 / 13.0, 1.0 / 11.0, 1.0 / 9.0, 1.0 / 7.0, 1.0 / 5.0,
                 1.0 / 3.0, 1.0):
        p = p * t + coef
    return m + 2.0 * w * p


def _splat(x, dtype=jnp.int32):
    return jnp.zeros((L,), dtype) + x


def _vtake(x, idx):
    return x.at[idx].get(mode="promise_in_bounds")


def _body(lp_hbm, len_hbm, out_hbm, lp_v, len_v, bp_par, bp_chr, labels_v):
    cid = lax.axis_index("c")
    sid = lax.axis_index("s")
    b = sid * 2 + cid

    @pl.when(b < B)
    def _():
        pltpu.sync_copy(lp_hbm.at[b], lp_v)
        pltpu.sync_copy(len_hbm, len_v)
        lanes = lax.iota(jnp.int32, L)
        my_len = plsc.load_gather(len_v, [_splat(b)])[0]

        neg = jnp.full((L,), NEG, jnp.float32)
        pb0 = jnp.where(lanes == 0, 0.0, NEG).astype(jnp.float32)
        last0 = jnp.full((L,), -1, jnp.int32)
        len0 = jnp.zeros((L,), jnp.int32)

        def step(t, carry):
            pb, pnb, last, lens = carry
            tot = _logaddexp(pb, pnb)
            lp0 = plsc.load_gather(lp_v, [_splat(t), _splat(0)])
            safe_last = jnp.maximum(last, 0)
            lplast = plsc.load_gather(lp_v, [_splat(t), safe_last])
            s_pb = tot + lp0
            s_pnb = jnp.where(last >= 0, pnb + lplast, NEG)
            stay = _logaddexp(s_pb, s_pnb)

            def merge_top(a, b):
                av, ae = a
                bv, be = b
                rbv = lax.rev(bv, (0,))
                rbe = lax.rev(be, (0,))
                keep = av >= rbv
                top = (jnp.where(keep, av, rbv), jnp.where(keep, ae, rbe))
                bot = (jnp.where(keep, rbv, av), jnp.where(keep, rbe, ae))
                return tuple(plsc.sort_key_val(*top, descending=True)), bot

            lpch = []
            for j in range(4):
                cls = lanes + j * L
                v = plsc.load_gather(lp_v, [_splat(t), cls])
                if j == 0:
                    v = jnp.where(lanes == 0, NEG, v)
                lpch.append(tuple(plsc.sort_key_val(v, cls, descending=True)))
            ab, ab_bot = merge_top(lpch[0], lpch[1])
            cd, cd_bot = merge_top(lpch[2], lpch[3])
            s16, fin_bot = merge_top(ab, cd)
            k1 = ab_bot[0] >= cd_bot[0]
            m1v = jnp.where(k1, ab_bot[0], cd_bot[0])
            m1i = jnp.where(k1, ab_bot[1], cd_bot[1])
            k2 = m1v >= fin_bot[0]
            s17v, s17i = plsc.sort_key_val(
                jnp.where(k2, m1v, fin_bot[0]),
                jnp.where(k2, m1i, fin_bot[1]), descending=True)

            chunks = [(stay, lanes * C)]
            for j in range(17):
                if j < 16:
                    sj = _vtake(s16[1], _splat(j))
                    lpj = _vtake(s16[0], _splat(j))
                else:
                    sj = _vtake(s17i, _splat(0))
                    lpj = _vtake(s17v, _splat(0))
                score = jnp.where(last == sj, pb, tot) + lpj
                chunks.append((score, lanes * C + sj))

            level = [tuple(plsc.sort_key_val(v, e, descending=True))
                     for v, e in chunks]
            while len(level) > 1:
                nxt = []
                for i in range(0, len(level) - 1, 2):
                    nxt.append(merge_top(level[i], level[i + 1])[0])
                if len(level) % 2:
                    nxt.append(level[-1])
                level = nxt
            cur_v, cur_e = level[0]

            sel_w = lax.shift_right_logical(cur_e, 6)
            sel_c = jnp.bitwise_and(cur_e, C - 1)
            g_pb = _vtake(pb, sel_w)
            g_spb = _vtake(s_pb, sel_w)
            g_spnb = _vtake(s_pnb, sel_w)
            g_tot = _vtake(tot, sel_w)
            g_last = _vtake(last, sel_w)
            g_len = _vtake(lens, sel_w)
            lp_sel = plsc.load_gather(lp_v, [_splat(t), sel_c])
            e_pnb = jnp.where(sel_c == g_last, g_pb, g_tot) + lp_sel
            is_stay = sel_c == 0
            new_pb = jnp.where(is_stay, g_spb, NEG).astype(jnp.float32)
            new_pnb = jnp.where(is_stay, g_spnb, e_pnb)
            new_last = jnp.where(is_stay, g_last, sel_c)
            new_len = jnp.where(is_stay, g_len, jnp.minimum(g_len + 1, T))
            bp_par[t] = sel_w
            bp_chr[t] = jnp.where(is_stay, -1, sel_c)
            return new_pb, new_pnb, new_last, new_len

        pb, pnb, last, lens = lax.fori_loop(
            0, my_len, step, (pb0, neg, last0, len0))

        score = _logaddexp(pb, pnb)
        sorted_sc, _ = plsc.sort_key_val(score, lanes, descending=True)
        mx = _vtake(sorted_sc, _splat(0))
        wstar = plsc.all_reduce_ffs(score == mx)
        pos0 = _vtake(lens, _splat(0) + wstar)

        for j in range(T // L):
            labels_v[pl.ds(j * L, L)] = jnp.zeros((L,), jnp.int32)

        def back(i, carry):
            wv, pos = carry
            t = my_len - 1 - i
            chr_ = plsc.load_gather(bp_chr, [_splat(t), wv])
            par = plsc.load_gather(bp_par, [_splat(t), wv])
            emit = chr_ >= 0
            npos = pos - jnp.where(emit, 1, 0)
            plsc.store_scatter(labels_v, [npos], chr_,
                               mask=jnp.logical_and(lanes == 0, emit))
            return par, npos

        lax.fori_loop(0, my_len, back, (_splat(0) + wstar, pos0))
        pltpu.sync_copy(labels_v, out_hbm.at[b])


@jax.jit
def kernel(data, data_length):
    lp = jnp.transpose(data, (1, 0, 2))
    mesh = plsc.VectorSubcoreMesh(core_axis_name="c", subcore_axis_name="s")
    f = pl.kernel(
        _body,
        out_type=jax.ShapeDtypeStruct((B, T), jnp.int32),
        mesh=mesh,
        compiler_params=pltpu.CompilerParams(needs_layout_passes=False),
        scratch_types=[
            pltpu.VMEM((T, C), jnp.float32),
            pltpu.VMEM((L,), jnp.int32),
            pltpu.VMEM((T, W), jnp.int32),
            pltpu.VMEM((T, W), jnp.int32),
            pltpu.VMEM((T,), jnp.int32),
        ],
    )
    return f(lp, data_length)

# --- scband reference (transcript-rebuilt; emitter-appended) ---
"""Pipeline reference for scband-ctcpredictions-layer-79783312490907 (READ-ONLY COPY).

The authoritative reference and input builder live on the scoring server;
editing this copy changes nothing except your own understanding.
"""

import jax, jax.numpy as jnp
import numpy as np

BLANK = 0
BEAM_WIDTH = 16
TOP_PATHS = 4
NEG = -1.0e30
MAX_TIME = 256
BATCH = 16
NUM_CLASSES = 64


def setup_inputs(seed: int = 0):
    key = jax.random.key(seed)
    k1, k2 = jax.random.split(key)
    logits = jax.random.normal(k1, (MAX_TIME, BATCH, NUM_CLASSES), dtype=jnp.float32) * 2.0
    data = jax.nn.log_softmax(logits, axis=-1)
    data_length = jax.random.randint(k2, (BATCH,), 1, MAX_TIME + 1, dtype=jnp.int32)
    return {"data": data, "data_length": data_length}


def _decode_one(logp, length):
    # CTC prefix beam search for a single example. logp: [T, C] log-probs.
    T, C = logp.shape
    W = BEAM_WIDTH
    nonblank = jnp.arange(1, C, dtype=jnp.int32)  # blank_index == 0
    labels0 = jnp.zeros((W, T), jnp.int32)
    lengths0 = jnp.zeros((W,), jnp.int32)
    last0 = jnp.full((W,), -1, jnp.int32)
    pb0 = jnp.full((W,), NEG, jnp.float32).at[0].set(0.0)
    pnb0 = jnp.full((W,), NEG, jnp.float32)

    def step(state, xs):
        labels, lengths, last, pb, pnb = state
        lp, t = xs
        tot = jnp.logaddexp(pb, pnb)
        # 'stay' candidates: same prefix (emit blank, or repeat last char which collapses)
        s_pb = tot + lp[BLANK]
        safe_last = jnp.maximum(last, 0)
        s_pnb = jnp.where(last >= 0, pnb + lp[safe_last], NEG)
        # 'extend' candidates: append non-blank c
        lpe = lp[nonblank]  # [C-1]
        same = nonblank[None, :] == last[:, None]  # [W, C-1]
        e_pnb = jnp.where(same, pb[:, None] + lpe[None, :], tot[:, None] + lpe[None, :])
        e_pb = jnp.full((W, C - 1), NEG, jnp.float32)
        write = jnp.arange(T)[None, :] == lengths[:, None]  # [W, T]
        e_labels = jnp.where(write[:, None, :], nonblank[None, :, None], labels[:, None, :])  # [W, C-1, T]
        e_lengths = jnp.broadcast_to(jnp.minimum(lengths + 1, T)[:, None], (W, C - 1))
        # assemble all candidates
        cand_pb = jnp.concatenate([s_pb, e_pb.reshape(-1)])
        cand_pnb = jnp.concatenate([s_pnb, e_pnb.reshape(-1)])
        cand_labels = jnp.concatenate([labels, e_labels.reshape(W * (C - 1), T)], axis=0)
        cand_lengths = jnp.concatenate([lengths, e_lengths.reshape(-1)])
        cand_last = jnp.concatenate([last, jnp.broadcast_to(nonblank[None, :], (W, C - 1)).reshape(-1)])
        scores = jnp.logaddexp(cand_pb, cand_pnb)
        _, idx = jax.lax.top_k(scores, W)
        new_state = (cand_labels[idx], cand_lengths[idx], cand_last[idx], cand_pb[idx], cand_pnb[idx])
        active = t < length
        state = jax.tree_util.tree_map(lambda n, o: jnp.where(active, n, o), new_state, state)
        return state, None

    init = (labels0, lengths0, last0, pb0, pnb0)
    (labels, lengths, last, pb, pnb), _ = jax.lax.scan(step, init, (logp, jnp.arange(T)))
    scores = jnp.logaddexp(pb, pnb)
    order = jnp.argsort(-scores)[:TOP_PATHS]
    # negative log probabilities (like ctc_beam_search_decoder_with_log_probs)
    return -scores[order], lengths[order], labels[order]


def reference(data, data_length):
    # data: [max_time, batch, num_classes] log probs
    logp = jnp.transpose(data, (1, 0, 2))  # [B, T, C]
    probs, lengths, predicted = jax.vmap(_decode_one)(logp, data_length)
    # probs: [B, top_paths] neg log probs; predicted: [B, top_paths, T]
    # _select_most_likely_path (top_paths > 1): argmin over neg log probs
    idx = jnp.argmin(probs, axis=1)
    best = jnp.take_along_axis(predicted, idx[:, None, None], axis=1)[:, 0, :]  # [B, T]
    best_len = jnp.take_along_axis(lengths, idx[:, None], axis=1)[:, 0]  # [B]
    # _mask_out_junk_values: fill beyond length with blank index
    T = data.shape[0]
    mask = jnp.arange(T)[None, :] < best_len[:, None]
    return jnp.where(mask, best, BLANK)

if __name__ == "__main__":
    import jax
    _d = setup_inputs()
    print(jax.jit(kernel)(*tuple(_d.values())))

</pallas_src>

<mosaic_0001>
#map = affine_map<(d0, d1) -> (0, 0, 0)>
#map1 = affine_map<(d0, d1) -> (0)>
#map2 = affine_map<(d0, d1) -> (0, 0)>
module attributes {stable_mosaic.version = 14 : i64} {
  func.func @_body(%arg0: i32, %arg1: i32, %arg2: memref<16x256x64xf32, #tpu.memory_space<hbm>>, %arg3: memref<16xi32, #tpu.memory_space<hbm>>, %arg4: memref<16x256xi32, #tpu.memory_space<hbm>>, %arg5: memref<256x64xf32, #tpu.memory_space<vmem>>, %arg6: memref<16xi32, #tpu.memory_space<vmem>>, %arg7: memref<256x16xi32, #tpu.memory_space<vmem>>, %arg8: memref<256x16xi32, #tpu.memory_space<vmem>>, %arg9: memref<256xi32, #tpu.memory_space<vmem>>) attributes {dimension_semantics = [#tpu.dimension_semantics<core_parallel>, #tpu.dimension_semantics<subcore_parallel>], iteration_bounds = array<i64: 2, 16>, scalar_prefetch = 0 : i64, scratch_operands = 5 : i64, tpu.core_type = #tpu.core_type<sc_vector_subcore>, window_params = [{transform_indices = #map}, {transform_indices = #map1}, {transform_indices = #map2}]} {
    %mul3A = arith.constant 2 : i32
    %mul3A_0 = arith.muli %arg1, %mul3A : i32
    %add3A = arith.addi %mul3A_0, %arg0 : i32
    %lt3A = arith.constant 16 : i32
    %lt3A_1 = arith.cmpi slt, %add3A, %lt3A : i32
    %convert_element_type3A = arith.extui %lt3A_1 : i1 to i32
    %cond3A = arith.constant 0 : i32
    %cond3A_2 = arith.cmpi ne, %convert_element_type3A, %cond3A : i32
    scf.if %cond3A_2 {
      "tpu.region"() ({
        %run_scoped3A = tpu.sem_alloc : memref<!tpu.dma_semaphore, #tpu.memory_space<semaphore_mem>>
        %dma_start3A = arith.constant 0 : i32
        %dma_start3A_183 = arith.constant 0 : i32
        %dma_start3A_184 = tpu.memref_slice %arg2[%add3A, %dma_start3A, %dma_start3A_183] : memref<16x256x64xf32, #tpu.memory_space<hbm>> -> memref<1x256x64xf32, #tpu.memory_space<hbm>>
        %dma_start3A_185 = tpu.memref_squeeze %dma_start3A_184 : memref<1x256x64xf32, #tpu.memory_space<hbm>> -> memref<256x64xf32, #tpu.memory_space<hbm>>
        %dma_start3A_186 = arith.constant 0 : i32
        %dma_start3A_187 = arith.constant 0 : i32
        %dma_start3A_188 = tpu.memref_slice %arg2[%add3A, %dma_start3A_186, %dma_start3A_187] : memref<16x256x64xf32, #tpu.memory_space<hbm>> -> memref<1x256x64xf32, #tpu.memory_space<hbm>>
        %dma_start3A_189 = tpu.memref_squeeze %dma_start3A_188 : memref<1x256x64xf32, #tpu.memory_space<hbm>> -> memref<256x64xf32, #tpu.memory_space<hbm>>
        tpu.enqueue_dma source(%dma_start3A_189 : memref<256x64xf32, #tpu.memory_space<hbm>>) target(%arg5 : memref<256x64xf32, #tpu.memory_space<vmem>>) target_semaphore(%run_scoped3A : memref<!tpu.dma_semaphore, #tpu.memory_space<semaphore_mem>>)
        %dma_wait3A = arith.constant 0 : i32
        %dma_wait3A_190 = arith.constant 0 : i32
        %dma_wait3A_191 = tpu.memref_slice %arg2[%add3A, %dma_wait3A, %dma_wait3A_190] : memref<16x256x64xf32, #tpu.memory_space<hbm>> -> memref<1x256x64xf32, #tpu.memory_space<hbm>>
        %dma_wait3A_192 = tpu.memref_squeeze %dma_wait3A_191 : memref<1x256x64xf32, #tpu.memory_space<hbm>> -> memref<256x64xf32, #tpu.memory_space<hbm>>
        %dma_wait3A_193 = arith.constant 0 : i32
        %dma_wait3A_194 = arith.constant 0 : i32
        %dma_wait3A_195 = tpu.memref_slice %arg2[%add3A, %dma_wait3A_193, %dma_wait3A_194] : memref<16x256x64xf32, #tpu.memory_space<hbm>> -> memref<1x256x64xf32, #tpu.memory_space<hbm>>
        %dma_wait3A_196 = tpu.memref_squeeze %dma_wait3A_195 : memref<1x256x64xf32, #tpu.memory_space<hbm>> -> memref<256x64xf32, #tpu.memory_space<hbm>>
        tpu.wait_dma2 semaphore(%run_scoped3A : memref<!tpu.dma_semaphore, #tpu.memory_space<semaphore_mem>>) src(%dma_wait3A_196 : memref<256x64xf32, #tpu.memory_space<hbm>>) dst(%arg5 : memref<256x64xf32, #tpu.memory_space<vmem>>)
        tpu.yield
      }) : () -> ()
      "tpu.region"() ({
        %run_scoped3A = tpu.sem_alloc : memref<!tpu.dma_semaphore, #tpu.memory_space<semaphore_mem>>
        tpu.enqueue_dma source(%arg3 : memref<16xi32, #tpu.memory_space<hbm>>) target(%arg6 : memref<16xi32, #tpu.memory_space<vmem>>) target_semaphore(%run_scoped3A : memref<!tpu.dma_semaphore, #tpu.memory_space<semaphore_mem>>)
        tpu.wait_dma2 semaphore(%run_scoped3A : memref<!tpu.dma_semaphore, #tpu.memory_space<semaphore_mem>>) src(%arg3 : memref<16xi32, #tpu.memory_space<hbm>>) dst(%arg6 : memref<16xi32, #tpu.memory_space<vmem>>)
        tpu.yield
      }) : () -> ()
      %iota3A = tpu.iota {dimensions = array<i32: 0>} : vector<16xi32>
      %broadcast_in_dim3A = arith.constant 0 : i32
      %broadcast_in_dim3A_3 = vector.broadcast %broadcast_in_dim3A : i32 to vector<16xi32>
      %add3A_4 = vector.broadcast %add3A : i32 to vector<16xi32>
      %add3A_5 = arith.addi %broadcast_in_dim3A_3, %add3A_4 : vector<16xi32>
      %gather3A = tpu.vector_load_idx %arg6[%add3A_5] : memref<16xi32, #tpu.memory_space<vmem>>[vector<16xi32>], vector<16xi32>,
      %slice3A = vector.extract_strided_slice %gather3A {offsets = [0], sizes = [1], strides = [1]} : vector<16xi32> to vector<1xi32>
      %squeeze3A = vector.extract %slice3A[0] : i32 from vector<1xi32>
      %broadcast_in_dim3A_6 = arith.constant -1.000000e+30 : f32
      %broadcast_in_dim3A_7 = vector.broadcast %broadcast_in_dim3A_6 : f32 to vector<16xf32>
      %eq3A = arith.constant 0 : i32
      %eq3A_8 = vector.broadcast %eq3A : i32 to vector<16xi32>
      %eq3A_9 = arith.cmpi eq, %iota3A, %eq3A_8 : vector<16xi32>
      %jit3A = arith.constant 0.000000e+00 : f32
      %jit3A_10 = arith.constant -1.000000e+30 : f32
      %broadcast_in_dim3A_11 = vector.broadcast %jit3A : f32 to vector<16xf32>
      %broadcast_in_dim3A_12 = vector.broadcast %jit3A_10 : f32 to vector<16xf32>
      %select_n3A = arith.select %eq3A_9, %broadcast_in_dim3A_11, %broadcast_in_dim3A_12 : vector<16xi1>, vector<16xf32>
      %broadcast_in_dim3A_13 = arith.constant -1 : i32
      %broadcast_in_dim3A_14 = vector.broadcast %broadcast_in_dim3A_13 : i32 to vector<16xi32>
      %broadcast_in_dim3A_15 = arith.constant 0 : i32
      %broadcast_in_dim3A_16 = vector.broadcast %broadcast_in_dim3A_15 : i32 to vector<16xi32>
      %while3A = arith.constant 0 : i32
      %while3A_17 = arith.subi %squeeze3A, %while3A : i32
      %while3A_18 = arith.addi %while3A, %while3A_17 : i32
      %while3A_19 = arith.constant 1 : i32
      %while3A_20 = arith.divsi %while3A_17, %while3A_19 : i32
      %while3A_21 = arith.muli %while3A_20, %while3A_19 : i32
      %while3A_22 = arith.addi %while3A, %while3A_21 : i32
      %while3A_23 = arith.constant 1 : i32
      %while3A_24:4 = scf.for %while3A_183 = %while3A to %while3A_22 step %while3A_23 iter_args(%while3A_184 = %select_n3A, %while3A_185 = %broadcast_in_dim3A_7, %while3A_186 = %broadcast_in_dim3A_14, %while3A_187 = %broadcast_in_dim3A_16) -> (vector<16xf32>, vector<16xf32>, vector<16xi32>, vector<16xi32>)  : i32 {
        %max3A_188 = arith.maximumf %while3A_184, %while3A_185 : vector<16xf32>
        %sub3A_189 = arith.subf %while3A_184, %while3A_185 : vector<16xf32>
        %abs3A_190 = math.absf %sub3A_189 : vector<16xf32>
        %neg3A_191 = arith.constant 0.000000e+00 : f32
        %neg3A_192 = vector.broadcast %neg3A_191 : f32 to vector<16xf32>
        %neg3A_193 = arith.subf %neg3A_192, %abs3A_190 : vector<16xf32>
        %exp3A_194 = math.exp %neg3A_193 : vector<16xf32>
        %add3A_195 = arith.constant 2.000000e+00 : f32
        %add3A_196 = vector.broadcast %add3A_195 : f32 to vector<16xf32>
        %add3A_197 = arith.addf %exp3A_194, %add3A_196 : vector<16xf32>
        %div3A_198 = arith.divf %exp3A_194, %add3A_197 : vector<16xf32>
        %mul3A_199 = arith.mulf %div3A_198, %div3A_198 : vector<16xf32>
        %broadcast_in_dim3A_200 = arith.constant 0.0666666701 : f32
        %broadcast_in_dim3A_201 = vector.broadcast %broadcast_in_dim3A_200 : f32 to vector<16xf32>
        %mul3A_202 = arith.mulf %broadcast_in_dim3A_201, %mul3A_199 : vector<16xf32>
        %add3A_203 = arith.constant 0.0769230798 : f32
        %add3A_204 = vector.broadcast %add3A_203 : f32 to vector<16xf32>
        %add3A_205 = arith.addf %mul3A_202, %add3A_204 : vector<16xf32>
        %mul3A_206 = arith.mulf %add3A_205, %mul3A_199 : vector<16xf32>
        %add3A_207 = arith.constant 0.0909090936 : f32
        %add3A_208 = vector.broadcast %add3A_207 : f32 to vector<16xf32>
        %add3A_209 = arith.addf %mul3A_206, %add3A_208 : vector<16xf32>
        %mul3A_210 = arith.mulf %add3A_209, %mul3A_199 : vector<16xf32>
        %add3A_211 = arith.constant 0.111111112 : f32
        %add3A_212 = vector.broadcast %add3A_211 : f32 to vector<16xf32>
        %add3A_213 = arith.addf %mul3A_210, %add3A_212 : vector<16xf32>
        %mul3A_214 = arith.mulf %add3A_213, %mul3A_199 : vector<16xf32>
        %add3A_215 = arith.constant 0.142857149 : f32
        %add3A_216 = vector.broadcast %add3A_215 : f32 to vector<16xf32>
        %add3A_217 = arith.addf %mul3A_214, %add3A_216 : vector<16xf32>
        %mul3A_218 = arith.mulf %add3A_217, %mul3A_199 : vector<16xf32>
        %add3A_219 = arith.constant 2.000000e-01 : f32
        %add3A_220 = vector.broadcast %add3A_219 : f32 to vector<16xf32>
        %add3A_221 = arith.addf %mul3A_218, %add3A_220 : vector<16xf32>
        %mul3A_222 = arith.mulf %add3A_221, %mul3A_199 : vector<16xf32>
        %add3A_223 = arith.constant 0.333333343 : f32
        %add3A_224 = vector.broadcast %add3A_223 : f32 to vector<16xf32>
        %add3A_225 = arith.addf %mul3A_222, %add3A_224 : vector<16xf32>
        %mul3A_226 = arith.mulf %add3A_225, %mul3A_199 : vector<16xf32>
        %add3A_227 = arith.constant 1.000000e+00 : f32
        %add3A_228 = vector.broadcast %add3A_227 : f32 to vector<16xf32>
        %add3A_229 = arith.addf %mul3A_226, %add3A_228 : vector<16xf32>
        %mul3A_230 = arith.constant 2.000000e+00 : f32
        %mul3A_231 = vector.broadcast %mul3A_230 : f32 to vector<16xf32>
        %mul3A_232 = arith.mulf %mul3A_231, %div3A_198 : vector<16xf32>
        %mul3A_233 = arith.mulf %mul3A_232, %add3A_229 : vector<16xf32>
        %add3A_234 = arith.addf %max3A_188, %mul3A_233 : vector<16xf32>
        %broadcast_in_dim3A_235 = arith.constant 0 : i32
        %broadcast_in_dim3A_236 = vector.broadcast %broadcast_in_dim3A_235 : i32 to vector<16xi32>
        %add3A_237 = vector.broadcast %while3A_183 : i32 to vector<16xi32>
        %add3A_238 = arith.addi %broadcast_in_dim3A_236, %add3A_237 : vector<16xi32>
        %broadcast_in_dim3A_239 = arith.constant 0 : i32
        %broadcast_in_dim3A_240 = vector.broadcast %broadcast_in_dim3A_239 : i32 to vector<16xi32>
        %add3A_241 = arith.constant 0 : i32
        %add3A_242 = vector.broadcast %add3A_241 : i32 to vector<16xi32>
        %add3A_243 = arith.addi %broadcast_in_dim3A_240, %add3A_242 : vector<16xi32>
        %gather3A_244 = tpu.vector_load_idx %arg5[%add3A_238, %add3A_243] : memref<256x64xf32, #tpu.memory_space<vmem>>[vector<16xi32>, vector<16xi32>], vector<16xf32>,
        %max3A_245 = arith.constant 0 : i32
        %max3A_246 = vector.broadcast %max3A_245 : i32 to vector<16xi32>
        %max3A_247 = arith.maxsi %while3A_186, %max3A_246 : vector<16xi32>
        %broadcast_in_dim3A_248 = arith.constant 0 : i32
        %broadcast_in_dim3A_249 = vector.broadcast %broadcast_in_dim3A_248 : i32 to vector<16xi32>
        %add3A_250 = vector.broadcast %while3A_183 : i32 to vector<16xi32>
        %add3A_251 = arith.addi %broadcast_in_dim3A_249, %add3A_250 : vector<16xi32>
        %gather3A_252 = tpu.vector_load_idx %arg5[%add3A_251, %max3A_247] : memref<256x64xf32, #tpu.memory_space<vmem>>[vector<16xi32>, vector<16xi32>], vector<16xf32>,
        %add3A_253 = arith.addf %add3A_234, %gather3A_244 : vector<16xf32>
        %ge3A = arith.constant 0 : i32
        %ge3A_254 = vector.broadcast %ge3A : i32 to vector<16xi32>
        %ge3A_255 = arith.cmpi sge, %while3A_186, %ge3A_254 : vector<16xi32>
        %add3A_256 = arith.addf %while3A_185, %gather3A_252 : vector<16xf32>
        %jit3A_257 = arith.constant -1.000000e+30 : f32
        %broadcast_in_dim3A_258 = vector.broadcast %jit3A_257 : f32 to vector<16xf32>
        %select_n3A_259 = arith.select %ge3A_255, %add3A_256, %broadcast_in_dim3A_258 : vector<16xi1>, vector<16xf32>
        %max3A_260 = arith.maximumf %add3A_253, %select_n3A_259 : vector<16xf32>
        %sub3A_261 = arith.subf %add3A_253, %select_n3A_259 : vector<16xf32>
        %abs3A_262 = math.absf %sub3A_261 : vector<16xf32>
        %neg3A_263 = arith.constant 0.000000e+00 : f32
        %neg3A_264 = vector.broadcast %neg3A_263 : f32 to vector<16xf32>
        %neg3A_265 = arith.subf %neg3A_264, %abs3A_262 : vector<16xf32>
        %exp3A_266 = math.exp %neg3A_265 : vector<16xf32>
        %add3A_267 = arith.constant 2.000000e+00 : f32
        %add3A_268 = vector.broadcast %add3A_267 : f32 to vector<16xf32>
        %add3A_269 = arith.addf %exp3A_266, %add3A_268 : vector<16xf32>
        %div3A_270 = arith.divf %exp3A_266, %add3A_269 : vector<16xf32>
        %mul3A_271 = arith.mulf %div3A_270, %div3A_270 : vector<16xf32>
        %broadcast_in_dim3A_272 = arith.constant 0.0666666701 : f32
        %broadcast_in_dim3A_273 = vector.broadcast %broadcast_in_dim3A_272 : f32 to vector<16xf32>
        %mul3A_274 = arith.mulf %broadcast_in_dim3A_273, %mul3A_271 : vector<16xf32>
        %add3A_275 = arith.constant 0.0769230798 : f32
        %add3A_276 = vector.broadcast %add3A_275 : f32 to vector<16xf32>
        %add3A_277 = arith.addf %mul3A_274, %add3A_276 : vector<16xf32>
        %mul3A_278 = arith.mulf %add3A_277, %mul3A_271 : vector<16xf32>
        %add3A_279 = arith.constant 0.0909090936 : f32
        %add3A_280 = vector.broadcast %add3A_279 : f32 to vector<16xf32>
        %add3A_281 = arith.addf %mul3A_278, %add3A_280 : vector<16xf32>
        %mul3A_282 = arith.mulf %add3A_281, %mul3A_271 : vector<16xf32>
        %add3A_283 = arith.constant 0.111111112 : f32
        %add3A_284 = vector.broadcast %add3A_283 : f32 to vector<16xf32>
        %add3A_285 = arith.addf %mul3A_282, %add3A_284 : vector<16xf32>
        %mul3A_286 = arith.mulf %add3A_285, %mul3A_271 : vector<16xf32>
        %add3A_287 = arith.constant 0.142857149 : f32
        %add3A_288 = vector.broadcast %add3A_287 : f32 to vector<16xf32>
        %add3A_289 = arith.addf %mul3A_286, %add3A_288 : vector<16xf32>
        %mul3A_290 = arith.mulf %add3A_289, %mul3A_271 : vector<16xf32>
        %add3A_291 = arith.constant 2.000000e-01 : f32
        %add3A_292 = vector.broadcast %add3A_291 : f32 to vector<16xf32>
        %add3A_293 = arith.addf %mul3A_290, %add3A_292 : vector<16xf32>
        %mul3A_294 = arith.mulf %add3A_293, %mul3A_271 : vector<16xf32>
        %add3A_295 = arith.constant 0.333333343 : f32
        %add3A_296 = vector.broadcast %add3A_295 : f32 to vector<16xf32>
        %add3A_297 = arith.addf %mul3A_294, %add3A_296 : vector<16xf32>
        %mul3A_298 = arith.mulf %add3A_297, %mul3A_271 : vector<16xf32>
        %add3A_299 = arith.constant 1.000000e+00 : f32
        %add3A_300 = vector.broadcast %add3A_299 : f32 to vector<16xf32>
        %add3A_301 = arith.addf %mul3A_298, %add3A_300 : vector<16xf32>
        %mul3A_302 = arith.constant 2.000000e+00 : f32
        %mul3A_303 = vector.broadcast %mul3A_302 : f32 to vector<16xf32>
        %mul3A_304 = arith.mulf %mul3A_303, %div3A_270 : vector<16xf32>
        %mul3A_305 = arith.mulf %mul3A_304, %add3A_301 : vector<16xf32>
        %add3A_306 = arith.addf %max3A_260, %mul3A_305 : vector<16xf32>
        %add3A_307 = arith.constant 0 : i32
        %add3A_308 = vector.broadcast %add3A_307 : i32 to vector<16xi32>
        %add3A_309 = arith.addi %iota3A, %add3A_308 : vector<16xi32>
        %broadcast_in_dim3A_310 = arith.constant 0 : i32
        %broadcast_in_dim3A_311 = vector.broadcast %broadcast_in_dim3A_310 : i32 to vector<16xi32>
        %add3A_312 = vector.broadcast %while3A_183 : i32 to vector<16xi32>
        %add3A_313 = arith.addi %broadcast_in_dim3A_311, %add3A_312 : vector<16xi32>
        %gather3A_314 = tpu.vector_load_idx %arg5[%add3A_313, %add3A_309] : memref<256x64xf32, #tpu.memory_space<vmem>>[vector<16xi32>, vector<16xi32>], vector<16xf32>,
        %eq3A_315 = arith.constant 0 : i32
        %eq3A_316 = vector.broadcast %eq3A_315 : i32 to vector<16xi32>
        %eq3A_317 = arith.cmpi eq, %iota3A, %eq3A_316 : vector<16xi32>
        %jit3A_318 = arith.constant -1.000000e+30 : f32
        %broadcast_in_dim3A_319 = vector.broadcast %jit3A_318 : f32 to vector<16xf32>
        %select_n3A_320 = arith.select %eq3A_317, %broadcast_in_dim3A_319, %gather3A_314 : vector<16xi1>, vector<16xf32>
        %masked_sort3A_321 = arith.constant dense<true> : vector<16xi1>
        %masked_sort3A_322, %masked_sort3A_323, %masked_sort3A_324 = tpu.sort %select_n3A_320, %add3A_309 masked %masked_sort3A_321 {descending = true} : (vector<16xf32>, vector<16xi32>, vector<16xi1>) -> (vector<16xi1>, vector<16xf32>, vector<16xi32>)
        %add3A_325 = arith.constant 16 : i32
        %add3A_326 = vector.broadcast %add3A_325 : i32 to vector<16xi32>
        %add3A_327 = arith.addi %iota3A, %add3A_326 : vector<16xi32>
        %broadcast_in_dim3A_328 = arith.constant 0 : i32
        %broadcast_in_dim3A_329 = vector.broadcast %broadcast_in_dim3A_328 : i32 to vector<16xi32>
        %add3A_330 = vector.broadcast %while3A_183 : i32 to vector<16xi32>
        %add3A_331 = arith.addi %broadcast_in_dim3A_329, %add3A_330 : vector<16xi32>
        %gather3A_332 = tpu.vector_load_idx %arg5[%add3A_331, %add3A_327] : memref<256x64xf32, #tpu.memory_space<vmem>>[vector<16xi32>, vector<16xi32>], vector<16xf32>,
        %masked_sort3A_333 = arith.constant dense<true> : vector<16xi1>
        %masked_sort3A_334, %masked_sort3A_335, %masked_sort3A_336 = tpu.sort %gather3A_332, %add3A_327 masked %masked_sort3A_333 {descending = true} : (vector<16xf32>, vector<16xi32>, vector<16xi1>) -> (vector<16xi1>, vector<16xf32>, vector<16xi32>)
        %add3A_337 = arith.constant 32 : i32
        %add3A_338 = vector.broadcast %add3A_337 : i32 to vector<16xi32>
        %add3A_339 = arith.addi %iota3A, %add3A_338 : vector<16xi32>
        %broadcast_in_dim3A_340 = arith.constant 0 : i32
        %broadcast_in_dim3A_341 = vector.broadcast %broadcast_in_dim3A_340 : i32 to vector<16xi32>
        %add3A_342 = vector.broadcast %while3A_183 : i32 to vector<16xi32>
        %add3A_343 = arith.addi %broadcast_in_dim3A_341, %add3A_342 : vector<16xi32>
        %gather3A_344 = tpu.vector_load_idx %arg5[%add3A_343, %add3A_339] : memref<256x64xf32, #tpu.memory_space<vmem>>[vector<16xi32>, vector<16xi32>], vector<16xf32>,
        %masked_sort3A_345 = arith.constant dense<true> : vector<16xi1>
        %masked_sort3A_346, %masked_sort3A_347, %masked_sort3A_348 = tpu.sort %gather3A_344, %add3A_339 masked %masked_sort3A_345 {descending = true} : (vector<16xf32>, vector<16xi32>, vector<16xi1>) -> (vector<16xi1>, vector<16xf32>, vector<16xi32>)
        %add3A_349 = arith.constant 48 : i32
        %add3A_350 = vector.broadcast %add3A_349 : i32 to vector<16xi32>
        %add3A_351 = arith.addi %iota3A, %add3A_350 : vector<16xi32>
        %broadcast_in_dim3A_352 = arith.constant 0 : i32
        %broadcast_in_dim3A_353 = vector.broadcast %broadcast_in_dim3A_352 : i32 to vector<16xi32>
        %add3A_354 = vector.broadcast %while3A_183 : i32 to vector<16xi32>
        %add3A_355 = arith.addi %broadcast_in_dim3A_353, %add3A_354 : vector<16xi32>
        %gather3A_356 = tpu.vector_load_idx %arg5[%add3A_355, %add3A_351] : memref<256x64xf32, #tpu.memory_space<vmem>>[vector<16xi32>, vector<16xi32>], vector<16xf32>,
        %masked_sort3A_357 = arith.constant dense<true> : vector<16xi1>
        %masked_sort3A_358, %masked_sort3A_359, %masked_sort3A_360 = tpu.sort %gather3A_356, %add3A_351 masked %masked_sort3A_357 {descending = true} : (vector<16xf32>, vector<16xi32>, vector<16xi1>) -> (vector<16xi1>, vector<16xf32>, vector<16xi32>)
        %rev3A = arith.constant 15 : i32
        %rev3A_361 = vector.broadcast %rev3A : i32 to vector<16xi32>
        %rev3A_362 = tpu.iota {dimensions = array<i32: 0>} : vector<16xi32>
        %rev3A_363 = arith.subi %rev3A_361, %rev3A_362 : vector<16xi32>
        %rev3A_364 = tpu.dynamic_gather %masked_sort3A_335[%rev3A_363] in [0] : vector<16xf32>, vector<16xi32> -> vector<16xf32>
        %rev3A_365 = arith.constant 15 : i32
        %rev3A_366 = vector.broadcast %rev3A_365 : i32 to vector<16xi32>
        %rev3A_367 = tpu.iota {dimensions = array<i32: 0>} : vector<16xi32>
        %rev3A_368 = arith.subi %rev3A_366, %rev3A_367 : vector<16xi32>
        %rev3A_369 = tpu.dynamic_gather %masked_sort3A_336[%rev3A_368] in [0] : vector<16xi32>, vector<16xi32> -> vector<16xi32>
        %ge3A_370 = arith.cmpf oge, %masked_sort3A_323, %rev3A_364 : vector<16xf32>
        %select_n3A_371 = arith.select %ge3A_370, %masked_sort3A_323, %rev3A_364 : vector<16xi1>, vector<16xf32>
        %select_n3A_372 = arith.select %ge3A_370, %masked_sort3A_324, %rev3A_369 : vector<16xi1>, vector<16xi32>
        %select_n3A_373 = arith.select %ge3A_370, %rev3A_364, %masked_sort3A_323 : vector<16xi1>, vector<16xf32>
        %select_n3A_374 = arith.select %ge3A_370, %rev3A_369, %masked_sort3A_324 : vector<16xi1>, vector<16xi32>
        %masked_sort3A_375 = arith.constant dense<true> : vector<16xi1>
        %masked_sort3A_376, %masked_sort3A_377, %masked_sort3A_378 = tpu.sort %select_n3A_371, %select_n3A_372 masked %masked_sort3A_375 {descending = true} : (vector<16xf32>, vector<16xi32>, vector<16xi1>) -> (vector<16xi1>, vector<16xf32>, vector<16xi32>)
        %rev3A_379 = arith.constant 15 : i32
        %rev3A_380 = vector.broadcast %rev3A_379 : i32 to vector<16xi32>
        %rev3A_381 = tpu.iota {dimensions = array<i32: 0>} : vector<16xi32>
        %rev3A_382 = arith.subi %rev3A_380, %rev3A_381 : vector<16xi32>
        %rev3A_383 = tpu.dynamic_gather %masked_sort3A_359[%rev3A_382] in [0] : vector<16xf32>, vector<16xi32> -> vector<16xf32>
        %rev3A_384 = arith.constant 15 : i32
        %rev3A_385 = vector.broadcast %rev3A_384 : i32 to vector<16xi32>
        %rev3A_386 = tpu.iota {dimensions = array<i32: 0>} : vector<16xi32>
        %rev3A_387 = arith.subi %rev3A_385, %rev3A_386 : vector<16xi32>
        %rev3A_388 = tpu.dynamic_gather %masked_sort3A_360[%rev3A_387] in [0] : vector<16xi32>, vector<16xi32> -> vector<16xi32>
        %ge3A_389 = arith.cmpf oge, %masked_sort3A_347, %rev3A_383 : vector<16xf32>
        %select_n3A_390 = arith.select %ge3A_389, %masked_sort3A_347, %rev3A_383 : vector<16xi1>, vector<16xf32>
        %select_n3A_391 = arith.select %ge3A_389, %masked_sort3A_348, %rev3A_388 : vector<16xi1>, vector<16xi32>
        %select_n3A_392 = arith.select %ge3A_389, %rev3A_383, %masked_sort3A_347 : vector<16xi1>, vector<16xf32>
        %select_n3A_393 = arith.select %ge3A_389, %rev3A_388, %masked_sort3A_348 : vector<16xi1>, vector<16xi32>
        %masked_sort3A_394 = arith.constant dense<true> : vector<16xi1>
        %masked_sort3A_395, %masked_sort3A_396, %masked_sort3A_397 = tpu.sort %select_n3A_390, %select_n3A_391 masked %masked_sort3A_394 {descending = true} : (vector<16xf32>, vector<16xi32>, vector<16xi1>) -> (vector<16xi1>, vector<16xf32>, vector<16xi32>)
        %rev3A_398 = arith.constant 15 : i32
        %rev3A_399 = vector.broadcast %rev3A_398 : i32 to vector<16xi32>
        %rev3A_400 = tpu.iota {dimensions = array<i32: 0>} : vector<16xi32>
        %rev3A_401 = arith.subi %rev3A_399, %rev3A_400 : vector<16xi32>
        %rev3A_402 = tpu.dynamic_gather %masked_sort3A_396[%rev3A_401] in [0] : vector<16xf32>, vector<16xi32> -> vector<16xf32>
        %rev3A_403 = arith.constant 15 : i32
        %rev3A_404 = vector.broadcast %rev3A_403 : i32 to vector<16xi32>
        %rev3A_405 = tpu.iota {dimensions = array<i32: 0>} : vector<16xi32>
        %rev3A_406 = arith.subi %rev3A_404, %rev3A_405 : vector<16xi32>
        %rev3A_407 = tpu.dynamic_gather %masked_sort3A_397[%rev3A_406] in [0] : vector<16xi32>, vector<16xi32> -> vector<16xi32>
        %ge3A_408 = arith.cmpf oge, %masked_sort3A_377, %rev3A_402 : vector<16xf32>
        %select_n3A_409 = arith.select %ge3A_408, %masked_sort3A_377, %rev3A_402 : vector<16xi1>, vector<16xf32>
        %select_n3A_410 = arith.select %ge3A_408, %masked_sort3A_378, %rev3A_407 : vector<16xi1>, vector<16xi32>
        %select_n3A_411 = arith.select %ge3A_408, %rev3A_402, %masked_sort3A_377 : vector<16xi1>, vector<16xf32>
        %select_n3A_412 = arith.select %ge3A_408, %rev3A_407, %masked_sort3A_378 : vector<16xi1>, vector<16xi32>
        %masked_sort3A_413 = arith.constant dense<true> : vector<16xi1>
        %masked_sort3A_414, %masked_sort3A_415, %masked_sort3A_416 = tpu.sort %select_n3A_409, %select_n3A_410 masked %masked_sort3A_413 {descending = true} : (vector<16xf32>, vector<16xi32>, vector<16xi1>) -> (vector<16xi1>, vector<16xf32>, vector<16xi32>)
        %ge3A_417 = arith.cmpf oge, %select_n3A_373, %select_n3A_392 : vector<16xf32>
        %select_n3A_418 = arith.select %ge3A_417, %select_n3A_373, %select_n3A_392 : vector<16xi1>, vector<16xf32>
        %select_n3A_419 = arith.select %ge3A_417, %select_n3A_374, %select_n3A_393 : vector<16xi1>, vector<16xi32>
        %ge3A_420 = arith.cmpf oge, %select_n3A_418, %select_n3A_411 : vector<16xf32>
        %select_n3A_421 = arith.select %ge3A_420, %select_n3A_418, %select_n3A_411 : vector<16xi1>, vector<16xf32>
        %select_n3A_422 = arith.select %ge3A_420, %select_n3A_419, %select_n3A_412 : vector<16xi1>, vector<16xi32>
        %masked_sort3A_423 = arith.constant dense<true> : vector<16xi1>
        %masked_sort3A_424, %masked_sort3A_425, %masked_sort3A_426 = tpu.sort %select_n3A_421, %select_n3A_422 masked %masked_sort3A_423 {descending = true} : (vector<16xf32>, vector<16xi32>, vector<16xi1>) -> (vector<16xi1>, vector<16xf32>, vector<16xi32>)
        %mul3A_427 = arith.constant 64 : i32
        %mul3A_428 = vector.broadcast %mul3A_427 : i32 to vector<16xi32>
        %mul3A_429 = arith.muli %iota3A, %mul3A_428 : vector<16xi32>
        %broadcast_in_dim3A_430 = arith.constant 0 : i32
        %broadcast_in_dim3A_431 = vector.broadcast %broadcast_in_dim3A_430 : i32 to vector<16xi32>
        %add3A_432 = arith.constant 0 : i32
        %add3A_433 = vector.broadcast %add3A_432 : i32 to vector<16xi32>
        %add3A_434 = arith.addi %broadcast_in_dim3A_431, %add3A_433 : vector<16xi32>
        %lt3A_435 = arith.constant 0 : i32
        %lt3A_436 = vector.broadcast %lt3A_435 : i32 to vector<16xi32>
        %lt3A_437 = arith.cmpi slt, %add3A_434, %lt3A_436 : vector<16xi32>
        %add3A_438 = arith.constant 16 : i32
        %add3A_439 = vector.broadcast %add3A_438 : i32 to vector<16xi32>
        %add3A_440 = arith.addi %add3A_434, %add3A_439 : vector<16xi32>
        %select_n3A_441 = arith.select %lt3A_437, %add3A_440, %add3A_434 : vector<16xi1>, vector<16xi32>
        %broadcast_in_dim3A_442 = vector.shape_cast %select_n3A_441 : vector<16xi32> to vector<16x1xi32>
        %gather3A_443 = vector.shape_cast %broadcast_in_dim3A_442 : vector<16x1xi32> to vector<16xi32>
        %gather3A_444 = tpu.dynamic_gather %masked_sort3A_416[%gather3A_443] in [0] : vector<16xi32>, vector<16xi32> -> vector<16xi32>
        %broadcast_in_dim3A_445 = arith.constant 0 : i32
        %broadcast_in_dim3A_446 = vector.broadcast %broadcast_in_dim3A_445 : i32 to vector<16xi32>
        %add3A_447 = arith.constant 0 : i32
        %add3A_448 = vector.broadcast %add3A_447 : i32 to vector<16xi32>
        %add3A_449 = arith.addi %broadcast_in_dim3A_446, %add3A_448 : vector<16xi32>
        %lt3A_450 = arith.constant 0 : i32
        %lt3A_451 = vector.broadcast %lt3A_450 : i32 to vector<16xi32>
        %lt3A_452 = arith.cmpi slt, %add3A_449, %lt3A_451 : vector<16xi32>
        %add3A_453 = arith.constant 16 : i32
        %add3A_454 = vector.broadcast %add3A_453 : i32 to vector<16xi32>
        %add3A_455 = arith.addi %add3A_449, %add3A_454 : vector<16xi32>
        %select_n3A_456 = arith.select %lt3A_452, %add3A_455, %add3A_449 : vector<16xi1>, vector<16xi32>
        %broadcast_in_dim3A_457 = vector.shape_cast %select_n3A_456 : vector<16xi32> to vector<16x1xi32>
        %gather3A_458 = vector.shape_cast %broadcast_in_dim3A_457 : vector<16x1xi32> to vector<16xi32>
        %gather3A_459 = tpu.dynamic_gather %masked_sort3A_415[%gather3A_458] in [0] : vector<16xf32>, vector<16xi32> -> vector<16xf32>
        %eq3A_460 = arith.cmpi eq, %while3A_186, %gather3A_444 : vector<16xi32>
        %select_n3A_461 = arith.select %eq3A_460, %while3A_184, %add3A_234 : vector<16xi1>, vector<16xf32>
        %add3A_462 = arith.addf %select_n3A_461, %gather3A_459 : vector<16xf32>
        %mul3A_463 = arith.constant 64 : i32
        %mul3A_464 = vector.broadcast %mul3A_463 : i32 to vector<16xi32>
        %mul3A_465 = arith.muli %iota3A, %mul3A_464 : vector<16xi32>
        %add3A_466 = arith.addi %mul3A_465, %gather3A_444 : vector<16xi32>
        %broadcast_in_dim3A_467 = arith.constant 0 : i32
        %broadcast_in_dim3A_468 = vector.broadcast %broadcast_in_dim3A_467 : i32 to vector<16xi32>
        %add3A_469 = arith.constant 1 : i32
        %add3A_470 = vector.broadcast %add3A_469 : i32 to vector<16xi32>
        %add3A_471 = arith.addi %broadcast_in_dim3A_468, %add3A_470 : vector<16xi32>
        %lt3A_472 = arith.constant 0 : i32
        %lt3A_473 = vector.broadcast %lt3A_472 : i32 to vector<16xi32>
        %lt3A_474 = arith.cmpi slt, %add3A_471, %lt3A_473 : vector<16xi32>
        %add3A_475 = arith.constant 16 : i32
        %add3A_476 = vector.broadcast %add3A_475 : i32 to vector<16xi32>
        %add3A_477 = arith.addi %add3A_471, %add3A_476 : vector<16xi32>
        %select_n3A_478 = arith.select %lt3A_474, %add3A_477, %add3A_471 : vector<16xi1>, vector<16xi32>
        %broadcast_in_dim3A_479 = vector.shape_cast %select_n3A_478 : vector<16xi32> to vector<16x1xi32>
        %gather3A_480 = vector.shape_cast %broadcast_in_dim3A_479 : vector<16x1xi32> to vector<16xi32>
        %gather3A_481 = tpu.dynamic_gather %masked_sort3A_416[%gather3A_480] in [0] : vector<16xi32>, vector<16xi32> -> vector<16xi32>
        %broadcast_in_dim3A_482 = arith.constant 0 : i32
        %broadcast_in_dim3A_483 = vector.broadcast %broadcast_in_dim3A_482 : i32 to vector<16xi32>
        %add3A_484 = arith.constant 1 : i32
        %add3A_485 = vector.broadcast %add3A_484 : i32 to vector<16xi32>
        %add3A_486 = arith.addi %broadcast_in_dim3A_483, %add3A_485 : vector<16xi32>
        %lt3A_487 = arith.constant 0 : i32
        %lt3A_488 = vector.broadcast %lt3A_487 : i32 to vector<16xi32>
        %lt3A_489 = arith.cmpi slt, %add3A_486, %lt3A_488 : vector<16xi32>
        %add3A_490 = arith.constant 16 : i32
        %add3A_491 = vector.broadcast %add3A_490 : i32 to vector<16xi32>
        %add3A_492 = arith.addi %add3A_486, %add3A_491 : vector<16xi32>
        %select_n3A_493 = arith.select %lt3A_489, %add3A_492, %add3A_486 : vector<16xi1>, vector<16xi32>
        %broadcast_in_dim3A_494 = vector.shape_cast %select_n3A_493 : vector<16xi32> to vector<16x1xi32>
        %gather3A_495 = vector.shape_cast %broadcast_in_dim3A_494 : vector<16x1xi32> to vector<16xi32>
        %gather3A_496 = tpu.dynamic_gather %masked_sort3A_415[%gather3A_495] in [0] : vector<16xf32>, vector<16xi32> -> vector<16xf32>
        %eq3A_497 = arith.cmpi eq, %while3A_186, %gather3A_481 : vector<16xi32>
        %select_n3A_498 = arith.select %eq3A_497, %while3A_184, %add3A_234 : vector<16xi1>, vector<16xf32>
        %add3A_499 = arith.addf %select_n3A_498, %gather3A_496 : vector<16xf32>
        %mul3A_500 = arith.constant 64 : i32
        %mul3A_501 = vector.broadcast %mul3A_500 : i32 to vector<16xi32>
        %mul3A_502 = arith.muli %iota3A, %mul3A_501 : vector<16xi32>
        %add3A_503 = arith.addi %mul3A_502, %gather3A_481 : vector<16xi32>
        %broadcast_in_dim3A_504 = arith.constant 0 : i32
        %broadcast_in_dim3A_505 = vector.broadcast %broadcast_in_dim3A_504 : i32 to vector<16xi32>
        %add3A_506 = arith.constant 2 : i32
        %add3A_507 = vector.broadcast %add3A_506 : i32 to vector<16xi32>
        %add3A_508 = arith.addi %broadcast_in_dim3A_505, %add3A_507 : vector<16xi32>
        %lt3A_509 = arith.constant 0 : i32
        %lt3A_510 = vector.broadcast %lt3A_509 : i32 to vector<16xi32>
        %lt3A_511 = arith.cmpi slt, %add3A_508, %lt3A_510 : vector<16xi32>
        %add3A_512 = arith.constant 16 : i32
        %add3A_513 = vector.broadcast %add3A_512 : i32 to vector<16xi32>
        %add3A_514 = arith.addi %add3A_508, %add3A_513 : vector<16xi32>
        %select_n3A_515 = arith.select %lt3A_511, %add3A_514, %add3A_508 : vector<16xi1>, vector<16xi32>
        %broadcast_in_dim3A_516 = vector.shape_cast %select_n3A_515 : vector<16xi32> to vector<16x1xi32>
        %gather3A_517 = vector.shape_cast %broadcast_in_dim3A_516 : vector<16x1xi32> to vector<16xi32>
        %gather3A_518 = tpu.dynamic_gather %masked_sort3A_416[%gather3A_517] in [0] : vector<16xi32>, vector<16xi32> -> vector<16xi32>
        %broadcast_in_dim3A_519 = arith.constant 0 : i32
        %broadcast_in_dim3A_520 = vector.broadcast %broadcast_in_dim3A_519 : i32 to vector<16xi32>
        %add3A_521 = arith.constant 2 : i32
        %add3A_522 = vector.broadcast %add3A_521 : i32 to vector<16xi32>
        %add3A_523 = arith.addi %broadcast_in_dim3A_520, %add3A_522 : vector<16xi32>
        %lt3A_524 = arith.constant 0 : i32
        %lt3A_525 = vector.broadcast %lt3A_524 : i32 to vector<16xi32>
        %lt3A_526 = arith.cmpi slt, %add3A_523, %lt3A_525 : vector<16xi32>
        %add3A_527 = arith.constant 16 : i32
        %add3A_528 = vector.broadcast %add3A_527 : i32 to vector<16xi32>
        %add3A_529 = arith.addi %add3A_523, %add3A_528 : vector<16xi32>
        %select_n3A_530 = arith.select %lt3A_526, %add3A_529, %add3A_523 : vector<16xi1>, vector<16xi32>
        %broadcast_in_dim3A_531 = vector.shape_cast %select_n3A_530 : vector<16xi32> to vector<16x1xi32>
        %gather3A_532 = vector.shape_cast %broadcast_in_dim3A_531 : vector<16x1xi32> to vector<16xi32>
        %gather3A_533 = tpu.dynamic_gather %masked_sort3A_415[%gather3A_532] in [0] : vector<16xf32>, vector<16xi32> -> vector<16xf32>
        %eq3A_534 = arith.cmpi eq, %while3A_186, %gather3A_518 : vector<16xi32>
        %select_n3A_535 = arith.select %eq3A_534, %while3A_184, %add3A_234 : vector<16xi1>, vector<16xf32>
        %add3A_536 = arith.addf %select_n3A_535, %gather3A_533 : vector<16xf32>
        %mul3A_537 = arith.constant 64 : i32
        %mul3A_538 = vector.broadcast %mul3A_537 : i32 to vector<16xi32>
        %mul3A_539 = arith.muli %iota3A, %mul3A_538 : vector<16xi32>
        %add3A_540 = arith.addi %mul3A_539, %gather3A_518 : vector<16xi32>
        %broadcast_in_dim3A_541 = arith.constant 0 : i32
        %broadcast_in_dim3A_542 = vector.broadcast %broadcast_in_dim3A_541 : i32 to vector<16xi32>
        %add3A_543 = arith.constant 3 : i32
        %add3A_544 = vector.broadcast %add3A_543 : i32 to vector<16xi32>
        %add3A_545 = arith.addi %broadcast_in_dim3A_542, %add3A_544 : vector<16xi32>
        %lt3A_546 = arith.constant 0 : i32
        %lt3A_547 = vector.broadcast %lt3A_546 : i32 to vector<16xi32>
        %lt3A_548 = arith.cmpi slt, %add3A_545, %lt3A_547 : vector<16xi32>
        %add3A_549 = arith.constant 16 : i32
        %add3A_550 = vector.broadcast %add3A_549 : i32 to vector<16xi32>
        %add3A_551 = arith.addi %add3A_545, %add3A_550 : vector<16xi32>
        %select_n3A_552 = arith.select %lt3A_548, %add3A_551, %add3A_545 : vector<16xi1>, vector<16xi32>
        %broadcast_in_dim3A_553 = vector.shape_cast %select_n3A_552 : vector<16xi32> to vector<16x1xi32>
        %gather3A_554 = vector.shape_cast %broadcast_in_dim3A_553 : vector<16x1xi32> to vector<16xi32>
        %gather3A_555 = tpu.dynamic_gather %masked_sort3A_416[%gather3A_554] in [0] : vector<16xi32>, vector<16xi32> -> vector<16xi32>
        %broadcast_in_dim3A_556 = arith.constant 0 : i32
        %broadcast_in_dim3A_557 = vector.broadcast %broadcast_in_dim3A_556 : i32 to vector<16xi32>
        %add3A_558 = arith.constant 3 : i32
        %add3A_559 = vector.broadcast %add3A_558 : i32 to vector<16xi32>
        %add3A_560 = arith.addi %broadcast_in_dim3A_557, %add3A_559 : vector<16xi32>
        %lt3A_561 = arith.constant 0 : i32
        %lt3A_562 = vector.broadcast %lt3A_561 : i32 to vector<16xi32>
        %lt3A_563 = arith.cmpi slt, %add3A_560, %lt3A_562 : vector<16xi32>
        %add3A_564 = arith.constant 16 : i32
        %add3A_565 = vector.broadcast %add3A_564 : i32 to vector<16xi32>
        %add3A_566 = arith.addi %add3A_560, %add3A_565 : vector<16xi32>
        %select_n3A_567 = arith.select %lt3A_563, %add3A_566, %add3A_560 : vector<16xi1>, vector<16xi32>
        %broadcast_in_dim3A_568 = vector.shape_cast %select_n3A_567 : vector<16xi32> to vector<16x1xi32>
        %gather3A_569 = vector.shape_cast %broadcast_in_dim3A_568 : vector<16x1xi32> to vector<16xi32>
        %gather3A_570 = tpu.dynamic_gather %masked_sort3A_415[%gather3A_569] in [0] : vector<16xf32>, vector<16xi32> -> vector<16xf32>
        %eq3A_571 = arith.cmpi eq, %while3A_186, %gather3A_555 : vector<16xi32>
        %select_n3A_572 = arith.select %eq3A_571, %while3A_184, %add3A_234 : vector<16xi1>, vector<16xf32>
        %add3A_573 = arith.addf %select_n3A_572, %gather3A_570 : vector<16xf32>
        %mul3A_574 = arith.constant 64 : i32
        %mul3A_575 = vector.broadcast %mul3A_574 : i32 to vector<16xi32>
        %mul3A_576 = arith.muli %iota3A, %mul3A_575 : vector<16xi32>
        %add3A_577 = arith.addi %mul3A_576, %gather3A_555 : vector<16xi32>
        %broadcast_in_dim3A_578 = arith.constant 0 : i32
        %broadcast_in_dim3A_579 = vector.broadcast %broadcast_in_dim3A_578 : i32 to vector<16xi32>
        %add3A_580 = arith.constant 4 : i32
        %add3A_581 = vector.broadcast %add3A_580 : i32 to vector<16xi32>
        %add3A_582 = arith.addi %broadcast_in_dim3A_579, %add3A_581 : vector<16xi32>
        %lt3A_583 = arith.constant 0 : i32
        %lt3A_584 = vector.broadcast %lt3A_583 : i32 to vector<16xi32>
        %lt3A_585 = arith.cmpi slt, %add3A_582, %lt3A_584 : vector<16xi32>
        %add3A_586 = arith.constant 16 : i32
        %add3A_587 = vector.broadcast %add3A_586 : i32 to vector<16xi32>
        %add3A_588 = arith.addi %add3A_582, %add3A_587 : vector<16xi32>
        %select_n3A_589 = arith.select %lt3A_585, %add3A_588, %add3A_582 : vector<16xi1>, vector<16xi32>
        %broadcast_in_dim3A_590 = vector.shape_cast %select_n3A_589 : vector<16xi32> to vector<16x1xi32>
        %gather3A_591 = vector.shape_cast %broadcast_in_dim3A_590 : vector<16x1xi32> to vector<16xi32>
        %gather3A_592 = tpu.dynamic_gather %masked_sort3A_416[%gather3A_591] in [0] : vector<16xi32>, vector<16xi32> -> vector<16xi32>
        %broadcast_in_dim3A_593 = arith.constant 0 : i32
        %broadcast_in_dim3A_594 = vector.broadcast %broadcast_in_dim3A_593 : i32 to vector<16xi32>
        %add3A_595 = arith.constant 4 : i32
        %add3A_596 = vector.broadcast %add3A_595 : i32 to vector<16xi32>
        %add3A_597 = arith.addi %broadcast_in_dim3A_594, %add3A_596 : vector<16xi32>
        %lt3A_598 = arith.constant 0 : i32
        %lt3A_599 = vector.broadcast %lt3A_598 : i32 to vector<16xi32>
        %lt3A_600 = arith.cmpi slt, %add3A_597, %lt3A_599 : vector<16xi32>
        %add3A_601 = arith.constant 16 : i32
        %add3A_602 = vector.broadcast %add3A_601 : i32 to vector<16xi32>
        %add3A_603 = arith.addi %add3A_597, %add3A_602 : vector<16xi32>
        %select_n3A_604 = arith.select %lt3A_600, %add3A_603, %add3A_597 : vector<16xi1>, vector<16xi32>
        %broadcast_in_dim3A_605 = vector.shape_cast %select_n3A_604 : vector<16xi32> to vector<16x1xi32>
        %gather3A_606 = vector.shape_cast %broadcast_in_dim3A_605 : vector<16x1xi32> to vector<16xi32>
        %gather3A_607 = tpu.dynamic_gather %masked_sort3A_415[%gather3A_606] in [0] : vector<16xf32>, vector<16xi32> -> vector<16xf32>
        %eq3A_608 = arith.cmpi eq, %while3A_186, %gather3A_592 : vector<16xi32>
        %select_n3A_609 = arith.select %eq3A_608, %while3A_184, %add3A_234 : vector<16xi1>, vector<16xf32>
        %add3A_610 = arith.addf %select_n3A_609, %gather3A_607 : vector<16xf32>
        %mul3A_611 = arith.constant 64 : i32
        %mul3A_612 = vector.broadcast %mul3A_611 : i32 to vector<16xi32>
        %mul3A_613 = arith.muli %iota3A, %mul3A_612 : vector<16xi32>
        %add3A_614 = arith.addi %mul3A_613, %gather3A_592 : vector<16xi32>
        %broadcast_in_dim3A_615 = arith.constant 0 : i32
        %broadcast_in_dim3A_616 = vector.broadcast %broadcast_in_dim3A_615 : i32 to vector<16xi32>
        %add3A_617 = arith.constant 5 : i32
        %add3A_618 = vector.broadcast %add3A_617 : i32 to vector<16xi32>
        %add3A_619 = arith.addi %broadcast_in_dim3A_616, %add3A_618 : vector<16xi32>
        %lt3A_620 = arith.constant 0 : i32
        %lt3A_621 = vector.broadcast %lt3A_620 : i32 to vector<16xi32>
        %lt3A_622 = arith.cmpi slt, %add3A_619, %lt3A_621 : vector<16xi32>
        %add3A_623 = arith.constant 16 : i32
        %add3A_624 = vector.broadcast %add3A_623 : i32 to vector<16xi32>
        %add3A_625 = arith.addi %add3A_619, %add3A_624 : vector<16xi32>
        %select_n3A_626 = arith.select %lt3A_622, %add3A_625, %add3A_619 : vector<16xi1>, vector<16xi32>
        %broadcast_in_dim3A_627 = vector.shape_cast %select_n3A_626 : vector<16xi32> to vector<16x1xi32>
        %gather3A_628 = vector.shape_cast %broadcast_in_dim3A_627 : vector<16x1xi32> to vector<16xi32>
        %gather3A_629 = tpu.dynamic_gather %masked_sort3A_416[%gather3A_628] in [0] : vector<16xi32>, vector<16xi32> -> vector<16xi32>
        %broadcast_in_dim3A_630 = arith.constant 0 : i32
        %broadcast_in_dim3A_631 = vector.broadcast %broadcast_in_dim3A_630 : i32 to vector<16xi32>
        %add3A_632 = arith.constant 5 : i32
        %add3A_633 = vector.broadcast %add3A_632 : i32 to vector<16xi32>
        %add3A_634 = arith.addi %broadcast_in_dim3A_631, %add3A_633 : vector<16xi32>
        %lt3A_635 = arith.constant 0 : i32
        %lt3A_636 = vector.broadcast %lt3A_635 : i32 to vector<16xi32>
        %lt3A_637 = arith.cmpi slt, %add3A_634, %lt3A_636 : vector<16xi32>
        %add3A_638 = arith.constant 16 : i32
        %add3A_639 = vector.broadcast %add3A_638 : i32 to vector<16xi32>
        %add3A_640 = arith.addi %add3A_634, %add3A_639 : vector<16xi32>
        %select_n3A_641 = arith.select %lt3A_637, %add3A_640, %add3A_634 : vector<16xi1>, vector<16xi32>
        %broadcast_in_dim3A_642 = vector.shape_cast %select_n3A_641 : vector<16xi32> to vector<16x1xi32>
        %gather3A_643 = vector.shape_cast %broadcast_in_dim3A_642 : vector<16x1xi32> to vector<16xi32>
        %gather3A_644 = tpu.dynamic_gather %masked_sort3A_415[%gather3A_643] in [0] : vector<16xf32>, vector<16xi32> -> vector<16xf32>
        %eq3A_645 = arith.cmpi eq, %while3A_186, %gather3A_629 : vector<16xi32>
        %select_n3A_646 = arith.select %eq3A_645, %while3A_184, %add3A_234 : vector<16xi1>, vector<16xf32>
        %add3A_647 = arith.addf %select_n3A_646, %gather3A_644 : vector<16xf32>
        %mul3A_648 = arith.constant 64 : i32
        %mul3A_649 = vector.broadcast %mul3A_648 : i32 to vector<16xi32>
        %mul3A_650 = arith.muli %iota3A, %mul3A_649 : vector<16xi32>
        %add3A_651 = arith.addi %mul3A_650, %gather3A_629 : vector<16xi32>
        %broadcast_in_dim3A_652 = arith.constant 0 : i32
        %broadcast_in_dim3A_653 = vector.broadcast %broadcast_in_dim3A_652 : i32 to vector<16xi32>
        %add3A_654 = arith.constant 6 : i32
        %add3A_655 = vector.broadcast %add3A_654 : i32 to vector<16xi32>
        %add3A_656 = arith.addi %broadcast_in_dim3A_653, %add3A_655 : vector<16xi32>
        %lt3A_657 = arith.constant 0 : i32
        %lt3A_658 = vector.broadcast %lt3A_657 : i32 to vector<16xi32>
        %lt3A_659 = arith.cmpi slt, %add3A_656, %lt3A_658 : vector<16xi32>
        %add3A_660 = arith.constant 16 : i32
        %add3A_661 = vector.broadcast %add3A_660 : i32 to vector<16xi32>
        %add3A_662 = arith.addi %add3A_656, %add3A_661 : vector<16xi32>
        %select_n3A_663 = arith.select %lt3A_659, %add3A_662, %add3A_656 : vector<16xi1>, vector<16xi32>
        %broadcast_in_dim3A_664 = vector.shape_cast %select_n3A_663 : vector<16xi32> to vector<16x1xi32>
        %gather3A_665 = vector.shape_cast %broadcast_in_dim3A_664 : vector<16x1xi32> to vector<16xi32>
        %gather3A_666 = tpu.dynamic_gather %masked_sort3A_416[%gather3A_665] in [0] : vector<16xi32>, vector<16xi32> -> vector<16xi32>
        %broadcast_in_dim3A_667 = arith.constant 0 : i32
        %broadcast_in_dim3A_668 = vector.broadcast %broadcast_in_dim3A_667 : i32 to vector<16xi32>
        %add3A_669 = arith.constant 6 : i32
        %add3A_670 = vector.broadcast %add3A_669 : i32 to vector<16xi32>
        %add3A_671 = arith.addi %broadcast_in_dim3A_668, %add3A_670 : vector<16xi32>
        %lt3A_672 = arith.constant 0 : i32
        %lt3A_673 = vector.broadcast %lt3A_672 : i32 to vector<16xi32>
        %lt3A_674 = arith.cmpi slt, %add3A_671, %lt3A_673 : vector<16xi32>
        %add3A_675 = arith.constant 16 : i32
        %add3A_676 = vector.broadcast %add3A_675 : i32 to vector<16xi32>
        %add3A_677 = arith.addi %add3A_671, %add3A_676 : vector<16xi32>
        %select_n3A_678 = arith.select %lt3A_674, %add3A_677, %add3A_671 : vector<16xi1>, vector<16xi32>
        %broadcast_in_dim3A_679 = vector.shape_cast %select_n3A_678 : vector<16xi32> to vector<16x1xi32>
        %gather3A_680 = vector.shape_cast %broadcast_in_dim3A_679 : vector<16x1xi32> to vector<16xi32>
        %gather3A_681 = tpu.dynamic_gather %masked_sort3A_415[%gather3A_680] in [0] : vector<16xf32>, vector<16xi32> -> vector<16xf32>
        %eq3A_682 = arith.cmpi eq, %while3A_186, %gather3A_666 : vector<16xi32>
        %select_n3A_683 = arith.select %eq3A_682, %while3A_184, %add3A_234 : vector<16xi1>, vector<16xf32>
        %add3A_684 = arith.addf %select_n3A_683, %gather3A_681 : vector<16xf32>
        %mul3A_685 = arith.constant 64 : i32
        %mul3A_686 = vector.broadcast %mul3A_685 : i32 to vector<16xi32>
        %mul3A_687 = arith.muli %iota3A, %mul3A_686 : vector<16xi32>
        %add3A_688 = arith.addi %mul3A_687, %gather3A_666 : vector<16xi32>
        %broadcast_in_dim3A_689 = arith.constant 0 : i32
        %broadcast_in_dim3A_690 = vector.broadcast %broadcast_in_dim3A_689 : i32 to vector<16xi32>
        %add3A_691 = arith.constant 7 : i32
        %add3A_692 = vector.broadcast %add3A_691 : i32 to vector<16xi32>
        %add3A_693 = arith.addi %broadcast_in_dim3A_690, %add3A_692 : vector<16xi32>
        %lt3A_694 = arith.constant 0 : i32
        %lt3A_695 = vector.broadcast %lt3A_694 : i32 to vector<16xi32>
        %lt3A_696 = arith.cmpi slt, %add3A_693, %lt3A_695 : vector<16xi32>
        %add3A_697 = arith.constant 16 : i32
        %add3A_698 = vector.broadcast %add3A_697 : i32 to vector<16xi32>
        %add3A_699 = arith.addi %add3A_693, %add3A_698 : vector<16xi32>
        %select_n3A_700 = arith.select %lt3A_696, %add3A_699, %add3A_693 : vector<16xi1>, vector<16xi32>
        %broadcast_in_dim3A_701 = vector.shape_cast %select_n3A_700 : vector<16xi32> to vector<16x1xi32>
        %gather3A_702 = vector.shape_cast %broadcast_in_dim3A_701 : vector<16x1xi32> to vector<16xi32>
        %gather3A_703 = tpu.dynamic_gather %masked_sort3A_416[%gather3A_702] in [0] : vector<16xi32>, vector<16xi32> -> vector<16xi32>
        %broadcast_in_dim3A_704 = arith.constant 0 : i32
        %broadcast_in_dim3A_705 = vector.broadcast %broadcast_in_dim3A_704 : i32 to vector<16xi32>
        %add3A_706 = arith.constant 7 : i32
        %add3A_707 = vector.broadcast %add3A_706 : i32 to vector<16xi32>
        %add3A_708 = arith.addi %broadcast_in_dim3A_705, %add3A_707 : vector<16xi32>
        %lt3A_709 = arith.constant 0 : i32
        %lt3A_710 = vector.broadcast %lt3A_709 : i32 to vector<16xi32>
        %lt3A_711 = arith.cmpi slt, %add3A_708, %lt3A_710 : vector<16xi32>
        %add3A_712 = arith.constant 16 : i32
        %add3A_713 = vector.broadcast %add3A_712 : i32 to vector<16xi32>
        %add3A_714 = arith.addi %add3A_708, %add3A_713 : vector<16xi32>
        %select_n3A_715 = arith.select %lt3A_711, %add3A_714, %add3A_708 : vector<16xi1>, vector<16xi32>
        %broadcast_in_dim3A_716 = vector.shape_cast %select_n3A_715 : vector<16xi32> to vector<16x1xi32>
        %gather3A_717 = vector.shape_cast %broadcast_in_dim3A_716 : vector<16x1xi32> to vector<16xi32>
        %gather3A_718 = tpu.dynamic_gather %masked_sort3A_415[%gather3A_717] in [0] : vector<16xf32>, vector<16xi32> -> vector<16xf32>
        %eq3A_719 = arith.cmpi eq, %while3A_186, %gather3A_703 : vector<16xi32>
        %select_n3A_720 = arith.select %eq3A_719, %while3A_184, %add3A_234 : vector<16xi1>, vector<16xf32>
        %add3A_721 = arith.addf %select_n3A_720, %gather3A_718 : vector<16xf32>
        %mul3A_722 = arith.constant 64 : i32
        %mul3A_723 = vector.broadcast %mul3A_722 : i32 to vector<16xi32>
        %mul3A_724 = arith.muli %iota3A, %mul3A_723 : vector<16xi32>
        %add3A_725 = arith.addi %mul3A_724, %gather3A_703 : vector<16xi32>
        %broadcast_in_dim3A_726 = arith.constant 0 : i32
        %broadcast_in_dim3A_727 = vector.broadcast %broadcast_in_dim3A_726 : i32 to vector<16xi32>
        %add3A_728 = arith.constant 8 : i32
        %add3A_729 = vector.broadcast %add3A_728 : i32 to vector<16xi32>
        %add3A_730 = arith.addi %broadcast_in_dim3A_727, %add3A_729 : vector<16xi32>
        %lt3A_731 = arith.constant 0 : i32
        %lt3A_732 = vector.broadcast %lt3A_731 : i32 to vector<16xi32>
        %lt3A_733 = arith.cmpi slt, %add3A_730, %lt3A_732 : vector<16xi32>
        %add3A_734 = arith.constant 16 : i32
        %add3A_735 = vector.broadcast %add3A_734 : i32 to vector<16xi32>
        %add3A_736 = arith.addi %add3A_730, %add3A_735 : vector<16xi32>
        %select_n3A_737 = arith.select %lt3A_733, %add3A_736, %add3A_730 : vector<16xi1>, vector<16xi32>
        %broadcast_in_dim3A_738 = vector.shape_cast %select_n3A_737 : vector<16xi32> to vector<16x1xi32>
        %gather3A_739 = vector.shape_cast %broadcast_in_dim3A_738 : vector<16x1xi32> to vector<16xi32>
        %gather3A_740 = tpu.dynamic_gather %masked_sort3A_416[%gather3A_739] in [0] : vector<16xi32>, vector<16xi32> -> vector<16xi32>
        %broadcast_in_dim3A_741 = arith.constant 0 : i32
        %broadcast_in_dim3A_742 = vector.broadcast %broadcast_in_dim3A_741 : i32 to vector<16xi32>
        %add3A_743 = arith.constant 8 : i32
        %add3A_744 = vector.broadcast %add3A_743 : i32 to vector<16xi32>
        %add3A_745 = arith.addi %broadcast_in_dim3A_742, %add3A_744 : vector<16xi32>
        %lt3A_746 = arith.constant 0 : i32
        %lt3A_747 = vector.broadcast %lt3A_746 : i32 to vector<16xi32>
        %lt3A_748 = arith.cmpi slt, %add3A_745, %lt3A_747 : vector<16xi32>
        %add3A_749 = arith.constant 16 : i32
        %add3A_750 = vector.broadcast %add3A_749 : i32 to vector<16xi32>
        %add3A_751 = arith.addi %add3A_745, %add3A_750 : vector<16xi32>
        %select_n3A_752 = arith.select %lt3A_748, %add3A_751, %add3A_745 : vector<16xi1>, vector<16xi32>
        %broadcast_in_dim3A_753 = vector.shape_cast %select_n3A_752 : vector<16xi32> to vector<16x1xi32>
        %gather3A_754 = vector.shape_cast %broadcast_in_dim3A_753 : vector<16x1xi32> to vector<16xi32>
        %gather3A_755 = tpu.dynamic_gather %masked_sort3A_415[%gather3A_754] in [0] : vector<16xf32>, vector<16xi32> -> vector<16xf32>
        %eq3A_756 = arith.cmpi eq, %while3A_186, %gather3A_740 : vector<16xi32>
        %select_n3A_757 = arith.select %eq3A_756, %while3A_184, %add3A_234 : vector<16xi1>, vector<16xf32>
        %add3A_758 = arith.addf %select_n3A_757, %gather3A_755 : vector<16xf32>
        %mul3A_759 = arith.constant 64 : i32
        %mul3A_760 = vector.broadcast %mul3A_759 : i32 to vector<16xi32>
        %mul3A_761 = arith.muli %iota3A, %mul3A_760 : vector<16xi32>
        %add3A_762 = arith.addi %mul3A_761, %gather3A_740 : vector<16xi32>
        %broadcast_in_dim3A_763 = arith.constant 0 : i32
        %broadcast_in_dim3A_764 = vector.broadcast %broadcast_in_dim3A_763 : i32 to vector<16xi32>
        %add3A_765 = arith.constant 9 : i32
        %add3A_766 = vector.broadcast %add3A_765 : i32 to vector<16xi32>
        %add3A_767 = arith.addi %broadcast_in_dim3A_764, %add3A_766 : vector<16xi32>
        %lt3A_768 = arith.constant 0 : i32
        %lt3A_769 = vector.broadcast %lt3A_768 : i32 to vector<16xi32>
        %lt3A_770 = arith.cmpi slt, %add3A_767, %lt3A_769 : vector<16xi32>
        %add3A_771 = arith.constant 16 : i32
        %add3A_772 = vector.broadcast %add3A_771 : i32 to vector<16xi32>
        %add3A_773 = arith.addi %add3A_767, %add3A_772 : vector<16xi32>
        %select_n3A_774 = arith.select %lt3A_770, %add3A_773, %add3A_767 : vector<16xi1>, vector<16xi32>
        %broadcast_in_dim3A_775 = vector.shape_cast %select_n3A_774 : vector<16xi32> to vector<16x1xi32>
        %gather3A_776 = vector.shape_cast %broadcast_in_dim3A_775 : vector<16x1xi32> to vector<16xi32>
        %gather3A_777 = tpu.dynamic_gather %masked_sort3A_416[%gather3A_776] in [0] : vector<16xi32>, vector<16xi32> -> vector<16xi32>
        %broadcast_in_dim3A_778 = arith.constant 0 : i32
        %broadcast_in_dim3A_779 = vector.broadcast %broadcast_in_dim3A_778 : i32 to vector<16xi32>
        %add3A_780 = arith.constant 9 : i32
        %add3A_781 = vector.broadcast %add3A_780 : i32 to vector<16xi32>
        %add3A_782 = arith.addi %broadcast_in_dim3A_779, %add3A_781 : vector<16xi32>
        %lt3A_783 = arith.constant 0 : i32
        %lt3A_784 = vector.broadcast %lt3A_783 : i32 to vector<16xi32>
        %lt3A_785 = arith.cmpi slt, %add3A_782, %lt3A_784 : vector<16xi32>
        %add3A_786 = arith.constant 16 : i32
        %add3A_787 = vector.broadcast %add3A_786 : i32 to vector<16xi32>
        %add3A_788 = arith.addi %add3A_782, %add3A_787 : vector<16xi32>
        %select_n3A_789 = arith.select %lt3A_785, %add3A_788, %add3A_782 : vector<16xi1>, vector<16xi32>
        %broadcast_in_dim3A_790 = vector.shape_cast %select_n3A_789 : vector<16xi32> to vector<16x1xi32>
        %gather3A_791 = vector.shape_cast %broadcast_in_dim3A_790 : vector<16x1xi32> to vector<16xi32>
        %gather3A_792 = tpu.dynamic_gather %masked_sort3A_415[%gather3A_791] in [0] : vector<16xf32>, vector<16xi32> -> vector<16xf32>
        %eq3A_793 = arith.cmpi eq, %while3A_186, %gather3A_777 : vector<16xi32>
        %select_n3A_794 = arith.select %eq3A_793, %while3A_184, %add3A_234 : vector<16xi1>, vector<16xf32>
        %add3A_795 = arith.addf %select_n3A_794, %gather3A_792 : vector<16xf32>
        %mul3A_796 = arith.constant 64 : i32
        %mul3A_797 = vector.broadcast %mul3A_796 : i32 to vector<16xi32>
        %mul3A_798 = arith.muli %iota3A, %mul3A_797 : vector<16xi32>
        %add3A_799 = arith.addi %mul3A_798, %gather3A_777 : vector<16xi32>
        %broadcast_in_dim3A_800 = arith.constant 0 : i32
        %broadcast_in_dim3A_801 = vector.broadcast %broadcast_in_dim3A_800 : i32 to vector<16xi32>
        %add3A_802 = arith.constant 10 : i32
        %add3A_803 = vector.broadcast %add3A_802 : i32 to vector<16xi32>
        %add3A_804 = arith.addi %broadcast_in_dim3A_801, %add3A_803 : vector<16xi32>
        %lt3A_805 = arith.constant 0 : i32
        %lt3A_806 = vector.broadcast %lt3A_805 : i32 to vector<16xi32>
        %lt3A_807 = arith.cmpi slt, %add3A_804, %lt3A_806 : vector<16xi32>
        %add3A_808 = arith.constant 16 : i32
        %add3A_809 = vector.broadcast %add3A_808 : i32 to vector<16xi32>
        %add3A_810 = arith.addi %add3A_804, %add3A_809 : vector<16xi32>
        %select_n3A_811 = arith.select %lt3A_807, %add3A_810, %add3A_804 : vector<16xi1>, vector<16xi32>
        %broadcast_in_dim3A_812 = vector.shape_cast %select_n3A_811 : vector<16xi32> to vector<16x1xi32>
        %gather3A_813 = vector.shape_cast %broadcast_in_dim3A_812 : vector<16x1xi32> to vector<16xi32>
        %gather3A_814 = tpu.dynamic_gather %masked_sort3A_416[%gather3A_813] in [0] : vector<16xi32>, vector<16xi32> -> vector<16xi32>
        %broadcast_in_dim3A_815 = arith.constant 0 : i32
        %broadcast_in_dim3A_816 = vector.broadcast %broadcast_in_dim3A_815 : i32 to vector<16xi32>
        %add3A_817 = arith.constant 10 : i32
        %add3A_818 = vector.broadcast %add3A_817 : i32 to vector<16xi32>
        %add3A_819 = arith.addi %broadcast_in_dim3A_816, %add3A_818 : vector<16xi32>
        %lt3A_820 = arith.constant 0 : i32
        %lt3A_821 = vector.broadcast %lt3A_820 : i32 to vector<16xi32>
        %lt3A_822 = arith.cmpi slt, %add3A_819, %lt3A_821 : vector<16xi32>
        %add3A_823 = arith.constant 16 : i32
        %add3A_824 = vector.broadcast %add3A_823 : i32 to vector<16xi32>
        %add3A_825 = arith.addi %add3A_819, %add3A_824 : vector<16xi32>
        %select_n3A_826 = arith.select %lt3A_822, %add3A_825, %add3A_819 : vector<16xi1>, vector<16xi32>
        %broadcast_in_dim3A_827 = vector.shape_cast %select_n3A_826 : vector<16xi32> to vector<16x1xi32>
        %gather3A_828 = vector.shape_cast %broadcast_in_dim3A_827 : vector<16x1xi32> to vector<16xi32>
        %gather3A_829 = tpu.dynamic_gather %masked_sort3A_415[%gather3A_828] in [0] : vector<16xf32>, vector<16xi32> -> vector<16xf32>
        %eq3A_830 = arith.cmpi eq, %while3A_186, %gather3A_814 : vector<16xi32>
        %select_n3A_831 = arith.select %eq3A_830, %while3A_184, %add3A_234 : vector<16xi1>, vector<16xf32>
        %add3A_832 = arith.addf %select_n3A_831, %gather3A_829 : vector<16xf32>
        %mul3A_833 = arith.constant 64 : i32
        %mul3A_834 = vector.broadcast %mul3A_833 : i32 to vector<16xi32>
        %mul3A_835 = arith.muli %iota3A, %mul3A_834 : vector<16xi32>
        %add3A_836 = arith.addi %mul3A_835, %gather3A_814 : vector<16xi32>
        %broadcast_in_dim3A_837 = arith.constant 0 : i32
        %broadcast_in_dim3A_838 = vector.broadcast %broadcast_in_dim3A_837 : i32 to vector<16xi32>
        %add3A_839 = arith.constant 11 : i32
        %add3A_840 = vector.broadcast %add3A_839 : i32 to vector<16xi32>
        %add3A_841 = arith.addi %broadcast_in_dim3A_838, %add3A_840 : vector<16xi32>
        %lt3A_842 = arith.constant 0 : i32
        %lt3A_843 = vector.broadcast %lt3A_842 : i32 to vector<16xi32>
        %lt3A_844 = arith.cmpi slt, %add3A_841, %lt3A_843 : vector<16xi32>
        %add3A_845 = arith.constant 16 : i32
        %add3A_846 = vector.broadcast %add3A_845 : i32 to vector<16xi32>
        %add3A_847 = arith.addi %add3A_841, %add3A_846 : vector<16xi32>
        %select_n3A_848 = arith.select %lt3A_844, %add3A_847, %add3A_841 : vector<16xi1>, vector<16xi32>
        %broadcast_in_dim3A_849 = vector.shape_cast %select_n3A_848 : vector<16xi32> to vector<16x1xi32>
        %gather3A_850 = vector.shape_cast %broadcast_in_dim3A_849 : vector<16x1xi32> to vector<16xi32>
        %gather3A_851 = tpu.dynamic_gather %masked_sort3A_416[%gather3A_850] in [0] : vector<16xi32>, vector<16xi32> -> vector<16xi32>
        %broadcast_in_dim3A_852 = arith.constant 0 : i32
        %broadcast_in_dim3A_853 = vector.broadcast %broadcast_in_dim3A_852 : i32 to vector<16xi32>
        %add3A_854 = arith.constant 11 : i32
        %add3A_855 = vector.broadcast %add3A_854 : i32 to vector<16xi32>
        %add3A_856 = arith.addi %broadcast_in_dim3A_853, %add3A_855 : vector<16xi32>
        %lt3A_857 = arith.constant 0 : i32
        %lt3A_858 = vector.broadcast %lt3A_857 : i32 to vector<16xi32>
        %lt3A_859 = arith.cmpi slt, %add3A_856, %lt3A_858 : vector<16xi32>
        %add3A_860 = arith.constant 16 : i32
        %add3A_861 = vector.broadcast %add3A_860 : i32 to vector<16xi32>
        %add3A_862 = arith.addi %add3A_856, %add3A_861 : vector<16xi32>
        %select_n3A_863 = arith.select %lt3A_859, %add3A_862, %add3A_856 : vector<16xi1>, vector<16xi32>
        %broadcast_in_dim3A_864 = vector.shape_cast %select_n3A_863 : vector<16xi32> to vector<16x1xi32>
        %gather3A_865 = vector.shape_cast %broadcast_in_dim3A_864 : vector<16x1xi32> to vector<16xi32>
        %gather3A_866 = tpu.dynamic_gather %masked_sort3A_415[%gather3A_865] in [0] : vector<16xf32>, vector<16xi32> -> vector<16xf32>
        %eq3A_867 = arith.cmpi eq, %while3A_186, %gather3A_851 : vector<16xi32>
        %select_n3A_868 = arith.select %eq3A_867, %while3A_184, %add3A_234 : vector<16xi1>, vector<16xf32>
        %add3A_869 = arith.addf %select_n3A_868, %gather3A_866 : vector<16xf32>
        %mul3A_870 = arith.constant 64 : i32
        %mul3A_871 = vector.broadcast %mul3A_870 : i32 to vector<16xi32>
        %mul3A_872 = arith.muli %iota3A, %mul3A_871 : vector<16xi32>
        %add3A_873 = arith.addi %mul3A_872, %gather3A_851 : vector<16xi32>
        %broadcast_in_dim3A_874 = arith.constant 0 : i32
        %broadcast_in_dim3A_875 = vector.broadcast %broadcast_in_dim3A_874 : i32 to vector<16xi32>
        %add3A_876 = arith.constant 12 : i32
        %add3A_877 = vector.broadcast %add3A_876 : i32 to vector<16xi32>
        %add3A_878 = arith.addi %broadcast_in_dim3A_875, %add3A_877 : vector<16xi32>
        %lt3A_879 = arith.constant 0 : i32
        %lt3A_880 = vector.broadcast %lt3A_879 : i32 to vector<16xi32>
        %lt3A_881 = arith.cmpi slt, %add3A_878, %lt3A_880 : vector<16xi32>
        %add3A_882 = arith.constant 16 : i32
        %add3A_883 = vector.broadcast %add3A_882 : i32 to vector<16xi32>
        %add3A_884 = arith.addi %add3A_878, %add3A_883 : vector<16xi32>
        %select_n3A_885 = arith.select %lt3A_881, %add3A_884, %add3A_878 : vector<16xi1>, vector<16xi32>
        %broadcast_in_dim3A_886 = vector.shape_cast %select_n3A_885 : vector<16xi32> to vector<16x1xi32>
        %gather3A_887 = vector.shape_cast %broadcast_in_dim3A_886 : vector<16x1xi32> to vector<16xi32>
        %gather3A_888 = tpu.dynamic_gather %masked_sort3A_416[%gather3A_887] in [0] : vector<16xi32>, vector<16xi32> -> vector<16xi32>
        %broadcast_in_dim3A_889 = arith.constant 0 : i32
        %broadcast_in_dim3A_890 = vector.broadcast %broadcast_in_dim3A_889 : i32 to vector<16xi32>
        %add3A_891 = arith.constant 12 : i32
        %add3A_892 = vector.broadcast %add3A_891 : i32 to vector<16xi32>
        %add3A_893 = arith.addi %broadcast_in_dim3A_890, %add3A_892 : vector<16xi32>
        %lt3A_894 = arith.constant 0 : i32
        %lt3A_895 = vector.broadcast %lt3A_894 : i32 to vector<16xi32>
        %lt3A_896 = arith.cmpi slt, %add3A_893, %lt3A_895 : vector<16xi32>
        %add3A_897 = arith.constant 16 : i32
        %add3A_898 = vector.broadcast %add3A_897 : i32 to vector<16xi32>
        %add3A_899 = arith.addi %add3A_893, %add3A_898 : vector<16xi32>
        %select_n3A_900 = arith.select %lt3A_896, %add3A_899, %add3A_893 : vector<16xi1>, vector<16xi32>
        %broadcast_in_dim3A_901 = vector.shape_cast %select_n3A_900 : vector<16xi32> to vector<16x1xi32>
        %gather3A_902 = vector.shape_cast %broadcast_in_dim3A_901 : vector<16x1xi32> to vector<16xi32>
        %gather3A_903 = tpu.dynamic_gather %masked_sort3A_415[%gather3A_902] in [0] : vector<16xf32>, vector<16xi32> -> vector<16xf32>
        %eq3A_904 = arith.cmpi eq, %while3A_186, %gather3A_888 : vector<16xi32>
        %select_n3A_905 = arith.select %eq3A_904, %while3A_184, %add3A_234 : vector<16xi1>, vector<16xf32>
        %add3A_906 = arith.addf %select_n3A_905, %gather3A_903 : vector<16xf32>
        %mul3A_907 = arith.constant 64 : i32
        %mul3A_908 = vector.broadcast %mul3A_907 : i32 to vector<16xi32>
        %mul3A_909 = arith.muli %iota3A, %mul3A_908 : vector<16xi32>
        %add3A_910 = arith.addi %mul3A_909, %gather3A_888 : vector<16xi32>
        %broadcast_in_dim3A_911 = arith.constant 0 : i32
        %broadcast_in_dim3A_912 = vector.broadcast %broadcast_in_dim3A_911 : i32 to vector<16xi32>
        %add3A_913 = arith.constant 13 : i32
        %add3A_914 = vector.broadcast %add3A_913 : i32 to vector<16xi32>
        %add3A_915 = arith.addi %broadcast_in_dim3A_912, %add3A_914 : vector<16xi32>
        %lt3A_916 = arith.constant 0 : i32
        %lt3A_917 = vector.broadcast %lt3A_916 : i32 to vector<16xi32>
        %lt3A_918 = arith.cmpi slt, %add3A_915, %lt3A_917 : vector<16xi32>
        %add3A_919 = arith.constant 16 : i32
        %add3A_920 = vector.broadcast %add3A_919 : i32 to vector<16xi32>
        %add3A_921 = arith.addi %add3A_915, %add3A_920 : vector<16xi32>
        %select_n3A_922 = arith.select %lt3A_918, %add3A_921, %add3A_915 : vector<16xi1>, vector<16xi32>
        %broadcast_in_dim3A_923 = vector.shape_cast %select_n3A_922 : vector<16xi32> to vector<16x1xi32>
        %gather3A_924 = vector.shape_cast %broadcast_in_dim3A_923 : vector<16x1xi32> to vector<16xi32>
        %gather3A_925 = tpu.dynamic_gather %masked_sort3A_416[%gather3A_924] in [0] : vector<16xi32>, vector<16xi32> -> vector<16xi32>
        %broadcast_in_dim3A_926 = arith.constant 0 : i32
        %broadcast_in_dim3A_927 = vector.broadcast %broadcast_in_dim3A_926 : i32 to vector<16xi32>
        %add3A_928 = arith.constant 13 : i32
        %add3A_929 = vector.broadcast %add3A_928 : i32 to vector<16xi32>
        %add3A_930 = arith.addi %broadcast_in_dim3A_927, %add3A_929 : vector<16xi32>
        %lt3A_931 = arith.constant 0 : i32
        %lt3A_932 = vector.broadcast %lt3A_931 : i32 to vector<16xi32>
        %lt3A_933 = arith.cmpi slt, %add3A_930, %lt3A_932 : vector<16xi32>
        %add3A_934 = arith.constant 16 : i32
        %add3A_935 = vector.broadcast %add3A_934 : i32 to vector<16xi32>
        %add3A_936 = arith.addi %add3A_930, %add3A_935 : vector<16xi32>
        %select_n3A_937 = arith.select %lt3A_933, %add3A_936, %add3A_930 : vector<16xi1>, vector<16xi32>
        %broadcast_in_dim3A_938 = vector.shape_cast %select_n3A_937 : vector<16xi32> to vector<16x1xi32>
        %gather3A_939 = vector.shape_cast %broadcast_in_dim3A_938 : vector<16x1xi32> to vector<16xi32>
        %gather3A_940 = tpu.dynamic_gather %masked_sort3A_415[%gather3A_939] in [0] : vector<16xf32>, vector<16xi32> -> vector<16xf32>
        %eq3A_941 = arith.cmpi eq, %while3A_186, %gather3A_925 : vector<16xi32>
        %select_n3A_942 = arith.select %eq3A_941, %while3A_184, %add3A_234 : vector<16xi1>, vector<16xf32>
        %add3A_943 = arith.addf %select_n3A_942, %gather3A_940 : vector<16xf32>
        %mul3A_944 = arith.constant 64 : i32
        %mul3A_945 = vector.broadcast %mul3A_944 : i32 to vector<16xi32>
        %mul3A_946 = arith.muli %iota3A, %mul3A_945 : vector<16xi32>
        %add3A_947 = arith.addi %mul3A_946, %gather3A_925 : vector<16xi32>
        %broadcast_in_dim3A_948 = arith.constant 0 : i32
        %broadcast_in_dim3A_949 = vector.broadcast %broadcast_in_dim3A_948 : i32 to vector<16xi32>
        %add3A_950 = arith.constant 14 : i32
        %add3A_951 = vector.broadcast %add3A_950 : i32 to vector<16xi32>
        %add3A_952 = arith.addi %broadcast_in_dim3A_949, %add3A_951 : vector<16xi32>
        %lt3A_953 = arith.constant 0 : i32
        %lt3A_954 = vector.broadcast %lt3A_953 : i32 to vector<16xi32>
        %lt3A_955 = arith.cmpi slt, %add3A_952, %lt3A_954 : vector<16xi32>
        %add3A_956 = arith.constant 16 : i32
        %add3A_957 = vector.broadcast %add3A_956 : i32 to vector<16xi32>
        %add3A_958 = arith.addi %add3A_952, %add3A_957 : vector<16xi32>
        %select_n3A_959 = arith.select %lt3A_955, %add3A_958, %add3A_952 : vector<16xi1>, vector<16xi32>
        %broadcast_in_dim3A_960 = vector.shape_cast %select_n3A_959 : vector<16xi32> to vector<16x1xi32>
        %gather3A_961 = vector.shape_cast %broadcast_in_dim3A_960 : vector<16x1xi32> to vector<16xi32>
        %gather3A_962 = tpu.dynamic_gather %masked_sort3A_416[%gather3A_961] in [0] : vector<16xi32>, vector<16xi32> -> vector<16xi32>
        %broadcast_in_dim3A_963 = arith.constant 0 : i32
        %broadcast_in_dim3A_964 = vector.broadcast %broadcast_in_dim3A_963 : i32 to vector<16xi32>
        %add3A_965 = arith.constant 14 : i32
        %add3A_966 = vector.broadcast %add3A_965 : i32 to vector<16xi32>
        %add3A_967 = arith.addi %broadcast_in_dim3A_964, %add3A_966 : vector<16xi32>
        %lt3A_968 = arith.constant 0 : i32
        %lt3A_969 = vector.broadcast %lt3A_968 : i32 to vector<16xi32>
        %lt3A_970 = arith.cmpi slt, %add3A_967, %lt3A_969 : vector<16xi32>
        %add3A_971 = arith.constant 16 : i32
        %add3A_972 = vector.broadcast %add3A_971 : i32 to vector<16xi32>
        %add3A_973 = arith.addi %add3A_967, %add3A_972 : vector<16xi32>
        %select_n3A_974 = arith.select %lt3A_970, %add3A_973, %add3A_967 : vector<16xi1>, vector<16xi32>
        %broadcast_in_dim3A_975 = vector.shape_cast %select_n3A_974 : vector<16xi32> to vector<16x1xi32>
        %gather3A_976 = vector.shape_cast %broadcast_in_dim3A_975 : vector<16x1xi32> to vector<16xi32>
        %gather3A_977 = tpu.dynamic_gather %masked_sort3A_415[%gather3A_976] in [0] : vector<16xf32>, vector<16xi32> -> vector<16xf32>
        %eq3A_978 = arith.cmpi eq, %while3A_186, %gather3A_962 : vector<16xi32>
        %select_n3A_979 = arith.select %eq3A_978, %while3A_184, %add3A_234 : vector<16xi1>, vector<16xf32>
        %add3A_980 = arith.addf %select_n3A_979, %gather3A_977 : vector<16xf32>
        %mul3A_981 = arith.constant 64 : i32
        %mul3A_982 = vector.broadcast %mul3A_981 : i32 to vector<16xi32>
        %mul3A_983 = arith.muli %iota3A, %mul3A_982 : vector<16xi32>
        %add3A_984 = arith.addi %mul3A_983, %gather3A_962 : vector<16xi32>
        %broadcast_in_dim3A_985 = arith.constant 0 : i32
        %broadcast_in_dim3A_986 = vector.broadcast %broadcast_in_dim3A_985 : i32 to vector<16xi32>
        %add3A_987 = arith.constant 15 : i32
        %add3A_988 = vector.broadcast %add3A_987 : i32 to vector<16xi32>
        %add3A_989 = arith.addi %broadcast_in_dim3A_986, %add3A_988 : vector<16xi32>
        %lt3A_990 = arith.constant 0 : i32
        %lt3A_991 = vector.broadcast %lt3A_990 : i32 to vector<16xi32>
        %lt3A_992 = arith.cmpi slt, %add3A_989, %lt3A_991 : vector<16xi32>
        %add3A_993 = arith.constant 16 : i32
        %add3A_994 = vector.broadcast %add3A_993 : i32 to vector<16xi32>
        %add3A_995 = arith.addi %add3A_989, %add3A_994 : vector<16xi32>
        %select_n3A_996 = arith.select %lt3A_992, %add3A_995, %add3A_989 : vector<16xi1>, vector<16xi32>
        %broadcast_in_dim3A_997 = vector.shape_cast %select_n3A_996 : vector<16xi32> to vector<16x1xi32>
        %gather3A_998 = vector.shape_cast %broadcast_in_dim3A_997 : vector<16x1xi32> to vector<16xi32>
        %gather3A_999 = tpu.dynamic_gather %masked_sort3A_416[%gather3A_998] in [0] : vector<16xi32>, vector<16xi32> -> vector<16xi32>
        %broadcast_in_dim3A_1000 = arith.constant 0 : i32
        %broadcast_in_dim3A_1001 = vector.broadcast %broadcast_in_dim3A_1000 : i32 to vector<16xi32>
        %add3A_1002 = arith.constant 15 : i32
        %add3A_1003 = vector.broadcast %add3A_1002 : i32 to vector<16xi32>
        %add3A_1004 = arith.addi %broadcast_in_dim3A_1001, %add3A_1003 : vector<16xi32>
        %lt3A_1005 = arith.constant 0 : i32
        %lt3A_1006 = vector.broadcast %lt3A_1005 : i32 to vector<16xi32>
        %lt3A_1007 = arith.cmpi slt, %add3A_1004, %lt3A_1006 : vector<16xi32>
        %add3A_1008 = arith.constant 16 : i32
        %add3A_1009 = vector.broadcast %add3A_1008 : i32 to vector<16xi32>
        %add3A_1010 = arith.addi %add3A_1004, %add3A_1009 : vector<16xi32>
        %select_n3A_1011 = arith.select %lt3A_1007, %add3A_1010, %add3A_1004 : vector<16xi1>, vector<16xi32>
        %broadcast_in_dim3A_1012 = vector.shape_cast %select_n3A_1011 : vector<16xi32> to vector<16x1xi32>
        %gather3A_1013 = vector.shape_cast %broadcast_in_dim3A_1012 : vector<16x1xi32> to vector<16xi32>
        %gather3A_1014 = tpu.dynamic_gather %masked_sort3A_415[%gather3A_1013] in [0] : vector<16xf32>, vector<16xi32> -> vector<16xf32>
        %eq3A_1015 = arith.cmpi eq, %while3A_186, %gather3A_999 : vector<16xi32>
        %select_n3A_1016 = arith.select %eq3A_1015, %while3A_184, %add3A_234 : vector<16xi1>, vector<16xf32>
        %add3A_1017 = arith.addf %select_n3A_1016, %gather3A_1014 : vector<16xf32>
        %mul3A_1018 = arith.constant 64 : i32
        %mul3A_1019 = vector.broadcast %mul3A_1018 : i32 to vector<16xi32>
        %mul3A_1020 = arith.muli %iota3A, %mul3A_1019 : vector<16xi32>
        %add3A_1021 = arith.addi %mul3A_1020, %gather3A_999 : vector<16xi32>
        %broadcast_in_dim3A_1022 = arith.constant 0 : i32
        %broadcast_in_dim3A_1023 = vector.broadcast %broadcast_in_dim3A_1022 : i32 to vector<16xi32>
        %add3A_1024 = arith.constant 0 : i32
        %add3A_1025 = vector.broadcast %add3A_1024 : i32 to vector<16xi32>
        %add3A_1026 = arith.addi %broadcast_in_dim3A_1023, %add3A_1025 : vector<16xi32>
        %lt3A_1027 = arith.constant 0 : i32
        %lt3A_1028 = vector.broadcast %lt3A_1027 : i32 to vector<16xi32>
        %lt3A_1029 = arith.cmpi slt, %add3A_1026, %lt3A_1028 : vector<16xi32>
        %add3A_1030 = arith.constant 16 : i32
        %add3A_1031 = vector.broadcast %add3A_1030 : i32 to vector<16xi32>
        %add3A_1032 = arith.addi %add3A_1026, %add3A_1031 : vector<16xi32>
        %select_n3A_1033 = arith.select %lt3A_1029, %add3A_1032, %add3A_1026 : vector<16xi1>, vector<16xi32>
        %broadcast_in_dim3A_1034 = vector.shape_cast %select_n3A_1033 : vector<16xi32> to vector<16x1xi32>
        %gather3A_1035 = vector.shape_cast %broadcast_in_dim3A_1034 : vector<16x1xi32> to vector<16xi32>
        %gather3A_1036 = tpu.dynamic_gather %masked_sort3A_426[%gather3A_1035] in [0] : vector<16xi32>, vector<16xi32> -> vector<16xi32>
        %broadcast_in_dim3A_1037 = arith.constant 0 : i32
        %broadcast_in_dim3A_1038 = vector.broadcast %broadcast_in_dim3A_1037 : i32 to vector<16xi32>
        %add3A_1039 = arith.constant 0 : i32
        %add3A_1040 = vector.broadcast %add3A_1039 : i32 to vector<16xi32>
        %add3A_1041 = arith.addi %broadcast_in_dim3A_1038, %add3A_1040 : vector<16xi32>
        %lt3A_1042 = arith.constant 0 : i32
        %lt3A_1043 = vector.broadcast %lt3A_1042 : i32 to vector<16xi32>
        %lt3A_1044 = arith.cmpi slt, %add3A_1041, %lt3A_1043 : vector<16xi32>
        %add3A_1045 = arith.constant 16 : i32
        %add3A_1046 = vector.broadcast %add3A_1045 : i32 to vector<16xi32>
        %add3A_1047 = arith.addi %add3A_1041, %add3A_1046 : vector<16xi32>
        %select_n3A_1048 = arith.select %lt3A_1044, %add3A_1047, %add3A_1041 : vector<16xi1>, vector<16xi32>
        %broadcast_in_dim3A_1049 = vector.shape_cast %select_n3A_1048 : vector<16xi32> to vector<16x1xi32>
        %gather3A_1050 = vector.shape_cast %broadcast_in_dim3A_1049 : vector<16x1xi32> to vector<16xi32>
        %gather3A_1051 = tpu.dynamic_gather %masked_sort3A_425[%gather3A_1050] in [0] : vector<16xf32>, vector<16xi32> -> vector<16xf32>
        %eq3A_1052 = arith.cmpi eq, %while3A_186, %gather3A_1036 : vector<16xi32>
        %select_n3A_1053 = arith.select %eq3A_1052, %while3A_184, %add3A_234 : vector<16xi1>, vector<16xf32>
        %add3A_1054 = arith.addf %select_n3A_1053, %gather3A_1051 : vector<16xf32>
        %mul3A_1055 = arith.constant 64 : i32
        %mul3A_1056 = vector.broadcast %mul3A_1055 : i32 to vector<16xi32>
        %mul3A_1057 = arith.muli %iota3A, %mul3A_1056 : vector<16xi32>
        %add3A_1058 = arith.addi %mul3A_1057, %gather3A_1036 : vector<16xi32>
        %masked_sort3A_1059 = arith.constant dense<true> : vector<16xi1>
        %masked_sort3A_1060, %masked_sort3A_1061, %masked_sort3A_1062 = tpu.sort %add3A_306, %mul3A_429 masked %masked_sort3A_1059 {descending = true} : (vector<16xf32>, vector<16xi32>, vector<16xi1>) -> (vector<16xi1>, vector<16xf32>, vector<16xi32>)
        %masked_sort3A_1063 = arith.constant dense<true> : vector<16xi1>
        %masked_sort3A_1064, %masked_sort3A_1065, %masked_sort3A_1066 = tpu.sort %add3A_462, %add3A_466 masked %masked_sort3A_1063 {descending = true} : (vector<16xf32>, vector<16xi32>, vector<16xi1>) -> (vector<16xi1>, vector<16xf32>, vector<16xi32>)
        %masked_sort3A_1067 = arith.constant dense<true> : vector<16xi1>
        %masked_sort3A_1068, %masked_sort3A_1069, %masked_sort3A_1070 = tpu.sort %add3A_499, %add3A_503 masked %masked_sort3A_1067 {descending = true} : (vector<16xf32>, vector<16xi32>, vector<16xi1>) -> (vector<16xi1>, vector<16xf32>, vector<16xi32>)
        %masked_sort3A_1071 = arith.constant dense<true> : vector<16xi1>
        %masked_sort3A_1072, %masked_sort3A_1073, %masked_sort3A_1074 = tpu.sort %add3A_536, %add3A_540 masked %masked_sort3A_1071 {descending = true} : (vector<16xf32>, vector<16xi32>, vector<16xi1>) -> (vector<16xi1>, vector<16xf32>, vector<16xi32>)
        %masked_sort3A_1075 = arith.constant dense<true> : vector<16xi1>
        %masked_sort3A_1076, %masked_sort3A_1077, %masked_sort3A_1078 = tpu.sort %add3A_573, %add3A_577 masked %masked_sort3A_1075 {descending = true} : (vector<16xf32>, vector<16xi32>, vector<16xi1>) -> (vector<16xi1>, vector<16xf32>, vector<16xi32>)
        %masked_sort3A_1079 = arith.constant dense<true> : vector<16xi1>
        %masked_sort3A_1080, %masked_sort3A_1081, %masked_sort3A_1082 = tpu.sort %add3A_610, %add3A_614 masked %masked_sort3A_1079 {descending = true} : (vector<16xf32>, vector<16xi32>, vector<16xi1>) -> (vector<16xi1>, vector<16xf32>, vector<16xi32>)
        %masked_sort3A_1083 = arith.constant dense<true> : vector<16xi1>
        %masked_sort3A_1084, %masked_sort3A_1085, %masked_sort3A_1086 = tpu.sort %add3A_647, %add3A_651 masked %masked_sort3A_1083 {descending = true} : (vector<16xf32>, vector<16xi32>, vector<16xi1>) -> (vector<16xi1>, vector<16xf32>, vector<16xi32>)
        %masked_sort3A_1087 = arith.constant dense<true> : vector<16xi1>
        %masked_sort3A_1088, %masked_sort3A_1089, %masked_sort3A_1090 = tpu.sort %add3A_684, %add3A_688 masked %masked_sort3A_1087 {descending = true} : (vector<16xf32>, vector<16xi32>, vector<16xi1>) -> (vector<16xi1>, vector<16xf32>, vector<16xi32>)
        %masked_sort3A_1091 = arith.constant dense<true> : vector<16xi1>
        %masked_sort3A_1092, %masked_sort3A_1093, %masked_sort3A_1094 = tpu.sort %add3A_721, %add3A_725 masked %masked_sort3A_1091 {descending = true} : (vector<16xf32>, vector<16xi32>, vector<16xi1>) -> (vector<16xi1>, vector<16xf32>, vector<16xi32>)
        %masked_sort3A_1095 = arith.constant dense<true> : vector<16xi1>
        %masked_sort3A_1096, %masked_sort3A_1097, %masked_sort3A_1098 = tpu.sort %add3A_758, %add3A_762 masked %masked_sort3A_1095 {descending = true} : (vector<16xf32>, vector<16xi32>, vector<16xi1>) -> (vector<16xi1>, vector<16xf32>, vector<16xi32>)
        %masked_sort3A_1099 = arith.constant dense<true> : vector<16xi1>
        %masked_sort3A_1100, %masked_sort3A_1101, %masked_sort3A_1102 = tpu.sort %add3A_795, %add3A_799 masked %masked_sort3A_1099 {descending = true} : (vector<16xf32>, vector<16xi32>, vector<16xi1>) -> (vector<16xi1>, vector<16xf32>, vector<16xi32>)
        %masked_sort3A_1103 = arith.constant dense<true> : vector<16xi1>
        %masked_sort3A_1104, %masked_sort3A_1105, %masked_sort3A_1106 = tpu.sort %add3A_832, %add3A_836 masked %masked_sort3A_1103 {descending = true} : (vector<16xf32>, vector<16xi32>, vector<16xi1>) -> (vector<16xi1>, vector<16xf32>, vector<16xi32>)
        %masked_sort3A_1107 = arith.constant dense<true> : vector<16xi1>
        %masked_sort3A_1108, %masked_sort3A_1109, %masked_sort3A_1110 = tpu.sort %add3A_869, %add3A_873 masked %masked_sort3A_1107 {descending = true} : (vector<16xf32>, vector<16xi32>, vector<16xi1>) -> (vector<16xi1>, vector<16xf32>, vector<16xi32>)
        %masked_sort3A_1111 = arith.constant dense<true> : vector<16xi1>
        %masked_sort3A_1112, %masked_sort3A_1113, %masked_sort3A_1114 = tpu.sort %add3A_906, %add3A_910 masked %masked_sort3A_1111 {descending = true} : (vector<16xf32>, vector<16xi32>, vector<16xi1>) -> (vector<16xi1>, vector<16xf32>, vector<16xi32>)
        %masked_sort3A_1115 = arith.constant dense<true> : vector<16xi1>
        %masked_sort3A_1116, %masked_sort3A_1117, %masked_sort3A_1118 = tpu.sort %add3A_943, %add3A_947 masked %masked_sort3A_1115 {descending = true} : (vector<16xf32>, vector<16xi32>, vector<16xi1>) -> (vector<16xi1>, vector<16xf32>, vector<16xi32>)
        %masked_sort3A_1119 = arith.constant dense<true> : vector<16xi1>
        %masked_sort3A_1120, %masked_sort3A_1121, %masked_sort3A_1122 = tpu.sort %add3A_980, %add3A_984 masked %masked_sort3A_1119 {descending = true} : (vector<16xf32>, vector<16xi32>, vector<16xi1>) -> (vector<16xi1>, vector<16xf32>, vector<16xi32>)
        %masked_sort3A_1123 = arith.constant dense<true> : vector<16xi1>
        %masked_sort3A_1124, %masked_sort3A_1125, %masked_sort3A_1126 = tpu.sort %add3A_1017, %add3A_1021 masked %masked_sort3A_1123 {descending = true} : (vector<16xf32>, vector<16xi32>, vector<16xi1>) -> (vector<16xi1>, vector<16xf32>, vector<16xi32>)
        %masked_sort3A_1127 = arith.constant dense<true> : vector<16xi1>
        %masked_sort3A_1128, %masked_sort3A_1129, %masked_sort3A_1130 = tpu.sort %add3A_1054, %add3A_1058 masked %masked_sort3A_1127 {descending = true} : (vector<16xf32>, vector<16xi32>, vector<16xi1>) -> (vector<16xi1>, vector<16xf32>, vector<16xi32>)
        %rev3A_1131 = arith.constant 15 : i32
        %rev3A_1132 = vector.broadcast %rev3A_1131 : i32 to vector<16xi32>
        %rev3A_1133 = tpu.iota {dimensions = array<i32: 0>} : vector<16xi32>
        %rev3A_1134 = arith.subi %rev3A_1132, %rev3A_1133 : vector<16xi32>
        %rev3A_1135 = tpu.dynamic_gather %masked_sort3A_1065[%rev3A_1134] in [0] : vector<16xf32>, vector<16xi32> -> vector<16xf32>
        %rev3A_1136 = arith.constant 15 : i32
        %rev3A_1137 = vector.broadcast %rev3A_1136 : i32 to vector<16xi32>
        %rev3A_1138 = tpu.iota {dimensions = array<i32: 0>} : vector<16xi32>
        %rev3A_1139 = arith.subi %rev3A_1137, %rev3A_1138 : vector<16xi32>
        %rev3A_1140 = tpu.dynamic_gather %masked_sort3A_1066[%rev3A_1139] in [0] : vector<16xi32>, vector<16xi32> -> vector<16xi32>
        %ge3A_1141 = arith.cmpf oge, %masked_sort3A_1061, %rev3A_1135 : vector<16xf32>
        %select_n3A_1142 = arith.select %ge3A_1141, %masked_sort3A_1061, %rev3A_1135 : vector<16xi1>, vector<16xf32>
        %select_n3A_1143 = arith.select %ge3A_1141, %masked_sort3A_1062, %rev3A_1140 : vector<16xi1>, vector<16xi32>
        %select_n3A_1144 = arith.select %ge3A_1141, %rev3A_1135, %masked_sort3A_1061 : vector<16xi1>, vector<16xf32>
        %select_n3A_1145 = arith.select %ge3A_1141, %rev3A_1140, %masked_sort3A_1062 : vector<16xi1>, vector<16xi32>
        %masked_sort3A_1146 = arith.constant dense<true> : vector<16xi1>
        %masked_sort3A_1147, %masked_sort3A_1148, %masked_sort3A_1149 = tpu.sort %select_n3A_1142, %select_n3A_1143 masked %masked_sort3A_1146 {descending = true} : (vector<16xf32>, vector<16xi32>, vector<16xi1>) -> (vector<16xi1>, vector<16xf32>, vector<16xi32>)
        %rev3A_1150 = arith.constant 15 : i32
        %rev3A_1151 = vector.broadcast %rev3A_1150 : i32 to vector<16xi32>
        %rev3A_1152 = tpu.iota {dimensions = array<i32: 0>} : vector<16xi32>
        %rev3A_1153 = arith.subi %rev3A_1151, %rev3A_1152 : vector<16xi32>
        %rev3A_1154 = tpu.dynamic_gather %masked_sort3A_1073[%rev3A_1153] in [0] : vector<16xf32>, vector<16xi32> -> vector<16xf32>
        %rev3A_1155 = arith.constant 15 : i32
        %rev3A_1156 = vector.broadcast %rev3A_1155 : i32 to vector<16xi32>
        %rev3A_1157 = tpu.iota {dimensions = array<i32: 0>} : vector<16xi32>
        %rev3A_1158 = arith.subi %rev3A_1156, %rev3A_1157 : vector<16xi32>
        %rev3A_1159 = tpu.dynamic_gather %masked_sort3A_1074[%rev3A_1158] in [0] : vector<16xi32>, vector<16xi32> -> vector<16xi32>
        %ge3A_1160 = arith.cmpf oge, %masked_sort3A_1069, %rev3A_1154 : vector<16xf32>
        %select_n3A_1161 = arith.select %ge3A_1160, %masked_sort3A_1069, %rev3A_1154 : vector<16xi1>, vector<16xf32>
        %select_n3A_1162 = arith.select %ge3A_1160, %masked_sort3A_1070, %rev3A_1159 : vector<16xi1>, vector<16xi32>
        %select_n3A_1163 = arith.select %ge3A_1160, %rev3A_1154, %masked_sort3A_1069 : vector<16xi1>, vector<16xf32>
        %select_n3A_1164 = arith.select %ge3A_1160, %rev3A_1159, %masked_sort3A_1070 : vector<16xi1>, vector<16xi32>
        %masked_sort3A_1165 = arith.constant dense<true> : vector<16xi1>
        %masked_sort3A_1166, %masked_sort3A_1167, %masked_sort3A_1168 = tpu.sort %select_n3A_1161, %select_n3A_1162 masked %masked_sort3A_1165 {descending = true} : (vector<16xf32>, vector<16xi32>, vector<16xi1>) -> (vector<16xi1>, vector<16xf32>, vector<16xi32>)
        %rev3A_1169 = arith.constant 15 : i32
        %rev3A_1170 = vector.broadcast %rev3A_1169 : i32 to vector<16xi32>
        %rev3A_1171 = tpu.iota {dimensions = array<i32: 0>} : vector<16xi32>
        %rev3A_1172 = arith.subi %rev3A_1170, %rev3A_1171 : vector<16xi32>
        %rev3A_1173 = tpu.dynamic_gather %masked_sort3A_1081[%rev3A_1172] in [0] : vector<16xf32>, vector<16xi32> -> vector<16xf32>
        %rev3A_1174 = arith.constant 15 : i32
        %rev3A_1175 = vector.broadcast %rev3A_1174 : i32 to vector<16xi32>
        %rev3A_1176 = tpu.iota {dimensions = array<i32: 0>} : vector<16xi32>
        %rev3A_1177 = arith.subi %rev3A_1175, %rev3A_1176 : vector<16xi32>
        %rev3A_1178 = tpu.dynamic_gather %masked_sort3A_1082[%rev3A_1177] in [0] : vector<16xi32>, vector<16xi32> -> vector<16xi32>
        %ge3A_1179 = arith.cmpf oge, %masked_sort3A_1077, %rev3A_1173 : vector<16xf32>
        %select_n3A_1180 = arith.select %ge3A_1179, %masked_sort3A_1077, %rev3A_1173 : vector<16xi1>, vector<16xf32>
        %select_n3A_1181 = arith.select %ge3A_1179, %masked_sort3A_1078, %rev3A_1178 : vector<16xi1>, vector<16xi32>
        %select_n3A_1182 = arith.select %ge3A_1179, %rev3A_1173, %masked_sort3A_1077 : vector<16xi1>, vector<16xf32>
        %select_n3A_1183 = arith.select %ge3A_1179, %rev3A_1178, %masked_sort3A_1078 : vector<16xi1>, vector<16xi32>
        %masked_sort3A_1184 = arith.constant dense<true> : vector<16xi1>
        %masked_sort3A_1185, %masked_sort3A_1186, %masked_sort3A_1187 = tpu.sort %select_n3A_1180, %select_n3A_1181 masked %masked_sort3A_1184 {descending = true} : (vector<16xf32>, vector<16xi32>, vector<16xi1>) -> (vector<16xi1>, vector<16xf32>, vector<16xi32>)
        %rev3A_1188 = arith.constant 15 : i32
        %rev3A_1189 = vector.broadcast %rev3A_1188 : i32 to vector<16xi32>
        %rev3A_1190 = tpu.iota {dimensions = array<i32: 0>} : vector<16xi32>
        %rev3A_1191 = arith.subi %rev3A_1189, %rev3A_1190 : vector<16xi32>
        %rev3A_1192 = tpu.dynamic_gather %masked_sort3A_1089[%rev3A_1191] in [0] : vector<16xf32>, vector<16xi32> -> vector<16xf32>
        %rev3A_1193 = arith.constant 15 : i32
        %rev3A_1194 = vector.broadcast %rev3A_1193 : i32 to vector<16xi32>
        %rev3A_1195 = tpu.iota {dimensions = array<i32: 0>} : vector<16xi32>
        %rev3A_1196 = arith.subi %rev3A_1194, %rev3A_1195 : vector<16xi32>
        %rev3A_1197 = tpu.dynamic_gather %masked_sort3A_1090[%rev3A_1196] in [0] : vector<16xi32>, vector<16xi32> -> vector<16xi32>
        %ge3A_1198 = arith.cmpf oge, %masked_sort3A_1085, %rev3A_1192 : vector<16xf32>
        %select_n3A_1199 = arith.select %ge3A_1198, %masked_sort3A_1085, %rev3A_1192 : vector<16xi1>, vector<16xf32>
        %select_n3A_1200 = arith.select %ge3A_1198, %masked_sort3A_1086, %rev3A_1197 : vector<16xi1>, vector<16xi32>
        %select_n3A_1201 = arith.select %ge3A_1198, %rev3A_1192, %masked_sort3A_1085 : vector<16xi1>, vector<16xf32>
        %select_n3A_1202 = arith.select %ge3A_1198, %rev3A_1197, %masked_sort3A_1086 : vector<16xi1>, vector<16xi32>
        %masked_sort3A_1203 = arith.constant dense<true> : vector<16xi1>
        %masked_sort3A_1204, %masked_sort3A_1205, %masked_sort3A_1206 = tpu.sort %select_n3A_1199, %select_n3A_1200 masked %masked_sort3A_1203 {descending = true} : (vector<16xf32>, vector<16xi32>, vector<16xi1>) -> (vector<16xi1>, vector<16xf32>, vector<16xi32>)
        %rev3A_1207 = arith.constant 15 : i32
        %rev3A_1208 = vector.broadcast %rev3A_1207 : i32 to vector<16xi32>
        %rev3A_1209 = tpu.iota {dimensions = array<i32: 0>} : vector<16xi32>
        %rev3A_1210 = arith.subi %rev3A_1208, %rev3A_1209 : vector<16xi32>
        %rev3A_1211 = tpu.dynamic_gather %masked_sort3A_1097[%rev3A_1210] in [0] : vector<16xf32>, vector<16xi32> -> vector<16xf32>
        %rev3A_1212 = arith.constant 15 : i32
        %rev3A_1213 = vector.broadcast %rev3A_1212 : i32 to vector<16xi32>
        %rev3A_1214 = tpu.iota {dimensions = array<i32: 0>} : vector<16xi32>
        %rev3A_1215 = arith.subi %rev3A_1213, %rev3A_1214 : vector<16xi32>
        %rev3A_1216 = tpu.dynamic_gather %masked_sort3A_1098[%rev3A_1215] in [0] : vector<16xi32>, vector<16xi32> -> vector<16xi32>
        %ge3A_1217 = arith.cmpf oge, %masked_sort3A_1093, %rev3A_1211 : vector<16xf32>
        %select_n3A_1218 = arith.select %ge3A_1217, %masked_sort3A_1093, %rev3A_1211 : vector<16xi1>, vector<16xf32>
        %select_n3A_1219 = arith.select %ge3A_1217, %masked_sort3A_1094, %rev3A_1216 : vector<16xi1>, vector<16xi32>
        %select_n3A_1220 = arith.select %ge3A_1217, %rev3A_1211, %masked_sort3A_1093 : vector<16xi1>, vector<16xf32>
        %select_n3A_1221 = arith.select %ge3A_1217, %rev3A_1216, %masked_sort3A_1094 : vector<16xi1>, vector<16xi32>
        %masked_sort3A_1222 = arith.constant dense<true> : vector<16xi1>
        %masked_sort3A_1223, %masked_sort3A_1224, %masked_sort3A_1225 = tpu.sort %select_n3A_1218, %select_n3A_1219 masked %masked_sort3A_1222 {descending = true} : (vector<16xf32>, vector<16xi32>, vector<16xi1>) -> (vector<16xi1>, vector<16xf32>, vector<16xi32>)
        %rev3A_1226 = arith.constant 15 : i32
        %rev3A_1227 = vector.broadcast %rev3A_1226 : i32 to vector<16xi32>
        %rev3A_1228 = tpu.iota {dimensions = array<i32: 0>} : vector<16xi32>
        %rev3A_1229 = arith.subi %rev3A_1227, %rev3A_1228 : vector<16xi32>
        %rev3A_1230 = tpu.dynamic_gather %masked_sort3A_1105[%rev3A_1229] in [0] : vector<16xf32>, vector<16xi32> -> vector<16xf32>
        %rev3A_1231 = arith.constant 15 : i32
        %rev3A_1232 = vector.broadcast %rev3A_1231 : i32 to vector<16xi32>
        %rev3A_1233 = tpu.iota {dimensions = array<i32: 0>} : vector<16xi32>
        %rev3A_1234 = arith.subi %rev3A_1232, %rev3A_1233 : vector<16xi32>
        %rev3A_1235 = tpu.dynamic_gather %masked_sort3A_1106[%rev3A_1234] in [0] : vector<16xi32>, vector<16xi32> -> vector<16xi32>
        %ge3A_1236 = arith.cmpf oge, %masked_sort3A_1101, %rev3A_1230 : vector<16xf32>
        %select_n3A_1237 = arith.select %ge3A_1236, %masked_sort3A_1101, %rev3A_1230 : vector<16xi1>, vector<16xf32>
        %select_n3A_1238 = arith.select %ge3A_1236, %masked_sort3A_1102, %rev3A_1235 : vector<16xi1>, vector<16xi32>
        %select_n3A_1239 = arith.select %ge3A_1236, %rev3A_1230, %masked_sort3A_1101 : vector<16xi1>, vector<16xf32>
        %select_n3A_1240 = arith.select %ge3A_1236, %rev3A_1235, %masked_sort3A_1102 : vector<16xi1>, vector<16xi32>
        %masked_sort3A_1241 = arith.constant dense<true> : vector<16xi1>
        %masked_sort3A_1242, %masked_sort3A_1243, %masked_sort3A_1244 = tpu.sort %select_n3A_1237, %select_n3A_1238 masked %masked_sort3A_1241 {descending = true} : (vector<16xf32>, vector<16xi32>, vector<16xi1>) -> (vector<16xi1>, vector<16xf32>, vector<16xi32>)
        %rev3A_1245 = arith.constant 15 : i32
        %rev3A_1246 = vector.broadcast %rev3A_1245 : i32 to vector<16xi32>
        %rev3A_1247 = tpu.iota {dimensions = array<i32: 0>} : vector<16xi32>
        %rev3A_1248 = arith.subi %rev3A_1246, %rev3A_1247 : vector<16xi32>
        %rev3A_1249 = tpu.dynamic_gather %masked_sort3A_1113[%rev3A_1248] in [0] : vector<16xf32>, vector<16xi32> -> vector<16xf32>
        %rev3A_1250 = arith.constant 15 : i32
        %rev3A_1251 = vector.broadcast %rev3A_1250 : i32 to vector<16xi32>
        %rev3A_1252 = tpu.iota {dimensions = array<i32: 0>} : vector<16xi32>
        %rev3A_1253 = arith.subi %rev3A_1251, %rev3A_1252 : vector<16xi32>
        %rev3A_1254 = tpu.dynamic_gather %masked_sort3A_1114[%rev3A_1253] in [0] : vector<16xi32>, vector<16xi32> -> vector<16xi32>
        %ge3A_1255 = arith.cmpf oge, %masked_sort3A_1109, %rev3A_1249 : vector<16xf32>
        %select_n3A_1256 = arith.select %ge3A_1255, %masked_sort3A_1109, %rev3A_1249 : vector<16xi1>, vector<16xf32>
        %select_n3A_1257 = arith.select %ge3A_1255, %masked_sort3A_1110, %rev3A_1254 : vector<16xi1>, vector<16xi32>
        %select_n3A_1258 = arith.select %ge3A_1255, %rev3A_1249, %masked_sort3A_1109 : vector<16xi1>, vector<16xf32>
        %select_n3A_1259 = arith.select %ge3A_1255, %rev3A_1254, %masked_sort3A_1110 : vector<16xi1>, vector<16xi32>
        %masked_sort3A_1260 = arith.constant dense<true> : vector<16xi1>
        %masked_sort3A_1261, %masked_sort3A_1262, %masked_sort3A_1263 = tpu.sort %select_n3A_1256, %select_n3A_1257 masked %masked_sort3A_1260 {descending = true} : (vector<16xf32>, vector<16xi32>, vector<16xi1>) -> (vector<16xi1>, vector<16xf32>, vector<16xi32>)
        %rev3A_1264 = arith.constant 15 : i32
        %rev3A_1265 = vector.broadcast %rev3A_1264 : i32 to vector<16xi32>
        %rev3A_1266 = tpu.iota {dimensions = array<i32: 0>} : vector<16xi32>
        %rev3A_1267 = arith.subi %rev3A_1265, %rev3A_1266 : vector<16xi32>
        %rev3A_1268 = tpu.dynamic_gather %masked_sort3A_1121[%rev3A_1267] in [0] : vector<16xf32>, vector<16xi32> -> vector<16xf32>
        %rev3A_1269 = arith.constant 15 : i32
        %rev3A_1270 = vector.broadcast %rev3A_1269 : i32 to vector<16xi32>
        %rev3A_1271 = tpu.iota {dimensions = array<i32: 0>} : vector<16xi32>
        %rev3A_1272 = arith.subi %rev3A_1270, %rev3A_1271 : vector<16xi32>
        %rev3A_1273 = tpu.dynamic_gather %masked_sort3A_1122[%rev3A_1272] in [0] : vector<16xi32>, vector<16xi32> -> vector<16xi32>
        %ge3A_1274 = arith.cmpf oge, %masked_sort3A_1117, %rev3A_1268 : vector<16xf32>
        %select_n3A_1275 = arith.select %ge3A_1274, %masked_sort3A_1117, %rev3A_1268 : vector<16xi1>, vector<16xf32>
        %select_n3A_1276 = arith.select %ge3A_1274, %masked_sort3A_1118, %rev3A_1273 : vector<16xi1>, vector<16xi32>
        %select_n3A_1277 = arith.select %ge3A_1274, %rev3A_1268, %masked_sort3A_1117 : vector<16xi1>, vector<16xf32>
        %select_n3A_1278 = arith.select %ge3A_1274, %rev3A_1273, %masked_sort3A_1118 : vector<16xi1>, vector<16xi32>
        %masked_sort3A_1279 = arith.constant dense<true> : vector<16xi1>
        %masked_sort3A_1280, %masked_sort3A_1281, %masked_sort3A_1282 = tpu.sort %select_n3A_1275, %select_n3A_1276 masked %masked_sort3A_1279 {descending = true} : (vector<16xf32>, vector<16xi32>, vector<16xi1>) -> (vector<16xi1>, vector<16xf32>, vector<16xi32>)
        %rev3A_1283 = arith.constant 15 : i32
        %rev3A_1284 = vector.broadcast %rev3A_1283 : i32 to vector<16xi32>
        %rev3A_1285 = tpu.iota {dimensions = array<i32: 0>} : vector<16xi32>
        %rev3A_1286 = arith.subi %rev3A_1284, %rev3A_1285 : vector<16xi32>
        %rev3A_1287 = tpu.dynamic_gather %masked_sort3A_1129[%rev3A_1286] in [0] : vector<16xf32>, vector<16xi32> -> vector<16xf32>
        %rev3A_1288 = arith.constant 15 : i32
        %rev3A_1289 = vector.broadcast %rev3A_1288 : i32 to vector<16xi32>
        %rev3A_1290 = tpu.iota {dimensions = array<i32: 0>} : vector<16xi32>
        %rev3A_1291 = arith.subi %rev3A_1289, %rev3A_1290 : vector<16xi32>
        %rev3A_1292 = tpu.dynamic_gather %masked_sort3A_1130[%rev3A_1291] in [0] : vector<16xi32>, vector<16xi32> -> vector<16xi32>
        %ge3A_1293 = arith.cmpf oge, %masked_sort3A_1125, %rev3A_1287 : vector<16xf32>
        %select_n3A_1294 = arith.select %ge3A_1293, %masked_sort3A_1125, %rev3A_1287 : vector<16xi1>, vector<16xf32>
        %select_n3A_1295 = arith.select %ge3A_1293, %masked_sort3A_1126, %rev3A_1292 : vector<16xi1>, vector<16xi32>
        %select_n3A_1296 = arith.select %ge3A_1293, %rev3A_1287, %masked_sort3A_1125 : vector<16xi1>, vector<16xf32>
        %select_n3A_1297 = arith.select %ge3A_1293, %rev3A_1292, %masked_sort3A_1126 : vector<16xi1>, vector<16xi32>
        %masked_sort3A_1298 = arith.constant dense<true> : vector<16xi1>
        %masked_sort3A_1299, %masked_sort3A_1300, %masked_sort3A_1301 = tpu.sort %select_n3A_1294, %select_n3A_1295 masked %masked_sort3A_1298 {descending = true} : (vector<16xf32>, vector<16xi32>, vector<16xi1>) -> (vector<16xi1>, vector<16xf32>, vector<16xi32>)
        %rev3A_1302 = arith.constant 15 : i32
        %rev3A_1303 = vector.broadcast %rev3A_1302 : i32 to vector<16xi32>
        %rev3A_1304 = tpu.iota {dimensions = array<i32: 0>} : vector<16xi32>
        %rev3A_1305 = arith.subi %rev3A_1303, %rev3A_1304 : vector<16xi32>
        %rev3A_1306 = tpu.dynamic_gather %masked_sort3A_1167[%rev3A_1305] in [0] : vector<16xf32>, vector<16xi32> -> vector<16xf32>
        %rev3A_1307 = arith.constant 15 : i32
        %rev3A_1308 = vector.broadcast %rev3A_1307 : i32 to vector<16xi32>
        %rev3A_1309 = tpu.iota {dimensions = array<i32: 0>} : vector<16xi32>
        %rev3A_1310 = arith.subi %rev3A_1308, %rev3A_1309 : vector<16xi32>
        %rev3A_1311 = tpu.dynamic_gather %masked_sort3A_1168[%rev3A_1310] in [0] : vector<16xi32>, vector<16xi32> -> vector<16xi32>
        %ge3A_1312 = arith.cmpf oge, %masked_sort3A_1148, %rev3A_1306 : vector<16xf32>
        %select_n3A_1313 = arith.select %ge3A_1312, %masked_sort3A_1148, %rev3A_1306 : vector<16xi1>, vector<16xf32>
        %select_n3A_1314 = arith.select %ge3A_1312, %masked_sort3A_1149, %rev3A_1311 : vector<16xi1>, vector<16xi32>
        %select_n3A_1315 = arith.select %ge3A_1312, %rev3A_1306, %masked_sort3A_1148 : vector<16xi1>, vector<16xf32>
        %select_n3A_1316 = arith.select %ge3A_1312, %rev3A_1311, %masked_sort3A_1149 : vector<16xi1>, vector<16xi32>
        %masked_sort3A_1317 = arith.constant dense<true> : vector<16xi1>
        %masked_sort3A_1318, %masked_sort3A_1319, %masked_sort3A_1320 = tpu.sort %select_n3A_1313, %select_n3A_1314 masked %masked_sort3A_1317 {descending = true} : (vector<16xf32>, vector<16xi32>, vector<16xi1>) -> (vector<16xi1>, vector<16xf32>, vector<16xi32>)
        %rev3A_1321 = arith.constant 15 : i32
        %rev3A_1322 = vector.broadcast %rev3A_1321 : i32 to vector<16xi32>
        %rev3A_1323 = tpu.iota {dimensions = array<i32: 0>} : vector<16xi32>
        %rev3A_1324 = arith.subi %rev3A_1322, %rev3A_1323 : vector<16xi32>
        %rev3A_1325 = tpu.dynamic_gather %masked_sort3A_1205[%rev3A_1324] in [0] : vector<16xf32>, vector<16xi32> -> vector<16xf32>
        %rev3A_1326 = arith.constant 15 : i32
        %rev3A_1327 = vector.broadcast %rev3A_1326 : i32 to vector<16xi32>
        %rev3A_1328 = tpu.iota {dimensions = array<i32: 0>} : vector<16xi32>
        %rev3A_1329 = arith.subi %rev3A_1327, %rev3A_1328 : vector<16xi32>
        %rev3A_1330 = tpu.dynamic_gather %masked_sort3A_1206[%rev3A_1329] in [0] : vector<16xi32>, vector<16xi32> -> vector<16xi32>
        %ge3A_1331 = arith.cmpf oge, %masked_sort3A_1186, %rev3A_1325 : vector<16xf32>
        %select_n3A_1332 = arith.select %ge3A_1331, %masked_sort3A_1186, %rev3A_1325 : vector<16xi1>, vector<16xf32>
        %select_n3A_1333 = arith.select %ge3A_1331, %masked_sort3A_1187, %rev3A_1330 : vector<16xi1>, vector<16xi32>
        %select_n3A_1334 = arith.select %ge3A_1331, %rev3A_1325, %masked_sort3A_1186 : vector<16xi1>, vector<16xf32>
        %select_n3A_1335 = arith.select %ge3A_1331, %rev3A_1330, %masked_sort3A_1187 : vector<16xi1>, vector<16xi32>
        %masked_sort3A_1336 = arith.constant dense<true> : vector<16xi1>
        %masked_sort3A_1337, %masked_sort3A_1338, %masked_sort3A_1339 = tpu.sort %select_n3A_1332, %select_n3A_1333 masked %masked_sort3A_1336 {descending = true} : (vector<16xf32>, vector<16xi32>, vector<16xi1>) -> (vector<16xi1>, vector<16xf32>, vector<16xi32>)
        %rev3A_1340 = arith.constant 15 : i32
        %rev3A_1341 = vector.broadcast %rev3A_1340 : i32 to vector<16xi32>
        %rev3A_1342 = tpu.iota {dimensions = array<i32: 0>} : vector<16xi32>
        %rev3A_1343 = arith.subi %rev3A_1341, %rev3A_1342 : vector<16xi32>
        %rev3A_1344 = tpu.dynamic_gather %masked_sort3A_1243[%rev3A_1343] in [0] : vector<16xf32>, vector<16xi32> -> vector<16xf32>
        %rev3A_1345 = arith.constant 15 : i32
        %rev3A_1346 = vector.broadcast %rev3A_1345 : i32 to vector<16xi32>
        %rev3A_1347 = tpu.iota {dimensions = array<i32: 0>} : vector<16xi32>
        %rev3A_1348 = arith.subi %rev3A_1346, %rev3A_1347 : vector<16xi32>
        %rev3A_1349 = tpu.dynamic_gather %masked_sort3A_1244[%rev3A_1348] in [0] : vector<16xi32>, vector<16xi32> -> vector<16xi32>
        %ge3A_1350 = arith.cmpf oge, %masked_sort3A_1224, %rev3A_1344 : vector<16xf32>
        %select_n3A_1351 = arith.select %ge3A_1350, %masked_sort3A_1224, %rev3A_1344 : vector<16xi1>, vector<16xf32>
        %select_n3A_1352 = arith.select %ge3A_1350, %masked_sort3A_1225, %rev3A_1349 : vector<16xi1>, vector<16xi32>
        %select_n3A_1353 = arith.select %ge3A_1350, %rev3A_1344, %masked_sort3A_1224 : vector<16xi1>, vector<16xf32>
        %select_n3A_1354 = arith.select %ge3A_1350, %rev3A_1349, %masked_sort3A_1225 : vector<16xi1>, vector<16xi32>
        %masked_sort3A_1355 = arith.constant dense<true> : vector<16xi1>
        %masked_sort3A_1356, %masked_sort3A_1357, %masked_sort3A_1358 = tpu.sort %select_n3A_1351, %select_n3A_1352 masked %masked_sort3A_1355 {descending = true} : (vector<16xf32>, vector<16xi32>, vector<16xi1>) -> (vector<16xi1>, vector<16xf32>, vector<16xi32>)
        %rev3A_1359 = arith.constant 15 : i32
        %rev3A_1360 = vector.broadcast %rev3A_1359 : i32 to vector<16xi32>
        %rev3A_1361 = tpu.iota {dimensions = array<i32: 0>} : vector<16xi32>
        %rev3A_1362 = arith.subi %rev3A_1360, %rev3A_1361 : vector<16xi32>
        %rev3A_1363 = tpu.dynamic_gather %masked_sort3A_1281[%rev3A_1362] in [0] : vector<16xf32>, vector<16xi32> -> vector<16xf32>
        %rev3A_1364 = arith.constant 15 : i32
        %rev3A_1365 = vector.broadcast %rev3A_1364 : i32 to vector<16xi32>
        %rev3A_1366 = tpu.iota {dimensions = array<i32: 0>} : vector<16xi32>
        %rev3A_1367 = arith.subi %rev3A_1365, %rev3A_1366 : vector<16xi32>
        %rev3A_1368 = tpu.dynamic_gather %masked_sort3A_1282[%rev3A_1367] in [0] : vector<16xi32>, vector<16xi32> -> vector<16xi32>
        %ge3A_1369 = arith.cmpf oge, %masked_sort3A_1262, %rev3A_1363 : vector<16xf32>
        %select_n3A_1370 = arith.select %ge3A_1369, %masked_sort3A_1262, %rev3A_1363 : vector<16xi1>, vector<16xf32>
        %select_n3A_1371 = arith.select %ge3A_1369, %masked_sort3A_1263, %rev3A_1368 : vector<16xi1>, vector<16xi32>
        %select_n3A_1372 = arith.select %ge3A_1369, %rev3A_1363, %masked_sort3A_1262 : vector<16xi1>, vector<16xf32>
        %select_n3A_1373 = arith.select %ge3A_1369, %rev3A_1368, %masked_sort3A_1263 : vector<16xi1>, vector<16xi32>
        %masked_sort3A_1374 = arith.constant dense<true> : vector<16xi1>
        %masked_sort3A_1375, %masked_sort3A_1376, %masked_sort3A_1377 = tpu.sort %select_n3A_1370, %select_n3A_1371 masked %masked_sort3A_1374 {descending = true} : (vector<16xf32>, vector<16xi32>, vector<16xi1>) -> (vector<16xi1>, vector<16xf32>, vector<16xi32>)
        %rev3A_1378 = arith.constant 15 : i32
        %rev3A_1379 = vector.broadcast %rev3A_1378 : i32 to vector<16xi32>
        %rev3A_1380 = tpu.iota {dimensions = array<i32: 0>} : vector<16xi32>
        %rev3A_1381 = arith.subi %rev3A_1379, %rev3A_1380 : vector<16xi32>
        %rev3A_1382 = tpu.dynamic_gather %masked_sort3A_1338[%rev3A_1381] in [0] : vector<16xf32>, vector<16xi32> -> vector<16xf32>
        %rev3A_1383 = arith.constant 15 : i32
        %rev3A_1384 = vector.broadcast %rev3A_1383 : i32 to vector<16xi32>
        %rev3A_1385 = tpu.iota {dimensions = array<i32: 0>} : vector<16xi32>
        %rev3A_1386 = arith.subi %rev3A_1384, %rev3A_1385 : vector<16xi32>
        %rev3A_1387 = tpu.dynamic_gather %masked_sort3A_1339[%rev3A_1386] in [0] : vector<16xi32>, vector<16xi32> -> vector<16xi32>
        %ge3A_1388 = arith.cmpf oge, %masked_sort3A_1319, %rev3A_1382 : vector<16xf32>
        %select_n3A_1389 = arith.select %ge3A_1388, %masked_sort3A_1319, %rev3A_1382 : vector<16xi1>, vector<16xf32>
        %select_n3A_1390 = arith.select %ge3A_1388, %masked_sort3A_1320, %rev3A_1387 : vector<16xi1>, vector<16xi32>
        %select_n3A_1391 = arith.select %ge3A_1388, %rev3A_1382, %masked_sort3A_1319 : vector<16xi1>, vector<16xf32>
        %select_n3A_1392 = arith.select %ge3A_1388, %rev3A_1387, %masked_sort3A_1320 : vector<16xi1>, vector<16xi32>
        %masked_sort3A_1393 = arith.constant dense<true> : vector<16xi1>
        %masked_sort3A_1394, %masked_sort3A_1395, %masked_sort3A_1396 = tpu.sort %select_n3A_1389, %select_n3A_1390 masked %masked_sort3A_1393 {descending = true} : (vector<16xf32>, vector<16xi32>, vector<16xi1>) -> (vector<16xi1>, vector<16xf32>, vector<16xi32>)
        %rev3A_1397 = arith.constant 15 : i32
        %rev3A_1398 = vector.broadcast %rev3A_1397 : i32 to vector<16xi32>
        %rev3A_1399 = tpu.iota {dimensions = array<i32: 0>} : vector<16xi32>
        %rev3A_1400 = arith.subi %rev3A_1398, %rev3A_1399 : vector<16xi32>
        %rev3A_1401 = tpu.dynamic_gather %masked_sort3A_1376[%rev3A_1400] in [0] : vector<16xf32>, vector<16xi32> -> vector<16xf32>
        %rev3A_1402 = arith.constant 15 : i32
        %rev3A_1403 = vector.broadcast %rev3A_1402 : i32 to vector<16xi32>
        %rev3A_1404 = tpu.iota {dimensions = array<i32: 0>} : vector<16xi32>
        %rev3A_1405 = arith.subi %rev3A_1403, %rev3A_1404 : vector<16xi32>
        %rev3A_1406 = tpu.dynamic_gather %masked_sort3A_1377[%rev3A_1405] in [0] : vector<16xi32>, vector<16xi32> -> vector<16xi32>
        %ge3A_1407 = arith.cmpf oge, %masked_sort3A_1357, %rev3A_1401 : vector<16xf32>
        %select_n3A_1408 = arith.select %ge3A_1407, %masked_sort3A_1357, %rev3A_1401 : vector<16xi1>, vector<16xf32>
        %select_n3A_1409 = arith.select %ge3A_1407, %masked_sort3A_1358, %rev3A_1406 : vector<16xi1>, vector<16xi32>
        %select_n3A_1410 = arith.select %ge3A_1407, %rev3A_1401, %masked_sort3A_1357 : vector<16xi1>, vector<16xf32>
        %select_n3A_1411 = arith.select %ge3A_1407, %rev3A_1406, %masked_sort3A_1358 : vector<16xi1>, vector<16xi32>
        %masked_sort3A_1412 = arith.constant dense<true> : vector<16xi1>
        %masked_sort3A_1413, %masked_sort3A_1414, %masked_sort3A_1415 = tpu.sort %select_n3A_1408, %select_n3A_1409 masked %masked_sort3A_1412 {descending = true} : (vector<16xf32>, vector<16xi32>, vector<16xi1>) -> (vector<16xi1>, vector<16xf32>, vector<16xi32>)
        %rev3A_1416 = arith.constant 15 : i32
        %rev3A_1417 = vector.broadcast %rev3A_1416 : i32 to vector<16xi32>
        %rev3A_1418 = tpu.iota {dimensions = array<i32: 0>} : vector<16xi32>
        %rev3A_1419 = arith.subi %rev3A_1417, %rev3A_1418 : vector<16xi32>
        %rev3A_1420 = tpu.dynamic_gather %masked_sort3A_1414[%rev3A_1419] in [0] : vector<16xf32>, vector<16xi32> -> vector<16xf32>
        %rev3A_1421 = arith.constant 15 : i32
        %rev3A_1422 = vector.broadcast %rev3A_1421 : i32 to vector<16xi32>
        %rev3A_1423 = tpu.iota {dimensions = array<i32: 0>} : vector<16xi32>
        %rev3A_1424 = arith.subi %rev3A_1422, %rev3A_1423 : vector<16xi32>
        %rev3A_1425 = tpu.dynamic_gather %masked_sort3A_1415[%rev3A_1424] in [0] : vector<16xi32>, vector<16xi32> -> vector<16xi32>
        %ge3A_1426 = arith.cmpf oge, %masked_sort3A_1395, %rev3A_1420 : vector<16xf32>
        %select_n3A_1427 = arith.select %ge3A_1426, %masked_sort3A_1395, %rev3A_1420 : vector<16xi1>, vector<16xf32>
        %select_n3A_1428 = arith.select %ge3A_1426, %masked_sort3A_1396, %rev3A_1425 : vector<16xi1>, vector<16xi32>
        %select_n3A_1429 = arith.select %ge3A_1426, %rev3A_1420, %masked_sort3A_1395 : vector<16xi1>, vector<16xf32>
        %select_n3A_1430 = arith.select %ge3A_1426, %rev3A_1425, %masked_sort3A_1396 : vector<16xi1>, vector<16xi32>
        %masked_sort3A_1431 = arith.constant dense<true> : vector<16xi1>
        %masked_sort3A_1432, %masked_sort3A_1433, %masked_sort3A_1434 = tpu.sort %select_n3A_1427, %select_n3A_1428 masked %masked_sort3A_1431 {descending = true} : (vector<16xf32>, vector<16xi32>, vector<16xi1>) -> (vector<16xi1>, vector<16xf32>, vector<16xi32>)
        %rev3A_1435 = arith.constant 15 : i32
        %rev3A_1436 = vector.broadcast %rev3A_1435 : i32 to vector<16xi32>
        %rev3A_1437 = tpu.iota {dimensions = array<i32: 0>} : vector<16xi32>
        %rev3A_1438 = arith.subi %rev3A_1436, %rev3A_1437 : vector<16xi32>
        %rev3A_1439 = tpu.dynamic_gather %masked_sort3A_1300[%rev3A_1438] in [0] : vector<16xf32>, vector<16xi32> -> vector<16xf32>
        %rev3A_1440 = arith.constant 15 : i32
        %rev3A_1441 = vector.broadcast %rev3A_1440 : i32 to vector<16xi32>
        %rev3A_1442 = tpu.iota {dimensions = array<i32: 0>} : vector<16xi32>
        %rev3A_1443 = arith.subi %rev3A_1441, %rev3A_1442 : vector<16xi32>
        %rev3A_1444 = tpu.dynamic_gather %masked_sort3A_1301[%rev3A_1443] in [0] : vector<16xi32>, vector<16xi32> -> vector<16xi32>
        %ge3A_1445 = arith.cmpf oge, %masked_sort3A_1433, %rev3A_1439 : vector<16xf32>
        %select_n3A_1446 = arith.select %ge3A_1445, %masked_sort3A_1433, %rev3A_1439 : vector<16xi1>, vector<16xf32>
        %select_n3A_1447 = arith.select %ge3A_1445, %masked_sort3A_1434, %rev3A_1444 : vector<16xi1>, vector<16xi32>
        %select_n3A_1448 = arith.select %ge3A_1445, %rev3A_1439, %masked_sort3A_1433 : vector<16xi1>, vector<16xf32>
        %select_n3A_1449 = arith.select %ge3A_1445, %rev3A_1444, %masked_sort3A_1434 : vector<16xi1>, vector<16xi32>
        %masked_sort3A_1450 = arith.constant dense<true> : vector<16xi1>
        %masked_sort3A_1451, %masked_sort3A_1452, %masked_sort3A_1453 = tpu.sort %select_n3A_1446, %select_n3A_1447 masked %masked_sort3A_1450 {descending = true} : (vector<16xf32>, vector<16xi32>, vector<16xi1>) -> (vector<16xi1>, vector<16xf32>, vector<16xi32>)
        %shift_right_logical3A = arith.constant 6 : i32
        %shift_right_logical3A_1454 = vector.broadcast %shift_right_logical3A : i32 to vector<16xi32>
        %shift_right_logical3A_1455 = arith.shrui %masked_sort3A_1453, %shift_right_logical3A_1454 : vector<16xi32>
        %and3A = arith.constant 63 : i32
        %and3A_1456 = vector.broadcast %and3A : i32 to vector<16xi32>
        %and3A_1457 = arith.andi %masked_sort3A_1453, %and3A_1456 : vector<16xi32>
        %lt3A_1458 = arith.constant 0 : i32
        %lt3A_1459 = vector.broadcast %lt3A_1458 : i32 to vector<16xi32>
        %lt3A_1460 = arith.cmpi slt, %shift_right_logical3A_1455, %lt3A_1459 : vector<16xi32>
        %add3A_1461 = arith.constant 16 : i32
        %add3A_1462 = vector.broadcast %add3A_1461 : i32 to vector<16xi32>
        %add3A_1463 = arith.addi %shift_right_logical3A_1455, %add3A_1462 : vector<16xi32>
        %select_n3A_1464 = arith.select %lt3A_1460, %add3A_1463, %shift_right_logical3A_1455 : vector<16xi1>, vector<16xi32>
        %broadcast_in_dim3A_1465 = vector.shape_cast %select_n3A_1464 : vector<16xi32> to vector<16x1xi32>
        %gather3A_1466 = vector.shape_cast %broadcast_in_dim3A_1465 : vector<16x1xi32> to vector<16xi32>
        %gather3A_1467 = tpu.dynamic_gather %while3A_184[%gather3A_1466] in [0] : vector<16xf32>, vector<16xi32> -> vector<16xf32>
        %lt3A_1468 = arith.constant 0 : i32
        %lt3A_1469 = vector.broadcast %lt3A_1468 : i32 to vector<16xi32>
        %lt3A_1470 = arith.cmpi slt, %shift_right_logical3A_1455, %lt3A_1469 : vector<16xi32>
        %add3A_1471 = arith.constant 16 : i32
        %add3A_1472 = vector.broadcast %add3A_1471 : i32 to vector<16xi32>
        %add3A_1473 = arith.addi %shift_right_logical3A_1455, %add3A_1472 : vector<16xi32>
        %select_n3A_1474 = arith.select %lt3A_1470, %add3A_1473, %shift_right_logical3A_1455 : vector<16xi1>, vector<16xi32>
        %broadcast_in_dim3A_1475 = vector.shape_cast %select_n3A_1474 : vector<16xi32> to vector<16x1xi32>
        %gather3A_1476 = vector.shape_cast %broadcast_in_dim3A_1475 : vector<16x1xi32> to vector<16xi32>
        %gather3A_1477 = tpu.dynamic_gather %add3A_253[%gather3A_1476] in [0] : vector<16xf32>, vector<16xi32> -> vector<16xf32>
        %lt3A_1478 = arith.constant 0 : i32
        %lt3A_1479 = vector.broadcast %lt3A_1478 : i32 to vector<16xi32>
        %lt3A_1480 = arith.cmpi slt, %shift_right_logical3A_1455, %lt3A_1479 : vector<16xi32>
        %add3A_1481 = arith.constant 16 : i32
        %add3A_1482 = vector.broadcast %add3A_1481 : i32 to vector<16xi32>
        %add3A_1483 = arith.addi %shift_right_logical3A_1455, %add3A_1482 : vector<16xi32>
        %select_n3A_1484 = arith.select %lt3A_1480, %add3A_1483, %shift_right_logical3A_1455 : vector<16xi1>, vector<16xi32>
        %broadcast_in_dim3A_1485 = vector.shape_cast %select_n3A_1484 : vector<16xi32> to vector<16x1xi32>
        %gather3A_1486 = vector.shape_cast %broadcast_in_dim3A_1485 : vector<16x1xi32> to vector<16xi32>
        %gather3A_1487 = tpu.dynamic_gather %select_n3A_259[%gather3A_1486] in [0] : vector<16xf32>, vector<16xi32> -> vector<16xf32>
        %lt3A_1488 = arith.constant 0 : i32
        %lt3A_1489 = vector.broadcast %lt3A_1488 : i32 to vector<16xi32>
        %lt3A_1490 = arith.cmpi slt, %shift_right_logical3A_1455, %lt3A_1489 : vector<16xi32>
        %add3A_1491 = arith.constant 16 : i32
        %add3A_1492 = vector.broadcast %add3A_1491 : i32 to vector<16xi32>
        %add3A_1493 = arith.addi %shift_right_logical3A_1455, %add3A_1492 : vector<16xi32>
        %select_n3A_1494 = arith.select %lt3A_1490, %add3A_1493, %shift_right_logical3A_1455 : vector<16xi1>, vector<16xi32>
        %broadcast_in_dim3A_1495 = vector.shape_cast %select_n3A_1494 : vector<16xi32> to vector<16x1xi32>
        %gather3A_1496 = vector.shape_cast %broadcast_in_dim3A_1495 : vector<16x1xi32> to vector<16xi32>
        %gather3A_1497 = tpu.dynamic_gather %add3A_234[%gather3A_1496] in [0] : vector<16xf32>, vector<16xi32> -> vector<16xf32>
        %lt3A_1498 = arith.constant 0 : i32
        %lt3A_1499 = vector.broadcast %lt3A_1498 : i32 to vector<16xi32>
        %lt3A_1500 = arith.cmpi slt, %shift_right_logical3A_1455, %lt3A_1499 : vector<16xi32>
        %add3A_1501 = arith.constant 16 : i32
        %add3A_1502 = vector.broadcast %add3A_1501 : i32 to vector<16xi32>
        %add3A_1503 = arith.addi %shift_right_logical3A_1455, %add3A_1502 : vector<16xi32>
        %select_n3A_1504 = arith.select %lt3A_1500, %add3A_1503, %shift_right_logical3A_1455 : vector<16xi1>, vector<16xi32>
        %broadcast_in_dim3A_1505 = vector.shape_cast %select_n3A_1504 : vector<16xi32> to vector<16x1xi32>
        %gather3A_1506 = vector.shape_cast %broadcast_in_dim3A_1505 : vector<16x1xi32> to vector<16xi32>
        %gather3A_1507 = tpu.dynamic_gather %while3A_186[%gather3A_1506] in [0] : vector<16xi32>, vector<16xi32> -> vector<16xi32>
        %lt3A_1508 = arith.constant 0 : i32
        %lt3A_1509 = vector.broadcast %lt3A_1508 : i32 to vector<16xi32>
        %lt3A_1510 = arith.cmpi slt, %shift_right_logical3A_1455, %lt3A_1509 : vector<16xi32>
        %add3A_1511 = arith.constant 16 : i32
        %add3A_1512 = vector.broadcast %add3A_1511 : i32 to vector<16xi32>
        %add3A_1513 = arith.addi %shift_right_logical3A_1455, %add3A_1512 : vector<16xi32>
        %select_n3A_1514 = arith.select %lt3A_1510, %add3A_1513, %shift_right_logical3A_1455 : vector<16xi1>, vector<16xi32>
        %broadcast_in_dim3A_1515 = vector.shape_cast %select_n3A_1514 : vector<16xi32> to vector<16x1xi32>
        %gather3A_1516 = vector.shape_cast %broadcast_in_dim3A_1515 : vector<16x1xi32> to vector<16xi32>
        %gather3A_1517 = tpu.dynamic_gather %while3A_187[%gather3A_1516] in [0] : vector<16xi32>, vector<16xi32> -> vector<16xi32>
        %broadcast_in_dim3A_1518 = arith.constant 0 : i32
        %broadcast_in_dim3A_1519 = vector.broadcast %broadcast_in_dim3A_1518 : i32 to vector<16xi32>
        %add3A_1520 = vector.broadcast %while3A_183 : i32 to vector<16xi32>
        %add3A_1521 = arith.addi %broadcast_in_dim3A_1519, %add3A_1520 : vector<16xi32>
        %gather3A_1522 = tpu.vector_load_idx %arg5[%add3A_1521, %and3A_1457] : memref<256x64xf32, #tpu.memory_space<vmem>>[vector<16xi32>, vector<16xi32>], vector<16xf32>,
        %eq3A_1523 = arith.cmpi eq, %and3A_1457, %gather3A_1507 : vector<16xi32>
        %select_n3A_1524 = arith.select %eq3A_1523, %gather3A_1467, %gather3A_1497 : vector<16xi1>, vector<16xf32>
        %add3A_1525 = arith.addf %select_n3A_1524, %gather3A_1522 : vector<16xf32>
        %eq3A_1526 = arith.constant 0 : i32
        %eq3A_1527 = vector.broadcast %eq3A_1526 : i32 to vector<16xi32>
        %eq3A_1528 = arith.cmpi eq, %and3A_1457, %eq3A_1527 : vector<16xi32>
        %jit3A_1529 = arith.constant -1.000000e+30 : f32
        %broadcast_in_dim3A_1530 = vector.broadcast %jit3A_1529 : f32 to vector<16xf32>
        %select_n3A_1531 = arith.select %eq3A_1528, %gather3A_1477, %broadcast_in_dim3A_1530 : vector<16xi1>, vector<16xf32>
        %select_n3A_1532 = arith.select %eq3A_1528, %gather3A_1487, %add3A_1525 : vector<16xi1>, vector<16xf32>
        %select_n3A_1533 = arith.select %eq3A_1528, %gather3A_1507, %and3A_1457 : vector<16xi1>, vector<16xi32>
        %add3A_1534 = arith.constant 1 : i32
        %add3A_1535 = vector.broadcast %add3A_1534 : i32 to vector<16xi32>
        %add3A_1536 = arith.addi %gather3A_1517, %add3A_1535 : vector<16xi32>
        %min3A = arith.constant 256 : i32
        %min3A_1537 = vector.broadcast %min3A : i32 to vector<16xi32>
        %min3A_1538 = arith.minsi %add3A_1536, %min3A_1537 : vector<16xi32>
        %select_n3A_1539 = arith.select %eq3A_1528, %gather3A_1517, %min3A_1538 : vector<16xi1>, vector<16xi32>
        %swap3A_1540 = arith.index_cast %while3A_183 : i32 to index
        %swap3A_1541 = arith.constant 0 : index
        %swap3A_1542 = tpu.vector_load %arg7[%swap3A_1540, %swap3A_1541] {strides = array<i32>} : memref<256x16xi32, #tpu.memory_space<vmem>>, vector<16xi32>,
        tpu.vector_store %arg7[%swap3A_1540, %swap3A_1541], %shift_right_logical3A_1455 {strides = array<i32>} : memref<256x16xi32, #tpu.memory_space<vmem>>, vector<16xi32>,
        %jit3A_1543 = arith.constant -1 : i32
        %broadcast_in_dim3A_1544 = vector.broadcast %jit3A_1543 : i32 to vector<16xi32>
        %select_n3A_1545 = arith.select %eq3A_1528, %broadcast_in_dim3A_1544, %and3A_1457 : vector<16xi1>, vector<16xi32>
        %swap3A_1546 = arith.index_cast %while3A_183 : i32 to index
        %swap3A_1547 = arith.constant 0 : index
        %swap3A_1548 = tpu.vector_load %arg8[%swap3A_1546, %swap3A_1547] {strides = array<i32>} : memref<256x16xi32, #tpu.memory_space<vmem>>, vector<16xi32>,
        tpu.vector_store %arg8[%swap3A_1546, %swap3A_1547], %select_n3A_1545 {strides = array<i32>} : memref<256x16xi32, #tpu.memory_space<vmem>>, vector<16xi32>,
        scf.yield %select_n3A_1531, %select_n3A_1532, %select_n3A_1533, %select_n3A_1539 : vector<16xf32>, vector<16xf32>, vector<16xi32>, vector<16xi32>
      }
      %while3A_25 = arith.constant 1 : i32
      %while3A_26:4 = scf.for %while3A_183 = %while3A_22 to %while3A_18 step %while3A_25 iter_args(%while3A_184 = %while3A_24#0, %while3A_185 = %while3A_24#1, %while3A_186 = %while3A_24#2, %while3A_187 = %while3A_24#3) -> (vector<16xf32>, vector<16xf32>, vector<16xi32>, vector<16xi32>)  : i32 {
        %max3A_188 = arith.maximumf %while3A_184, %while3A_185 : vector<16xf32>
        %sub3A_189 = arith.subf %while3A_184, %while3A_185 : vector<16xf32>
        %abs3A_190 = math.absf %sub3A_189 : vector<16xf32>
        %neg3A_191 = arith.constant 0.000000e+00 : f32
        %neg3A_192 = vector.broadcast %neg3A_191 : f32 to vector<16xf32>
        %neg3A_193 = arith.subf %neg3A_192, %abs3A_190 : vector<16xf32>
        %exp3A_194 = math.exp %neg3A_193 : vector<16xf32>
        %add3A_195 = arith.constant 2.000000e+00 : f32
        %add3A_196 = vector.broadcast %add3A_195 : f32 to vector<16xf32>
        %add3A_197 = arith.addf %exp3A_194, %add3A_196 : vector<16xf32>
        %div3A_198 = arith.divf %exp3A_194, %add3A_197 : vector<16xf32>
        %mul3A_199 = arith.mulf %div3A_198, %div3A_198 : vector<16xf32>
        %broadcast_in_dim3A_200 = arith.constant 0.0666666701 : f32
        %broadcast_in_dim3A_201 = vector.broadcast %broadcast_in_dim3A_200 : f32 to vector<16xf32>
        %mul3A_202 = arith.mulf %broadcast_in_dim3A_201, %mul3A_199 : vector<16xf32>
        %add3A_203 = arith.constant 0.0769230798 : f32
        %add3A_204 = vector.broadcast %add3A_203 : f32 to vector<16xf32>
        %add3A_205 = arith.addf %mul3A_202, %add3A_204 : vector<16xf32>
        %mul3A_206 = arith.mulf %add3A_205, %mul3A_199 : vector<16xf32>
        %add3A_207 = arith.constant 0.0909090936 : f32
        %add3A_208 = vector.broadcast %add3A_207 : f32 to vector<16xf32>
        %add3A_209 = arith.addf %mul3A_206, %add3A_208 : vector<16xf32>
        %mul3A_210 = arith.mulf %add3A_209, %mul3A_199 : vector<16xf32>
        %add3A_211 = arith.constant 0.111111112 : f32
        %add3A_212 = vector.broadcast %add3A_211 : f32 to vector<16xf32>
        %add3A_213 = arith.addf %mul3A_210, %add3A_212 : vector<16xf32>
        %mul3A_214 = arith.mulf %add3A_213, %mul3A_199 : vector<16xf32>
        %add3A_215 = arith.constant 0.142857149 : f32
        %add3A_216 = vector.broadcast %add3A_215 : f32 to vector<16xf32>
        %add3A_217 = arith.addf %mul3A_214, %add3A_216 : vector<16xf32>
        %mul3A_218 = arith.mulf %add3A_217, %mul3A_199 : vector<16xf32>
        %add3A_219 = arith.constant 2.000000e-01 : f32
        %add3A_220 = vector.broadcast %add3A_219 : f32 to vector<16xf32>
        %add3A_221 = arith.addf %mul3A_218, %add3A_220 : vector<16xf32>
        %mul3A_222 = arith.mulf %add3A_221, %mul3A_199 : vector<16xf32>
        %add3A_223 = arith.constant 0.333333343 : f32
        %add3A_224 = vector.broadcast %add3A_223 : f32 to vector<16xf32>
        %add3A_225 = arith.addf %mul3A_222, %add3A_224 : vector<16xf32>
        %mul3A_226 = arith.mulf %add3A_225, %mul3A_199 : vector<16xf32>
        %add3A_227 = arith.constant 1.000000e+00 : f32
        %add3A_228 = vector.broadcast %add3A_227 : f32 to vector<16xf32>
        %add3A_229 = arith.addf %mul3A_226, %add3A_228 : vector<16xf32>
        %mul3A_230 = arith.constant 2.000000e+00 : f32
        %mul3A_231 = vector.broadcast %mul3A_230 : f32 to vector<16xf32>
        %mul3A_232 = arith.mulf %mul3A_231, %div3A_198 : vector<16xf32>
        %mul3A_233 = arith.mulf %mul3A_232, %add3A_229 : vector<16xf32>
        %add3A_234 = arith.addf %max3A_188, %mul3A_233 : vector<16xf32>
        %broadcast_in_dim3A_235 = arith.constant 0 : i32
        %broadcast_in_dim3A_236 = vector.broadcast %broadcast_in_dim3A_235 : i32 to vector<16xi32>
        %add3A_237 = vector.broadcast %while3A_183 : i32 to vector<16xi32>
        %add3A_238 = arith.addi %broadcast_in_dim3A_236, %add3A_237 : vector<16xi32>
        %broadcast_in_dim3A_239 = arith.constant 0 : i32
        %broadcast_in_dim3A_240 = vector.broadcast %broadcast_in_dim3A_239 : i32 to vector<16xi32>
        %add3A_241 = arith.constant 0 : i32
        %add3A_242 = vector.broadcast %add3A_241 : i32 to vector<16xi32>
        %add3A_243 = arith.addi %broadcast_in_dim3A_240, %add3A_242 : vector<16xi32>
        %gather3A_244 = tpu.vector_load_idx %arg5[%add3A_238, %add3A_243] : memref<256x64xf32, #tpu.memory_space<vmem>>[vector<16xi32>, vector<16xi32>], vector<16xf32>,
        %max3A_245 = arith.constant 0 : i32
        %max3A_246 = vector.broadcast %max3A_245 : i32 to vector<16xi32>
        %max3A_247 = arith.maxsi %while3A_186, %max3A_246 : vector<16xi32>
        %broadcast_in_dim3A_248 = arith.constant 0 : i32
        %broadcast_in_dim3A_249 = vector.broadcast %broadcast_in_dim3A_248 : i32 to vector<16xi32>
        %add3A_250 = vector.broadcast %while3A_183 : i32 to vector<16xi32>
        %add3A_251 = arith.addi %broadcast_in_dim3A_249, %add3A_250 : vector<16xi32>
        %gather3A_252 = tpu.vector_load_idx %arg5[%add3A_251, %max3A_247] : memref<256x64xf32, #tpu.memory_space<vmem>>[vector<16xi32>, vector<16xi32>], vector<16xf32>,
        %add3A_253 = arith.addf %add3A_234, %gather3A_244 : vector<16xf32>
        %ge3A = arith.constant 0 : i32
        %ge3A_254 = vector.broadcast %ge3A : i32 to vector<16xi32>
        %ge3A_255 = arith.cmpi sge, %while3A_186, %ge3A_254 : vector<16xi32>
        %add3A_256 = arith.addf %while3A_185, %gather3A_252 : vector<16xf32>
        %jit3A_257 = arith.constant -1.000000e+30 : f32
        %broadcast_in_dim3A_258 = vector.broadcast %jit3A_257 : f32 to vector<16xf32>
        %select_n3A_259 = arith.select %ge3A_255, %add3A_256, %broadcast_in_dim3A_258 : vector<16xi1>, vector<16xf32>
        %max3A_260 = arith.maximumf %add3A_253, %select_n3A_259 : vector<16xf32>
        %sub3A_261 = arith.subf %add3A_253, %select_n3A_259 : vector<16xf32>
        %abs3A_262 = math.absf %sub3A_261 : vector<16xf32>
        %neg3A_263 = arith.constant 0.000000e+00 : f32
        %neg3A_264 = vector.broadcast %neg3A_263 : f32 to vector<16xf32>
        %neg3A_265 = arith.subf %neg3A_264, %abs3A_262 : vector<16xf32>
        %exp3A_266 = math.exp %neg3A_265 : vector<16xf32>
        %add3A_267 = arith.constant 2.000000e+00 : f32
        %add3A_268 = vector.broadcast %add3A_267 : f32 to vector<16xf32>
        %add3A_269 = arith.addf %exp3A_266, %add3A_268 : vector<16xf32>
        %div3A_270 = arith.divf %exp3A_266, %add3A_269 : vector<16xf32>
        %mul3A_271 = arith.mulf %div3A_270, %div3A_270 : vector<16xf32>
        %broadcast_in_dim3A_272 = arith.constant 0.0666666701 : f32
        %broadcast_in_dim3A_273 = vector.broadcast %broadcast_in_dim3A_272 : f32 to vector<16xf32>
        %mul3A_274 = arith.mulf %broadcast_in_dim3A_273, %mul3A_271 : vector<16xf32>
        %add3A_275 = arith.constant 0.0769230798 : f32
        %add3A_276 = vector.broadcast %add3A_275 : f32 to vector<16xf32>
        %add3A_277 = arith.addf %mul3A_274, %add3A_276 : vector<16xf32>
        %mul3A_278 = arith.mulf %add3A_277, %mul3A_271 : vector<16xf32>
        %add3A_279 = arith.constant 0.0909090936 : f32
        %add3A_280 = vector.broadcast %add3A_279 : f32 to vector<16xf32>
        %add3A_281 = arith.addf %mul3A_278, %add3A_280 : vector<16xf32>
        %mul3A_282 = arith.mulf %add3A_281, %mul3A_271 : vector<16xf32>
        %add3A_283 = arith.constant 0.111111112 : f32
        %add3A_284 = vector.broadcast %add3A_283 : f32 to vector<16xf32>
        %add3A_285 = arith.addf %mul3A_282, %add3A_284 : vector<16xf32>
        %mul3A_286 = arith.mulf %add3A_285, %mul3A_271 : vector<16xf32>
        %add3A_287 = arith.constant 0.142857149 : f32
        %add3A_288 = vector.broadcast %add3A_287 : f32 to vector<16xf32>
        %add3A_289 = arith.addf %mul3A_286, %add3A_288 : vector<16xf32>
        %mul3A_290 = arith.mulf %add3A_289, %mul3A_271 : vector<16xf32>
        %add3A_291 = arith.constant 2.000000e-01 : f32
        %add3A_292 = vector.broadcast %add3A_291 : f32 to vector<16xf32>
        %add3A_293 = arith.addf %mul3A_290, %add3A_292 : vector<16xf32>
        %mul3A_294 = arith.mulf %add3A_293, %mul3A_271 : vector<16xf32>
        %add3A_295 = arith.constant 0.333333343 : f32
        %add3A_296 = vector.broadcast %add3A_295 : f32 to vector<16xf32>
        %add3A_297 = arith.addf %mul3A_294, %add3A_296 : vector<16xf32>
        %mul3A_298 = arith.mulf %add3A_297, %mul3A_271 : vector<16xf32>
        %add3A_299 = arith.constant 1.000000e+00 : f32
        %add3A_300 = vector.broadcast %add3A_299 : f32 to vector<16xf32>
        %add3A_301 = arith.addf %mul3A_298, %add3A_300 : vector<16xf32>
        %mul3A_302 = arith.constant 2.000000e+00 : f32
        %mul3A_303 = vector.broadcast %mul3A_302 : f32 to vector<16xf32>
        %mul3A_304 = arith.mulf %mul3A_303, %div3A_270 : vector<16xf32>
        %mul3A_305 = arith.mulf %mul3A_304, %add3A_301 : vector<16xf32>
        %add3A_306 = arith.addf %max3A_260, %mul3A_305 : vector<16xf32>
        %add3A_307 = arith.constant 0 : i32
        %add3A_308 = vector.broadcast %add3A_307 : i32 to vector<16xi32>
        %add3A_309 = arith.addi %iota3A, %add3A_308 : vector<16xi32>
        %broadcast_in_dim3A_310 = arith.constant 0 : i32
        %broadcast_in_dim3A_311 = vector.broadcast %broadcast_in_dim3A_310 : i32 to vector<16xi32>
        %add3A_312 = vector.broadcast %while3A_183 : i32 to vector<16xi32>
        %add3A_313 = arith.addi %broadcast_in_dim3A_311, %add3A_312 : vector<16xi32>
        %gather3A_314 = tpu.vector_load_idx %arg5[%add3A_313, %add3A_309] : memref<256x64xf32, #tpu.memory_space<vmem>>[vector<16xi32>, vector<16xi32>], vector<16xf32>,
        %eq3A_315 = arith.constant 0 : i32
        %eq3A_316 = vector.broadcast %eq3A_315 : i32 to vector<16xi32>
        %eq3A_317 = arith.cmpi eq, %iota3A, %eq3A_316 : vector<16xi32>
        %jit3A_318 = arith.constant -1.000000e+30 : f32
        %broadcast_in_dim3A_319 = vector.broadcast %jit3A_318 : f32 to vector<16xf32>
        %select_n3A_320 = arith.select %eq3A_317, %broadcast_in_dim3A_319, %gather3A_314 : vector<16xi1>, vector<16xf32>
        %masked_sort3A_321 = arith.constant dense<true> : vector<16xi1>
        %masked_sort3A_322, %masked_sort3A_323, %masked_sort3A_324 = tpu.sort %select_n3A_320, %add3A_309 masked %masked_sort3A_321 {descending = true} : (vector<16xf32>, vector<16xi32>, vector<16xi1>) -> (vector<16xi1>, vector<16xf32>, vector<16xi32>)
        %add3A_325 = arith.constant 16 : i32
        %add3A_326 = vector.broadcast %add3A_325 : i32 to vector<16xi32>
        %add3A_327 = arith.addi %iota3A, %add3A_326 : vector<16xi32>
        %broadcast_in_dim3A_328 = arith.constant 0 : i32
        %broadcast_in_dim3A_329 = vector.broadcast %broadcast_in_dim3A_328 : i32 to vector<16xi32>
        %add3A_330 = vector.broadcast %while3A_183 : i32 to vector<16xi32>
        %add3A_331 = arith.addi %broadcast_in_dim3A_329, %add3A_330 : vector<16xi32>
        %gather3A_332 = tpu.vector_load_idx %arg5[%add3A_331, %add3A_327] : memref<256x64xf32, #tpu.memory_space<vmem>>[vector<16xi32>, vector<16xi32>], vector<16xf32>,
        %masked_sort3A_333 = arith.constant dense<true> : vector<16xi1>
        %masked_sort3A_334, %masked_sort3A_335, %masked_sort3A_336 = tpu.sort %gather3A_332, %add3A_327 masked %masked_sort3A_333 {descending = true} : (vector<16xf32>, vector<16xi32>, vector<16xi1>) -> (vector<16xi1>, vector<16xf32>, vector<16xi32>)
        %add3A_337 = arith.constant 32 : i32
        %add3A_338 = vector.broadcast %add3A_337 : i32 to vector<16xi32>
        %add3A_339 = arith.addi %iota3A, %add3A_338 : vector<16xi32>
        %broadcast_in_dim3A_340 = arith.constant 0 : i32
        %broadcast_in_dim3A_341 = vector.broadcast %broadcast_in_dim3A_340 : i32 to vector<16xi32>
        %add3A_342 = vector.broadcast %while3A_183 : i32 to vector<16xi32>
        %add3A_343 = arith.addi %broadcast_in_dim3A_341, %add3A_342 : vector<16xi32>
        %gather3A_344 = tpu.vector_load_idx %arg5[%add3A_343, %add3A_339] : memref<256x64xf32, #tpu.memory_space<vmem>>[vector<16xi32>, vector<16xi32>], vector<16xf32>,
        %masked_sort3A_345 = arith.constant dense<true> : vector<16xi1>
        %masked_sort3A_346, %masked_sort3A_347, %masked_sort3A_348 = tpu.sort %gather3A_344, %add3A_339 masked %masked_sort3A_345 {descending = true} : (vector<16xf32>, vector<16xi32>, vector<16xi1>) -> (vector<16xi1>, vector<16xf32>, vector<16xi32>)
        %add3A_349 = arith.constant 48 : i32
        %add3A_350 = vector.broadcast %add3A_349 : i32 to vector<16xi32>
        %add3A_351 = arith.addi %iota3A, %add3A_350 : vector<16xi32>
        %broadcast_in_dim3A_352 = arith.constant 0 : i32
        %broadcast_in_dim3A_353 = vector.broadcast %broadcast_in_dim3A_352 : i32 to vector<16xi32>
        %add3A_354 = vector.broadcast %while3A_183 : i32 to vector<16xi32>
        %add3A_355 = arith.addi %broadcast_in_dim3A_353, %add3A_354 : vector<16xi32>
        %gather3A_356 = tpu.vector_load_idx %arg5[%add3A_355, %add3A_351] : memref<256x64xf32, #tpu.memory_space<vmem>>[vector<16xi32>, vector<16xi32>], vector<16xf32>,
        %masked_sort3A_357 = arith.constant dense<true> : vector<16xi1>
        %masked_sort3A_358, %masked_sort3A_359, %masked_sort3A_360 = tpu.sort %gather3A_356, %add3A_351 masked %masked_sort3A_357 {descending = true} : (vector<16xf32>, vector<16xi32>, vector<16xi1>) -> (vector<16xi1>, vector<16xf32>, vector<16xi32>)
        %rev3A = arith.constant 15 : i32
        %rev3A_361 = vector.broadcast %rev3A : i32 to vector<16xi32>
        %rev3A_362 = tpu.iota {dimensions = array<i32: 0>} : vector<16xi32>
        %rev3A_363 = arith.subi %rev3A_361, %rev3A_362 : vector<16xi32>
        %rev3A_364 = tpu.dynamic_gather %masked_sort3A_335[%rev3A_363] in [0] : vector<16xf32>, vector<16xi32> -> vector<16xf32>
        %rev3A_365 = arith.constant 15 : i32
        %rev3A_366 = vector.broadcast %rev3A_365 : i32 to vector<16xi32>
        %rev3A_367 = tpu.iota {dimensions = array<i32: 0>} : vector<16xi32>
        %rev3A_368 = arith.subi %rev3A_366, %rev3A_367 : vector<16xi32>
        %rev3A_369 = tpu.dynamic_gather %masked_sort3A_336[%rev3A_368] in [0] : vector<16xi32>, vector<16xi32> -> vector<16xi32>
        %ge3A_370 = arith.cmpf oge, %masked_sort3A_323, %rev3A_364 : vector<16xf32>
        %select_n3A_371 = arith.select %ge3A_370, %masked_sort3A_323, %rev3A_364 : vector<16xi1>, vector<16xf32>
        %select_n3A_372 = arith.select %ge3A_370, %masked_sort3A_324, %rev3A_369 : vector<16xi1>, vector<16xi32>
        %select_n3A_373 = arith.select %ge3A_370, %rev3A_364, %masked_sort3A_323 : vector<16xi1>, vector<16xf32>
        %select_n3A_374 = arith.select %ge3A_370, %rev3A_369, %masked_sort3A_324 : vector<16xi1>, vector<16xi32>
        %masked_sort3A_375 = arith.constant dense<true> : vector<16xi1>
        %masked_sort3A_376, %masked_sort3A_377, %masked_sort3A_378 = tpu.sort %select_n3A_371, %select_n3A_372 masked %masked_sort3A_375 {descending = true} : (vector<16xf32>, vector<16xi32>, vector<16xi1>) -> (vector<16xi1>, vector<16xf32>, vector<16xi32>)
        %rev3A_379 = arith.constant 15 : i32
        %rev3A_380 = vector.broadcast %rev3A_379 : i32 to vector<16xi32>
        %rev3A_381 = tpu.iota {dimensions = array<i32: 0>} : vector<16xi32>
        %rev3A_382 = arith.subi %rev3A_380, %rev3A_381 : vector<16xi32>
        %rev3A_383 = tpu.dynamic_gather %masked_sort3A_359[%rev3A_382] in [0] : vector<16xf32>, vector<16xi32> -> vector<16xf32>
        %rev3A_384 = arith.constant 15 : i32
        %rev3A_385 = vector.broadcast %rev3A_384 : i32 to vector<16xi32>
        %rev3A_386 = tpu.iota {dimensions = array<i32: 0>} : vector<16xi32>
        %rev3A_387 = arith.subi %rev3A_385, %rev3A_386 : vector<16xi32>
        %rev3A_388 = tpu.dynamic_gather %masked_sort3A_360[%rev3A_387] in [0] : vector<16xi32>, vector<16xi32> -> vector<16xi32>
        %ge3A_389 = arith.cmpf oge, %masked_sort3A_347, %rev3A_383 : vector<16xf32>
        %select_n3A_390 = arith.select %ge3A_389, %masked_sort3A_347, %rev3A_383 : vector<16xi1>, vector<16xf32>
        %select_n3A_391 = arith.select %ge3A_389, %masked_sort3A_348, %rev3A_388 : vector<16xi1>, vector<16xi32>
        %select_n3A_392 = arith.select %ge3A_389, %rev3A_383, %masked_sort3A_347 : vector<16xi1>, vector<16xf32>
        %select_n3A_393 = arith.select %ge3A_389, %rev3A_388, %masked_sort3A_348 : vector<16xi1>, vector<16xi32>
        %masked_sort3A_394 = arith.constant dense<true> : vector<16xi1>
        %masked_sort3A_395, %masked_sort3A_396, %masked_sort3A_397 = tpu.sort %select_n3A_390, %select_n3A_391 masked %masked_sort3A_394 {descending = true} : (vector<16xf32>, vector<16xi32>, vector<16xi1>) -> (vector<16xi1>, vector<16xf32>, vector<16xi32>)
        %rev3A_398 = arith.constant 15 : i32
        %rev3A_399 = vector.broadcast %rev3A_398 : i32 to vector<16xi32>
        %rev3A_400 = tpu.iota {dimensions = array<i32: 0>} : vector<16xi32>
        %rev3A_401 = arith.subi %rev3A_399, %rev3A_400 : vector<16xi32>
        %rev3A_402 = tpu.dynamic_gather %masked_sort3A_396[%rev3A_401] in [0] : vector<16xf32>, vector<16xi32> -> vector<16xf32>
        %rev3A_403 = arith.constant 15 : i32
        %rev3A_404 = vector.broadcast %rev3A_403 : i32 to vector<16xi32>
        %rev3A_405 = tpu.iota {dimensions = array<i32: 0>} : vector<16xi32>
        %rev3A_406 = arith.subi %rev3A_404, %rev3A_405 : vector<16xi32>
        %rev3A_407 = tpu.dynamic_gather %masked_sort3A_397[%rev3A_406] in [0] : vector<16xi32>, vector<16xi32> -> vector<16xi32>
        %ge3A_408 = arith.cmpf oge, %masked_sort3A_377, %rev3A_402 : vector<16xf32>
        %select_n3A_409 = arith.select %ge3A_408, %masked_sort3A_377, %rev3A_402 : vector<16xi1>, vector<16xf32>
        %select_n3A_410 = arith.select %ge3A_408, %masked_sort3A_378, %rev3A_407 : vector<16xi1>, vector<16xi32>
        %select_n3A_411 = arith.select %ge3A_408, %rev3A_402, %masked_sort3A_377 : vector<16xi1>, vector<16xf32>
        %select_n3A_412 = arith.select %ge3A_408, %rev3A_407, %masked_sort3A_378 : vector<16xi1>, vector<16xi32>
        %masked_sort3A_413 = arith.constant dense<true> : vector<16xi1>
        %masked_sort3A_414, %masked_sort3A_415, %masked_sort3A_416 = tpu.sort %select_n3A_409, %select_n3A_410 masked %masked_sort3A_413 {descending = true} : (vector<16xf32>, vector<16xi32>, vector<16xi1>) -> (vector<16xi1>, vector<16xf32>, vector<16xi32>)
        %ge3A_417 = arith.cmpf oge, %select_n3A_373, %select_n3A_392 : vector<16xf32>
        %select_n3A_418 = arith.select %ge3A_417, %select_n3A_373, %select_n3A_392 : vector<16xi1>, vector<16xf32>
        %select_n3A_419 = arith.select %ge3A_417, %select_n3A_374, %select_n3A_393 : vector<16xi1>, vector<16xi32>
        %ge3A_420 = arith.cmpf oge, %select_n3A_418, %select_n3A_411 : vector<16xf32>
        %select_n3A_421 = arith.select %ge3A_420, %select_n3A_418, %select_n3A_411 : vector<16xi1>, vector<16xf32>
        %select_n3A_422 = arith.select %ge3A_420, %select_n3A_419, %select_n3A_412 : vector<16xi1>, vector<16xi32>
        %masked_sort3A_423 = arith.constant dense<true> : vector<16xi1>
        %masked_sort3A_424, %masked_sort3A_425, %masked_sort3A_426 = tpu.sort %select_n3A_421, %select_n3A_422 masked %masked_sort3A_423 {descending = true} : (vector<16xf32>, vector<16xi32>, vector<16xi1>) -> (vector<16xi1>, vector<16xf32>, vector<16xi32>)
        %mul3A_427 = arith.constant 64 : i32
        %mul3A_428 = vector.broadcast %mul3A_427 : i32 to vector<16xi32>
        %mul3A_429 = arith.muli %iota3A, %mul3A_428 : vector<16xi32>
        %broadcast_in_dim3A_430 = arith.constant 0 : i32
        %broadcast_in_dim3A_431 = vector.broadcast %broadcast_in_dim3A_430 : i32 to vector<16xi32>
        %add3A_432 = arith.constant 0 : i32
        %add3A_433 = vector.broadcast %add3A_432 : i32 to vector<16xi32>
        %add3A_434 = arith.addi %broadcast_in_dim3A_431, %add3A_433 : vector<16xi32>
        %lt3A_435 = arith.constant 0 : i32
        %lt3A_436 = vector.broadcast %lt3A_435 : i32 to vector<16xi32>
        %lt3A_437 = arith.cmpi slt, %add3A_434, %lt3A_436 : vector<16xi32>
        %add3A_438 = arith.constant 16 : i32
        %add3A_439 = vector.broadcast %add3A_438 : i32 to vector<16xi32>
        %add3A_440 = arith.addi %add3A_434, %add3A_439 : vector<16xi32>
        %select_n3A_441 = arith.select %lt3A_437, %add3A_440, %add3A_434 : vector<16xi1>, vector<16xi32>
        %broadcast_in_dim3A_442 = vector.shape_cast %select_n3A_441 : vector<16xi32> to vector<16x1xi32>
        %gather3A_443 = vector.shape_cast %broadcast_in_dim3A_442 : vector<16x1xi32> to vector<16xi32>
        %gather3A_444 = tpu.dynamic_gather %masked_sort3A_416[%gather3A_443] in [0] : vector<16xi32>, vector<16xi32> -> vector<16xi32>
        %broadcast_in_dim3A_445 = arith.constant 0 : i32
        %broadcast_in_dim3A_446 = vector.broadcast %broadcast_in_dim3A_445 : i32 to vector<16xi32>
        %add3A_447 = arith.constant 0 : i32
        %add3A_448 = vector.broadcast %add3A_447 : i32 to vector<16xi32>
        %add3A_449 = arith.addi %broadcast_in_dim3A_446, %add3A_448 : vector<16xi32>
        %lt3A_450 = arith.constant 0 : i32
        %lt3A_451 = vector.broadcast %lt3A_450 : i32 to vector<16xi32>
        %lt3A_452 = arith.cmpi slt, %add3A_449, %lt3A_451 : vector<16xi32>
        %add3A_453 = arith.constant 16 : i32
        %add3A_454 = vector.broadcast %add3A_453 : i32 to vector<16xi32>
        %add3A_455 = arith.addi %add3A_449, %add3A_454 : vector<16xi32>
        %select_n3A_456 = arith.select %lt3A_452, %add3A_455, %add3A_449 : vector<16xi1>, vector<16xi32>
        %broadcast_in_dim3A_457 = vector.shape_cast %select_n3A_456 : vector<16xi32> to vector<16x1xi32>
        %gather3A_458 = vector.shape_cast %broadcast_in_dim3A_457 : vector<16x1xi32> to vector<16xi32>
        %gather3A_459 = tpu.dynamic_gather %masked_sort3A_415[%gather3A_458] in [0] : vector<16xf32>, vector<16xi32> -> vector<16xf32>
        %eq3A_460 = arith.cmpi eq, %while3A_186, %gather3A_444 : vector<16xi32>
        %select_n3A_461 = arith.select %eq3A_460, %while3A_184, %add3A_234 : vector<16xi1>, vector<16xf32>
        %add3A_462 = arith.addf %select_n3A_461, %gather3A_459 : vector<16xf32>
        %mul3A_463 = arith.constant 64 : i32
        %mul3A_464 = vector.broadcast %mul3A_463 : i32 to vector<16xi32>
        %mul3A_465 = arith.muli %iota3A, %mul3A_464 : vector<16xi32>
        %add3A_466 = arith.addi %mul3A_465, %gather3A_444 : vector<16xi32>
        %broadcast_in_dim3A_467 = arith.constant 0 : i32
        %broadcast_in_dim3A_468 = vector.broadcast %broadcast_in_dim3A_467 : i32 to vector<16xi32>
        %add3A_469 = arith.constant 1 : i32
        %add3A_470 = vector.broadcast %add3A_469 : i32 to vector<16xi32>
        %add3A_471 = arith.addi %broadcast_in_dim3A_468, %add3A_470 : vector<16xi32>
        %lt3A_472 = arith.constant 0 : i32
        %lt3A_473 = vector.broadcast %lt3A_472 : i32 to vector<16xi32>
        %lt3A_474 = arith.cmpi slt, %add3A_471, %lt3A_473 : vector<16xi32>
        %add3A_475 = arith.constant 16 : i32
        %add3A_476 = vector.broadcast %add3A_475 : i32 to vector<16xi32>
        %add3A_477 = arith.addi %add3A_471, %add3A_476 : vector<16xi32>
        %select_n3A_478 = arith.select %lt3A_474, %add3A_477, %add3A_471 : vector<16xi1>, vector<16xi32>
        %broadcast_in_dim3A_479 = vector.shape_cast %select_n3A_478 : vector<16xi32> to vector<16x1xi32>
        %gather3A_480 = vector.shape_cast %broadcast_in_dim3A_479 : vector<16x1xi32> to vector<16xi32>
        %gather3A_481 = tpu.dynamic_gather %masked_sort3A_416[%gather3A_480] in [0] : vector<16xi32>, vector<16xi32> -> vector<16xi32>
        %broadcast_in_dim3A_482 = arith.constant 0 : i32
        %broadcast_in_dim3A_483 = vector.broadcast %broadcast_in_dim3A_482 : i32 to vector<16xi32>
        %add3A_484 = arith.constant 1 : i32
        %add3A_485 = vector.broadcast %add3A_484 : i32 to vector<16xi32>
        %add3A_486 = arith.addi %broadcast_in_dim3A_483, %add3A_485 : vector<16xi32>
        %lt3A_487 = arith.constant 0 : i32
        %lt3A_488 = vector.broadcast %lt3A_487 : i32 to vector<16xi32>
        %lt3A_489 = arith.cmpi slt, %add3A_486, %lt3A_488 : vector<16xi32>
        %add3A_490 = arith.constant 16 : i32
        %add3A_491 = vector.broadcast %add3A_490 : i32 to vector<16xi32>
        %add3A_492 = arith.addi %add3A_486, %add3A_491 : vector<16xi32>
        %select_n3A_493 = arith.select %lt3A_489, %add3A_492, %add3A_486 : vector<16xi1>, vector<16xi32>
        %broadcast_in_dim3A_494 = vector.shape_cast %select_n3A_493 : vector<16xi32> to vector<16x1xi32>
        %gather3A_495 = vector.shape_cast %broadcast_in_dim3A_494 : vector<16x1xi32> to vector<16xi32>
        %gather3A_496 = tpu.dynamic_gather %masked_sort3A_415[%gather3A_495] in [0] : vector<16xf32>, vector<16xi32> -> vector<16xf32>
        %eq3A_497 = arith.cmpi eq, %while3A_186, %gather3A_481 : vector<16xi32>
        %select_n3A_498 = arith.select %eq3A_497, %while3A_184, %add3A_234 : vector<16xi1>, vector<16xf32>
        %add3A_499 = arith.addf %select_n3A_498, %gather3A_496 : vector<16xf32>
        %mul3A_500 = arith.constant 64 : i32
        %mul3A_501 = vector.broadcast %mul3A_500 : i32 to vector<16xi32>
        %mul3A_502 = arith.muli %iota3A, %mul3A_501 : vector<16xi32>
        %add3A_503 = arith.addi %mul3A_502, %gather3A_481 : vector<16xi32>
        %broadcast_in_dim3A_504 = arith.constant 0 : i32
        %broadcast_in_dim3A_505 = vector.broadcast %broadcast_in_dim3A_504 : i32 to vector<16xi32>
        %add3A_506 = arith.constant 2 : i32
        %add3A_507 = vector.broadcast %add3A_506 : i32 to vector<16xi32>
        %add3A_508 = arith.addi %broadcast_in_dim3A_505, %add3A_507 : vector<16xi32>
        %lt3A_509 = arith.constant 0 : i32
        %lt3A_510 = vector.broadcast %lt3A_509 : i32 to vector<16xi32>
        %lt3A_511 = arith.cmpi slt, %add3A_508, %lt3A_510 : vector<16xi32>
        %add3A_512 = arith.constant 16 : i32
        %add3A_513 = vector.broadcast %add3A_512 : i32 to vector<16xi32>
        %add3A_514 = arith.addi %add3A_508, %add3A_513 : vector<16xi32>
        %select_n3A_515 = arith.select %lt3A_511, %add3A_514, %add3A_508 : vector<16xi1>, vector<16xi32>
        %broadcast_in_dim3A_516 = vector.shape_cast %select_n3A_515 : vector<16xi32> to vector<16x1xi32>
        %gather3A_517 = vector.shape_cast %broadcast_in_dim3A_516 : vector<16x1xi32> to vector<16xi32>
        %gather3A_518 = tpu.dynamic_gather %masked_sort3A_416[%gather3A_517] in [0] : vector<16xi32>, vector<16xi32> -> vector<16xi32>
        %broadcast_in_dim3A_519 = arith.constant 0 : i32
        %broadcast_in_dim3A_520 = vector.broadcast %broadcast_in_dim3A_519 : i32 to vector<16xi32>
        %add3A_521 = arith.constant 2 : i32
        %add3A_522 = vector.broadcast %add3A_521 : i32 to vector<16xi32>
        %add3A_523 = arith.addi %broadcast_in_dim3A_520, %add3A_522 : vector<16xi32>
        %lt3A_524 = arith.constant 0 : i32
        %lt3A_525 = vector.broadcast %lt3A_524 : i32 to vector<16xi32>
        %lt3A_526 = arith.cmpi slt, %add3A_523, %lt3A_525 : vector<16xi32>
        %add3A_527 = arith.constant 16 : i32
        %add3A_528 = vector.broadcast %add3A_527 : i32 to vector<16xi32>
        %add3A_529 = arith.addi %add3A_523, %add3A_528 : vector<16xi32>
        %select_n3A_530 = arith.select %lt3A_526, %add3A_529, %add3A_523 : vector<16xi1>, vector<16xi32>
        %broadcast_in_dim3A_531 = vector.shape_cast %select_n3A_530 : vector<16xi32> to vector<16x1xi32>
        %gather3A_532 = vector.shape_cast %broadcast_in_dim3A_531 : vector<16x1xi32> to vector<16xi32>
        %gather3A_533 = tpu.dynamic_gather %masked_sort3A_415[%gather3A_532] in [0] : vector<16xf32>, vector<16xi32> -> vector<16xf32>
        %eq3A_534 = arith.cmpi eq, %while3A_186, %gather3A_518 : vector<16xi32>
        %select_n3A_535 = arith.select %eq3A_534, %while3A_184, %add3A_234 : vector<16xi1>, vector<16xf32>
        %add3A_536 = arith.addf %select_n3A_535, %gather3A_533 : vector<16xf32>
        %mul3A_537 = arith.constant 64 : i32
        %mul3A_538 = vector.broadcast %mul3A_537 : i32 to vector<16xi32>
        %mul3A_539 = arith.muli %iota3A, %mul3A_538 : vector<16xi32>
        %add3A_540 = arith.addi %mul3A_539, %gather3A_518 : vector<16xi32>
        %broadcast_in_dim3A_541 = arith.constant 0 : i32
        %broadcast_in_dim3A_542 = vector.broadcast %broadcast_in_dim3A_541 : i32 to vector<16xi32>
        %add3A_543 = arith.constant 3 : i32
        %add3A_544 = vector.broadcast %add3A_543 : i32 to vector<16xi32>
        %add3A_545 = arith.addi %broadcast_in_dim3A_542, %add3A_544 : vector<16xi32>
        %lt3A_546 = arith.constant 0 : i32
        %lt3A_547 = vector.broadcast %lt3A_546 : i32 to vector<16xi32>
        %lt3A_548 = arith.cmpi slt, %add3A_545, %lt3A_547 : vector<16xi32>
        %add3A_549 = arith.constant 16 : i32
        %add3A_550 = vector.broadcast %add3A_549 : i32 to vector<16xi32>
        %add3A_551 = arith.addi %add3A_545, %add3A_550 : vector<16xi32>
        %select_n3A_552 = arith.select %lt3A_548, %add3A_551, %add3A_545 : vector<16xi1>, vector<16xi32>
        %broadcast_in_dim3A_553 = vector.shape_cast %select_n3A_552 : vector<16xi32> to vector<16x1xi32>
        %gather3A_554 = vector.shape_cast %broadcast_in_dim3A_553 : vector<16x1xi32> to vector<16xi32>
        %gather3A_555 = tpu.dynamic_gather %masked_sort3A_416[%gather3A_554] in [0] : vector<16xi32>, vector<16xi32> -> vector<16xi32>
        %broadcast_in_dim3A_556 = arith.constant 0 : i32
        %broadcast_in_dim3A_557 = vector.broadcast %broadcast_in_dim3A_556 : i32 to vector<16xi32>
        %add3A_558 = arith.constant 3 : i32
        %add3A_559 = vector.broadcast %add3A_558 : i32 to vector<16xi32>
        %add3A_560 = arith.addi %broadcast_in_dim3A_557, %add3A_559 : vector<16xi32>
        %lt3A_561 = arith.constant 0 : i32
        %lt3A_562 = vector.broadcast %lt3A_561 : i32 to vector<16xi32>
        %lt3A_563 = arith.cmpi slt, %add3A_560, %lt3A_562 : vector<16xi32>
        %add3A_564 = arith.constant 16 : i32
        %add3A_565 = vector.broadcast %add3A_564 : i32 to vector<16xi32>
        %add3A_566 = arith.addi %add3A_560, %add3A_565 : vector<16xi32>
        %select_n3A_567 = arith.select %lt3A_563, %add3A_566, %add3A_560 : vector<16xi1>, vector<16xi32>
        %broadcast_in_dim3A_568 = vector.shape_cast %select_n3A_567 : vector<16xi32> to vector<16x1xi32>
        %gather3A_569 = vector.shape_cast %broadcast_in_dim3A_568 : vector<16x1xi32> to vector<16xi32>
        %gather3A_570 = tpu.dynamic_gather %masked_sort3A_415[%gather3A_569] in [0] : vector<16xf32>, vector<16xi32> -> vector<16xf32>
        %eq3A_571 = arith.cmpi eq, %while3A_186, %gather3A_555 : vector<16xi32>
        %select_n3A_572 = arith.select %eq3A_571, %while3A_184, %add3A_234 : vector<16xi1>, vector<16xf32>
        %add3A_573 = arith.addf %select_n3A_572, %gather3A_570 : vector<16xf32>
        %mul3A_574 = arith.constant 64 : i32
        %mul3A_575 = vector.broadcast %mul3A_574 : i32 to vector<16xi32>
        %mul3A_576 = arith.muli %iota3A, %mul3A_575 : vector<16xi32>
        %add3A_577 = arith.addi %mul3A_576, %gather3A_555 : vector<16xi32>
        %broadcast_in_dim3A_578 = arith.constant 0 : i32
        %broadcast_in_dim3A_579 = vector.broadcast %broadcast_in_dim3A_578 : i32 to vector<16xi32>
        %add3A_580 = arith.constant 4 : i32
        %add3A_581 = vector.broadcast %add3A_580 : i32 to vector<16xi32>
        %add3A_582 = arith.addi %broadcast_in_dim3A_579, %add3A_581 : vector<16xi32>
        %lt3A_583 = arith.constant 0 : i32
        %lt3A_584 = vector.broadcast %lt3A_583 : i32 to vector<16xi32>
        %lt3A_585 = arith.cmpi slt, %add3A_582, %lt3A_584 : vector<16xi32>
        %add3A_586 = arith.constant 16 : i32
        %add3A_587 = vector.broadcast %add3A_586 : i32 to vector<16xi32>
        %add3A_588 = arith.addi %add3A_582, %add3A_587 : vector<16xi32>
        %select_n3A_589 = arith.select %lt3A_585, %add3A_588, %add3A_582 : vector<16xi1>, vector<16xi32>
        %broadcast_in_dim3A_590 = vector.shape_cast %select_n3A_589 : vector<16xi32> to vector<16x1xi32>
        %gather3A_591 = vector.shape_cast %broadcast_in_dim3A_590 : vector<16x1xi32> to vector<16xi32>
        %gather3A_592 = tpu.dynamic_gather %masked_sort3A_416[%gather3A_591] in [0] : vector<16xi32>, vector<16xi32> -> vector<16xi32>
        %broadcast_in_dim3A_593 = arith.constant 0 : i32
        %broadcast_in_dim3A_594 = vector.broadcast %broadcast_in_dim3A_593 : i32 to vector<16xi32>
        %add3A_595 = arith.constant 4 : i32
        %add3A_596 = vector.broadcast %add3A_595 : i32 to vector<16xi32>
        %add3A_597 = arith.addi %broadcast_in_dim3A_594, %add3A_596 : vector<16xi32>
        %lt3A_598 = arith.constant 0 : i32
        %lt3A_599 = vector.broadcast %lt3A_598 : i32 to vector<16xi32>
        %lt3A_600 = arith.cmpi slt, %add3A_597, %lt3A_599 : vector<16xi32>
        %add3A_601 = arith.constant 16 : i32
        %add3A_602 = vector.broadcast %add3A_601 : i32 to vector<16xi32>
        %add3A_603 = arith.addi %add3A_597, %add3A_602 : vector<16xi32>
        %select_n3A_604 = arith.select %lt3A_600, %add3A_603, %add3A_597 : vector<16xi1>, vector<16xi32>
        %broadcast_in_dim3A_605 = vector.shape_cast %select_n3A_604 : vector<16xi32> to vector<16x1xi32>
        %gather3A_606 = vector.shape_cast %broadcast_in_dim3A_605 : vector<16x1xi32> to vector<16xi32>
        %gather3A_607 = tpu.dynamic_gather %masked_sort3A_415[%gather3A_606] in [0] : vector<16xf32>, vector<16xi32> -> vector<16xf32>
        %eq3A_608 = arith.cmpi eq, %while3A_186, %gather3A_592 : vector<16xi32>
        %select_n3A_609 = arith.select %eq3A_608, %while3A_184, %add3A_234 : vector<16xi1>, vector<16xf32>
        %add3A_610 = arith.addf %select_n3A_609, %gather3A_607 : vector<16xf32>
        %mul3A_611 = arith.constant 64 : i32
        %mul3A_612 = vector.broadcast %mul3A_611 : i32 to vector<16xi32>
        %mul3A_613 = arith.muli %iota3A, %mul3A_612 : vector<16xi32>
        %add3A_614 = arith.addi %mul3A_613, %gather3A_592 : vector<16xi32>
        %broadcast_in_dim3A_615 = arith.constant 0 : i32
        %broadcast_in_dim3A_616 = vector.broadcast %broadcast_in_dim3A_615 : i32 to vector<16xi32>
        %add3A_617 = arith.constant 5 : i32
        %add3A_618 = vector.broadcast %add3A_617 : i32 to vector<16xi32>
        %add3A_619 = arith.addi %broadcast_in_dim3A_616, %add3A_618 : vector<16xi32>
        %lt3A_620 = arith.constant 0 : i32
        %lt3A_621 = vector.broadcast %lt3A_620 : i32 to vector<16xi32>
        %lt3A_622 = arith.cmpi slt, %add3A_619, %lt3A_621 : vector<16xi32>
        %add3A_623 = arith.constant 16 : i32
        %add3A_624 = vector.broadcast %add3A_623 : i32 to vector<16xi32>
        %add3A_625 = arith.addi %add3A_619, %add3A_624 : vector<16xi32>
        %select_n3A_626 = arith.select %lt3A_622, %add3A_625, %add3A_619 : vector<16xi1>, vector<16xi32>
        %broadcast_in_dim3A_627 = vector.shape_cast %select_n3A_626 : vector<16xi32> to vector<16x1xi32>
        %gather3A_628 = vector.shape_cast %broadcast_in_dim3A_627 : vector<16x1xi32> to vector<16xi32>
        %gather3A_629 = tpu.dynamic_gather %masked_sort3A_416[%gather3A_628] in [0] : vector<16xi32>, vector<16xi32> -> vector<16xi32>
        %broadcast_in_dim3A_630 = arith.constant 0 : i32
        %broadcast_in_dim3A_631 = vector.broadcast %broadcast_in_dim3A_630 : i32 to vector<16xi32>
        %add3A_632 = arith.constant 5 : i32
        %add3A_633 = vector.broadcast %add3A_632 : i32 to vector<16xi32>
        %add3A_634 = arith.addi %broadcast_in_dim3A_631, %add3A_633 : vector<16xi32>
        %lt3A_635 = arith.constant 0 : i32
        %lt3A_636 = vector.broadcast %lt3A_635 : i32 to vector<16xi32>
        %lt3A_637 = arith.cmpi slt, %add3A_634, %lt3A_636 : vector<16xi32>
        %add3A_638 = arith.constant 16 : i32
        %add3A_639 = vector.broadcast %add3A_638 : i32 to vector<16xi32>
        %add3A_640 = arith.addi %add3A_634, %add3A_639 : vector<16xi32>
        %select_n3A_641 = arith.select %lt3A_637, %add3A_640, %add3A_634 : vector<16xi1>, vector<16xi32>
        %broadcast_in_dim3A_642 = vector.shape_cast %select_n3A_641 : vector<16xi32> to vector<16x1xi32>
        %gather3A_643 = vector.shape_cast %broadcast_in_dim3A_642 : vector<16x1xi32> to vector<16xi32>
        %gather3A_644 = tpu.dynamic_gather %masked_sort3A_415[%gather3A_643] in [0] : vector<16xf32>, vector<16xi32> -> vector<16xf32>
        %eq3A_645 = arith.cmpi eq, %while3A_186, %gather3A_629 : vector<16xi32>
        %select_n3A_646 = arith.select %eq3A_645, %while3A_184, %add3A_234 : vector<16xi1>, vector<16xf32>
        %add3A_647 = arith.addf %select_n3A_646, %gather3A_644 : vector<16xf32>
        %mul3A_648 = arith.constant 64 : i32
        %mul3A_649 = vector.broadcast %mul3A_648 : i32 to vector<16xi32>
        %mul3A_650 = arith.muli %iota3A, %mul3A_649 : vector<16xi32>
        %add3A_651 = arith.addi %mul3A_650, %gather3A_629 : vector<16xi32>
        %broadcast_in_dim3A_652 = arith.constant 0 : i32
        %broadcast_in_dim3A_653 = vector.broadcast %broadcast_in_dim3A_652 : i32 to vector<16xi32>
        %add3A_654 = arith.constant 6 : i32
        %add3A_655 = vector.broadcast %add3A_654 : i32 to vector<16xi32>
        %add3A_656 = arith.addi %broadcast_in_dim3A_653, %add3A_655 : vector<16xi32>
        %lt3A_657 = arith.constant 0 : i32
        %lt3A_658 = vector.broadcast %lt3A_657 : i32 to vector<16xi32>
        %lt3A_659 = arith.cmpi slt, %add3A_656, %lt3A_658 : vector<16xi32>
        %add3A_660 = arith.constant 16 : i32
        %add3A_661 = vector.broadcast %add3A_660 : i32 to vector<16xi32>
        %add3A_662 = arith.addi %add3A_656, %add3A_661 : vector<16xi32>
        %select_n3A_663 = arith.select %lt3A_659, %add3A_662, %add3A_656 : vector<16xi1>, vector<16xi32>
        %broadcast_in_dim3A_664 = vector.shape_cast %select_n3A_663 : vector<16xi32> to vector<16x1xi32>
        %gather3A_665 = vector.shape_cast %broadcast_in_dim3A_664 : vector<16x1xi32> to vector<16xi32>
        %gather3A_666 = tpu.dynamic_gather %masked_sort3A_416[%gather3A_665] in [0] : vector<16xi32>, vector<16xi32> -> vector<16xi32>
        %broadcast_in_dim3A_667 = arith.constant 0 : i32
        %broadcast_in_dim3A_668 = vector.broadcast %broadcast_in_dim3A_667 : i32 to vector<16xi32>
        %add3A_669 = arith.constant 6 : i32
        %add3A_670 = vector.broadcast %add3A_669 : i32 to vector<16xi32>
        %add3A_671 = arith.addi %broadcast_in_dim3A_668, %add3A_670 : vector<16xi32>
        %lt3A_672 = arith.constant 0 : i32
        %lt3A_673 = vector.broadcast %lt3A_672 : i32 to vector<16xi32>
        %lt3A_674 = arith.cmpi slt, %add3A_671, %lt3A_673 : vector<16xi32>
        %add3A_675 = arith.constant 16 : i32
        %add3A_676 = vector.broadcast %add3A_675 : i32 to vector<16xi32>
        %add3A_677 = arith.addi %add3A_671, %add3A_676 : vector<16xi32>
        %select_n3A_678 = arith.select %lt3A_674, %add3A_677, %add3A_671 : vector<16xi1>, vector<16xi32>
        %broadcast_in_dim3A_679 = vector.shape_cast %select_n3A_678 : vector<16xi32> to vector<16x1xi32>
        %gather3A_680 = vector.shape_cast %broadcast_in_dim3A_679 : vector<16x1xi32> to vector<16xi32>
        %gather3A_681 = tpu.dynamic_gather %masked_sort3A_415[%gather3A_680] in [0] : vector<16xf32>, vector<16xi32> -> vector<16xf32>
        %eq3A_682 = arith.cmpi eq, %while3A_186, %gather3A_666 : vector<16xi32>
        %select_n3A_683 = arith.select %eq3A_682, %while3A_184, %add3A_234 : vector<16xi1>, vector<16xf32>
        %add3A_684 = arith.addf %select_n3A_683, %gather3A_681 : vector<16xf32>
        %mul3A_685 = arith.constant 64 : i32
        %mul3A_686 = vector.broadcast %mul3A_685 : i32 to vector<16xi32>
        %mul3A_687 = arith.muli %iota3A, %mul3A_686 : vector<16xi32>
        %add3A_688 = arith.addi %mul3A_687, %gather3A_666 : vector<16xi32>
        %broadcast_in_dim3A_689 = arith.constant 0 : i32
        %broadcast_in_dim3A_690 = vector.broadcast %broadcast_in_dim3A_689 : i32 to vector<16xi32>
        %add3A_691 = arith.constant 7 : i32
        %add3A_692 = vector.broadcast %add3A_691 : i32 to vector<16xi32>
        %add3A_693 = arith.addi %broadcast_in_dim3A_690, %add3A_692 : vector<16xi32>
        %lt3A_694 = arith.constant 0 : i32
        %lt3A_695 = vector.broadcast %lt3A_694 : i32 to vector<16xi32>
        %lt3A_696 = arith.cmpi slt, %add3A_693, %lt3A_695 : vector<16xi32>
        %add3A_697 = arith.constant 16 : i32
        %add3A_698 = vector.broadcast %add3A_697 : i32 to vector<16xi32>
        %add3A_699 = arith.addi %add3A_693, %add3A_698 : vector<16xi32>
        %select_n3A_700 = arith.select %lt3A_696, %add3A_699, %add3A_693 : vector<16xi1>, vector<16xi32>
        %broadcast_in_dim3A_701 = vector.shape_cast %select_n3A_700 : vector<16xi32> to vector<16x1xi32>
        %gather3A_702 = vector.shape_cast %broadcast_in_dim3A_701 : vector<16x1xi32> to vector<16xi32>
        %gather3A_703 = tpu.dynamic_gather %masked_sort3A_416[%gather3A_702] in [0] : vector<16xi32>, vector<16xi32> -> vector<16xi32>
        %broadcast_in_dim3A_704 = arith.constant 0 : i32
        %broadcast_in_dim3A_705 = vector.broadcast %broadcast_in_dim3A_704 : i32 to vector<16xi32>
        %add3A_706 = arith.constant 7 : i32
        %add3A_707 = vector.broadcast %add3A_706 : i32 to vector<16xi32>
        %add3A_708 = arith.addi %broadcast_in_dim3A_705, %add3A_707 : vector<16xi32>
        %lt3A_709 = arith.constant 0 : i32
        %lt3A_710 = vector.broadcast %lt3A_709 : i32 to vector<16xi32>
        %lt3A_711 = arith.cmpi slt, %add3A_708, %lt3A_710 : vector<16xi32>
        %add3A_712 = arith.constant 16 : i32
        %add3A_713 = vector.broadcast %add3A_712 : i32 to vector<16xi32>
        %add3A_714 = arith.addi %add3A_708, %add3A_713 : vector<16xi32>
        %select_n3A_715 = arith.select %lt3A_711, %add3A_714, %add3A_708 : vector<16xi1>, vector<16xi32>
        %broadcast_in_dim3A_716 = vector.shape_cast %select_n3A_715 : vector<16xi32> to vector<16x1xi32>
        %gather3A_717 = vector.shape_cast %broadcast_in_dim3A_716 : vector<16x1xi32> to vector<16xi32>
        %gather3A_718 = tpu.dynamic_gather %masked_sort3A_415[%gather3A_717] in [0] : vector<16xf32>, vector<16xi32> -> vector<16xf32>
        %eq3A_719 = arith.cmpi eq, %while3A_186, %gather3A_703 : vector<16xi32>
        %select_n3A_720 = arith.select %eq3A_719, %while3A_184, %add3A_234 : vector<16xi1>, vector<16xf32>
        %add3A_721 = arith.addf %select_n3A_720, %gather3A_718 : vector<16xf32>
        %mul3A_722 = arith.constant 64 : i32
        %mul3A_723 = vector.broadcast %mul3A_722 : i32 to vector<16xi32>
        %mul3A_724 = arith.muli %iota3A, %mul3A_723 : vector<16xi32>
        %add3A_725 = arith.addi %mul3A_724, %gather3A_703 : vector<16xi32>
        %broadcast_in_dim3A_726 = arith.constant 0 : i32
        %broadcast_in_dim3A_727 = vector.broadcast %broadcast_in_dim3A_726 : i32 to vector<16xi32>
        %add3A_728 = arith.constant 8 : i32
        %add3A_729 = vector.broadcast %add3A_728 : i32 to vector<16xi32>
        %add3A_730 = arith.addi %broadcast_in_dim3A_727, %add3A_729 : vector<16xi32>
        %lt3A_731 = arith.constant 0 : i32
        %lt3A_732 = vector.broadcast %lt3A_731 : i32 to vector<16xi32>
        %lt3A_733 = arith.cmpi slt, %add3A_730, %lt3A_732 : vector<16xi32>
        %add3A_734 = arith.constant 16 : i32
        %add3A_735 = vector.broadcast %add3A_734 : i32 to vector<16xi32>
        %add3A_736 = arith.addi %add3A_730, %add3A_735 : vector<16xi32>
        %select_n3A_737 = arith.select %lt3A_733, %add3A_736, %add3A_730 : vector<16xi1>, vector<16xi32>
        %broadcast_in_dim3A_738 = vector.shape_cast %select_n3A_737 : vector<16xi32> to vector<16x1xi32>
        %gather3A_739 = vector.shape_cast %broadcast_in_dim3A_738 : vector<16x1xi32> to vector<16xi32>
        %gather3A_740 = tpu.dynamic_gather %masked_sort3A_416[%gather3A_739] in [0] : vector<16xi32>, vector<16xi32> -> vector<16xi32>
        %broadcast_in_dim3A_741 = arith.constant 0 : i32
        %broadcast_in_dim3A_742 = vector.broadcast %broadcast_in_dim3A_741 : i32 to vector<16xi32>
        %add3A_743 = arith.constant 8 : i32
        %add3A_744 = vector.broadcast %add3A_743 : i32 to vector<16xi32>
        %add3A_745 = arith.addi %broadcast_in_dim3A_742, %add3A_744 : vector<16xi32>
        %lt3A_746 = arith.constant 0 : i32
        %lt3A_747 = vector.broadcast %lt3A_746 : i32 to vector<16xi32>
        %lt3A_748 = arith.cmpi slt, %add3A_745, %lt3A_747 : vector<16xi32>
        %add3A_749 = arith.constant 16 : i32
        %add3A_750 = vector.broadcast %add3A_749 : i32 to vector<16xi32>
        %add3A_751 = arith.addi %add3A_745, %add3A_750 : vector<16xi32>
        %select_n3A_752 = arith.select %lt3A_748, %add3A_751, %add3A_745 : vector<16xi1>, vector<16xi32>
        %broadcast_in_dim3A_753 = vector.shape_cast %select_n3A_752 : vector<16xi32> to vector<16x1xi32>
        %gather3A_754 = vector.shape_cast %broadcast_in_dim3A_753 : vector<16x1xi32> to vector<16xi32>
        %gather3A_755 = tpu.dynamic_gather %masked_sort3A_415[%gather3A_754] in [0] : vector<16xf32>, vector<16xi32> -> vector<16xf32>
        %eq3A_756 = arith.cmpi eq, %while3A_186, %gather3A_740 : vector<16xi32>
        %select_n3A_757 = arith.select %eq3A_756, %while3A_184, %add3A_234 : vector<16xi1>, vector<16xf32>
        %add3A_758 = arith.addf %select_n3A_757, %gather3A_755 : vector<16xf32>
        %mul3A_759 = arith.constant 64 : i32
        %mul3A_760 = vector.broadcast %mul3A_759 : i32 to vector<16xi32>
        %mul3A_761 = arith.muli %iota3A, %mul3A_760 : vector<16xi32>
        %add3A_762 = arith.addi %mul3A_761, %gather3A_740 : vector<16xi32>
        %broadcast_in_dim3A_763 = arith.constant 0 : i32
        %broadcast_in_dim3A_764 = vector.broadcast %broadcast_in_dim3A_763 : i32 to vector<16xi32>
        %add3A_765 = arith.constant 9 : i32
        %add3A_766 = vector.broadcast %add3A_765 : i32 to vector<16xi32>
        %add3A_767 = arith.addi %broadcast_in_dim3A_764, %add3A_766 : vector<16xi32>
        %lt3A_768 = arith.constant 0 : i32
        %lt3A_769 = vector.broadcast %lt3A_768 : i32 to vector<16xi32>
        %lt3A_770 = arith.cmpi slt, %add3A_767, %lt3A_769 : vector<16xi32>
        %add3A_771 = arith.constant 16 : i32
        %add3A_772 = vector.broadcast %add3A_771 : i32 to vector<16xi32>
        %add3A_773 = arith.addi %add3A_767, %add3A_772 : vector<16xi32>
        %select_n3A_774 = arith.select %lt3A_770, %add3A_773, %add3A_767 : vector<16xi1>, vector<16xi32>
        %broadcast_in_dim3A_775 = vector.shape_cast %select_n3A_774 : vector<16xi32> to vector<16x1xi32>
        %gather3A_776 = vector.shape_cast %broadcast_in_dim3A_775 : vector<16x1xi32> to vector<16xi32>
        %gather3A_777 = tpu.dynamic_gather %masked_sort3A_416[%gather3A_776] in [0] : vector<16xi32>, vector<16xi32> -> vector<16xi32>
        %broadcast_in_dim3A_778 = arith.constant 0 : i32
        %broadcast_in_dim3A_779 = vector.broadcast %broadcast_in_dim3A_778 : i32 to vector<16xi32>
        %add3A_780 = arith.constant 9 : i32
        %add3A_781 = vector.broadcast %add3A_780 : i32 to vector<16xi32>
        %add3A_782 = arith.addi %broadcast_in_dim3A_779, %add3A_781 : vector<16xi32>
        %lt3A_783 = arith.constant 0 : i32
        %lt3A_784 = vector.broadcast %lt3A_783 : i32 to vector<16xi32>
        %lt3A_785 = arith.cmpi slt, %add3A_782, %lt3A_784 : vector<16xi32>
        %add3A_786 = arith.constant 16 : i32
        %add3A_787 = vector.broadcast %add3A_786 : i32 to vector<16xi32>
        %add3A_788 = arith.addi %add3A_782, %add3A_787 : vector<16xi32>
        %select_n3A_789 = arith.select %lt3A_785, %add3A_788, %add3A_782 : vector<16xi1>, vector<16xi32>
        %broadcast_in_dim3A_790 = vector.shape_cast %select_n3A_789 : vector<16xi32> to vector<16x1xi32>
        %gather3A_791 = vector.shape_cast %broadcast_in_dim3A_790 : vector<16x1xi32> to vector<16xi32>
        %gather3A_792 = tpu.dynamic_gather %masked_sort3A_415[%gather3A_791] in [0] : vector<16xf32>, vector<16xi32> -> vector<16xf32>
        %eq3A_793 = arith.cmpi eq, %while3A_186, %gather3A_777 : vector<16xi32>
        %select_n3A_794 = arith.select %eq3A_793, %while3A_184, %add3A_234 : vector<16xi1>, vector<16xf32>
        %add3A_795 = arith.addf %select_n3A_794, %gather3A_792 : vector<16xf32>
        %mul3A_796 = arith.constant 64 : i32
        %mul3A_797 = vector.broadcast %mul3A_796 : i32 to vector<16xi32>
        %mul3A_798 = arith.muli %iota3A, %mul3A_797 : vector<16xi32>
        %add3A_799 = arith.addi %mul3A_798, %gather3A_777 : vector<16xi32>
        %broadcast_in_dim3A_800 = arith.constant 0 : i32
        %broadcast_in_dim3A_801 = vector.broadcast %broadcast_in_dim3A_800 : i32 to vector<16xi32>
        %add3A_802 = arith.constant 10 : i32
        %add3A_803 = vector.broadcast %add3A_802 : i32 to vector<16xi32>
        %add3A_804 = arith.addi %broadcast_in_dim3A_801, %add3A_803 : vector<16xi32>
        %lt3A_805 = arith.constant 0 : i32
        %lt3A_806 = vector.broadcast %lt3A_805 : i32 to vector<16xi32>
        %lt3A_807 = arith.cmpi slt, %add3A_804, %lt3A_806 : vector<16xi32>
        %add3A_808 = arith.constant 16 : i32
        %add3A_809 = vector.broadcast %add3A_808 : i32 to vector<16xi32>
        %add3A_810 = arith.addi %add3A_804, %add3A_809 : vector<16xi32>
        %select_n3A_811 = arith.select %lt3A_807, %add3A_810, %add3A_804 : vector<16xi1>, vector<16xi32>
        %broadcast_in_dim3A_812 = vector.shape_cast %select_n3A_811 : vector<16xi32> to vector<16x1xi32>
        %gather3A_813 = vector.shape_cast %broadcast_in_dim3A_812 : vector<16x1xi32> to vector<16xi32>
        %gather3A_814 = tpu.dynamic_gather %masked_sort3A_416[%gather3A_813] in [0] : vector<16xi32>, vector<16xi32> -> vector<16xi32>
        %broadcast_in_dim3A_815 = arith.constant 0 : i32
        %broadcast_in_dim3A_816 = vector.broadcast %broadcast_in_dim3A_815 : i32 to vector<16xi32>
        %add3A_817 = arith.constant 10 : i32
        %add3A_818 = vector.broadcast %add3A_817 : i32 to vector<16xi32>
        %add3A_819 = arith.addi %broadcast_in_dim3A_816, %add3A_818 : vector<16xi32>
        %lt3A_820 = arith.constant 0 : i32
        %lt3A_821 = vector.broadcast %lt3A_820 : i32 to vector<16xi32>
        %lt3A_822 = arith.cmpi slt, %add3A_819, %lt3A_821 : vector<16xi32>
        %add3A_823 = arith.constant 16 : i32
        %add3A_824 = vector.broadcast %add3A_823 : i32 to vector<16xi32>
        %add3A_825 = arith.addi %add3A_819, %add3A_824 : vector<16xi32>
        %select_n3A_826 = arith.select %lt3A_822, %add3A_825, %add3A_819 : vector<16xi1>, vector<16xi32>
        %broadcast_in_dim3A_827 = vector.shape_cast %select_n3A_826 : vector<16xi32> to vector<16x1xi32>
        %gather3A_828 = vector.shape_cast %broadcast_in_dim3A_827 : vector<16x1xi32> to vector<16xi32>
        %gather3A_829 = tpu.dynamic_gather %masked_sort3A_415[%gather3A_828] in [0] : vector<16xf32>, vector<16xi32> -> vector<16xf32>
        %eq3A_830 = arith.cmpi eq, %while3A_186, %gather3A_814 : vector<16xi32>
        %select_n3A_831 = arith.select %eq3A_830, %while3A_184, %add3A_234 : vector<16xi1>, vector<16xf32>
        %add3A_832 = arith.addf %select_n3A_831, %gather3A_829 : vector<16xf32>
        %mul3A_833 = arith.constant 64 : i32
        %mul3A_834 = vector.broadcast %mul3A_833 : i32 to vector<16xi32>
        %mul3A_835 = arith.muli %iota3A, %mul3A_834 : vector<16xi32>
        %add3A_836 = arith.addi %mul3A_835, %gather3A_814 : vector<16xi32>
        %broadcast_in_dim3A_837 = arith.constant 0 : i32
        %broadcast_in_dim3A_838 = vector.broadcast %broadcast_in_dim3A_837 : i32 to vector<16xi32>
        %add3A_839 = arith.constant 11 : i32
        %add3A_840 = vector.broadcast %add3A_839 : i32 to vector<16xi32>
        %add3A_841 = arith.addi %broadcast_in_dim3A_838, %add3A_840 : vector<16xi32>
        %lt3A_842 = arith.constant 0 : i32
        %lt3A_843 = vector.broadcast %lt3A_842 : i32 to vector<16xi32>
        %lt3A_844 = arith.cmpi slt, %add3A_841, %lt3A_843 : vector<16xi32>
        %add3A_845 = arith.constant 16 : i32
        %add3A_846 = vector.broadcast %add3A_845 : i32 to vector<16xi32>
        %add3A_847 = arith.addi %add3A_841, %add3A_846 : vector<16xi32>
        %select_n3A_848 = arith.select %lt3A_844, %add3A_847, %add3A_841 : vector<16xi1>, vector<16xi32>
        %broadcast_in_dim3A_849 = vector.shape_cast %select_n3A_848 : vector<16xi32> to vector<16x1xi32>
        %gather3A_850 = vector.shape_cast %broadcast_in_dim3A_849 : vector<16x1xi32> to vector<16xi32>
        %gather3A_851 = tpu.dynamic_gather %masked_sort3A_416[%gather3A_850] in [0] : vector<16xi32>, vector<16xi32> -> vector<16xi32>
        %broadcast_in_dim3A_852 = arith.constant 0 : i32
        %broadcast_in_dim3A_853 = vector.broadcast %broadcast_in_dim3A_852 : i32 to vector<16xi32>
        %add3A_854 = arith.constant 11 : i32
        %add3A_855 = vector.broadcast %add3A_854 : i32 to vector<16xi32>
        %add3A_856 = arith.addi %broadcast_in_dim3A_853, %add3A_855 : vector<16xi32>
        %lt3A_857 = arith.constant 0 : i32
        %lt3A_858 = vector.broadcast %lt3A_857 : i32 to vector<16xi32>
        %lt3A_859 = arith.cmpi slt, %add3A_856, %lt3A_858 : vector<16xi32>
        %add3A_860 = arith.constant 16 : i32
        %add3A_861 = vector.broadcast %add3A_860 : i32 to vector<16xi32>
        %add3A_862 = arith.addi %add3A_856, %add3A_861 : vector<16xi32>
        %select_n3A_863 = arith.select %lt3A_859, %add3A_862, %add3A_856 : vector<16xi1>, vector<16xi32>
        %broadcast_in_dim3A_864 = vector.shape_cast %select_n3A_863 : vector<16xi32> to vector<16x1xi32>
        %gather3A_865 = vector.shape_cast %broadcast_in_dim3A_864 : vector<16x1xi32> to vector<16xi32>
        %gather3A_866 = tpu.dynamic_gather %masked_sort3A_415[%gather3A_865] in [0] : vector<16xf32>, vector<16xi32> -> vector<16xf32>
        %eq3A_867 = arith.cmpi eq, %while3A_186, %gather3A_851 : vector<16xi32>
        %select_n3A_868 = arith.select %eq3A_867, %while3A_184, %add3A_234 : vector<16xi1>, vector<16xf32>
        %add3A_869 = arith.addf %select_n3A_868, %gather3A_866 : vector<16xf32>
        %mul3A_870 = arith.constant 64 : i32
        %mul3A_871 = vector.broadcast %mul3A_870 : i32 to vector<16xi32>
        %mul3A_872 = arith.muli %iota3A, %mul3A_871 : vector<16xi32>
        %add3A_873 = arith.addi %mul3A_872, %gather3A_851 : vector<16xi32>
        %broadcast_in_dim3A_874 = arith.constant 0 : i32
        %broadcast_in_dim3A_875 = vector.broadcast %broadcast_in_dim3A_874 : i32 to vector<16xi32>
        %add3A_876 = arith.constant 12 : i32
        %add3A_877 = vector.broadcast %add3A_876 : i32 to vector<16xi32>
        %add3A_878 = arith.addi %broadcast_in_dim3A_875, %add3A_877 : vector<16xi32>
        %lt3A_879 = arith.constant 0 : i32
        %lt3A_880 = vector.broadcast %lt3A_879 : i32 to vector<16xi32>
        %lt3A_881 = arith.cmpi slt, %add3A_878, %lt3A_880 : vector<16xi32>
        %add3A_882 = arith.constant 16 : i32
        %add3A_883 = vector.broadcast %add3A_882 : i32 to vector<16xi32>
        %add3A_884 = arith.addi %add3A_878, %add3A_883 : vector<16xi32>
        %select_n3A_885 = arith.select %lt3A_881, %add3A_884, %add3A_878 : vector<16xi1>, vector<16xi32>
        %broadcast_in_dim3A_886 = vector.shape_cast %select_n3A_885 : vector<16xi32> to vector<16x1xi32>
        %gather3A_887 = vector.shape_cast %broadcast_in_dim3A_886 : vector<16x1xi32> to vector<16xi32>
        %gather3A_888 = tpu.dynamic_gather %masked_sort3A_416[%gather3A_887] in [0] : vector<16xi32>, vector<16xi32> -> vector<16xi32>
        %broadcast_in_dim3A_889 = arith.constant 0 : i32
        %broadcast_in_dim3A_890 = vector.broadcast %broadcast_in_dim3A_889 : i32 to vector<16xi32>
        %add3A_891 = arith.constant 12 : i32
        %add3A_892 = vector.broadcast %add3A_891 : i32 to vector<16xi32>
        %add3A_893 = arith.addi %broadcast_in_dim3A_890, %add3A_892 : vector<16xi32>
        %lt3A_894 = arith.constant 0 : i32
        %lt3A_895 = vector.broadcast %lt3A_894 : i32 to vector<16xi32>
        %lt3A_896 = arith.cmpi slt, %add3A_893, %lt3A_895 : vector<16xi32>
        %add3A_897 = arith.constant 16 : i32
        %add3A_898 = vector.broadcast %add3A_897 : i32 to vector<16xi32>
        %add3A_899 = arith.addi %add3A_893, %add3A_898 : vector<16xi32>
        %select_n3A_900 = arith.select %lt3A_896, %add3A_899, %add3A_893 : vector<16xi1>, vector<16xi32>
        %broadcast_in_dim3A_901 = vector.shape_cast %select_n3A_900 : vector<16xi32> to vector<16x1xi32>
        %gather3A_902 = vector.shape_cast %broadcast_in_dim3A_901 : vector<16x1xi32> to vector<16xi32>
        %gather3A_903 = tpu.dynamic_gather %masked_sort3A_415[%gather3A_902] in [0] : vector<16xf32>, vector<16xi32> -> vector<16xf32>
        %eq3A_904 = arith.cmpi eq, %while3A_186, %gather3A_888 : vector<16xi32>
        %select_n3A_905 = arith.select %eq3A_904, %while3A_184, %add3A_234 : vector<16xi1>, vector<16xf32>
        %add3A_906 = arith.addf %select_n3A_905, %gather3A_903 : vector<16xf32>
        %mul3A_907 = arith.constant 64 : i32
        %mul3A_908 = vector.broadcast %mul3A_907 : i32 to vector<16xi32>
        %mul3A_909 = arith.muli %iota3A, %mul3A_908 : vector<16xi32>
        %add3A_910 = arith.addi %mul3A_909, %gather3A_888 : vector<16xi32>
        %broadcast_in_dim3A_911 = arith.constant 0 : i32
        %broadcast_in_dim3A_912 = vector.broadcast %broadcast_in_dim3A_911 : i32 to vector<16xi32>
        %add3A_913 = arith.constant 13 : i32
        %add3A_914 = vector.broadcast %add3A_913 : i32 to vector<16xi32>
        %add3A_915 = arith.addi %broadcast_in_dim3A_912, %add3A_914 : vector<16xi32>
        %lt3A_916 = arith.constant 0 : i32
        %lt3A_917 = vector.broadcast %lt3A_916 : i32 to vector<16xi32>
        %lt3A_918 = arith.cmpi slt, %add3A_915, %lt3A_917 : vector<16xi32>
        %add3A_919 = arith.constant 16 : i32
        %add3A_920 = vector.broadcast %add3A_919 : i32 to vector<16xi32>
        %add3A_921 = arith.addi %add3A_915, %add3A_920 : vector<16xi32>
        %select_n3A_922 = arith.select %lt3A_918, %add3A_921, %add3A_915 : vector<16xi1>, vector<16xi32>
        %broadcast_in_dim3A_923 = vector.shape_cast %select_n3A_922 : vector<16xi32> to vector<16x1xi32>
        %gather3A_924 = vector.shape_cast %broadcast_in_dim3A_923 : vector<16x1xi32> to vector<16xi32>
        %gather3A_925 = tpu.dynamic_gather %masked_sort3A_416[%gather3A_924] in [0] : vector<16xi32>, vector<16xi32> -> vector<16xi32>
        %broadcast_in_dim3A_926 = arith.constant 0 : i32
        %broadcast_in_dim3A_927 = vector.broadcast %broadcast_in_dim3A_926 : i32 to vector<16xi32>
        %add3A_928 = arith.constant 13 : i32
        %add3A_929 = vector.broadcast %add3A_928 : i32 to vector<16xi32>
        %add3A_930 = arith.addi %broadcast_in_dim3A_927, %add3A_929 : vector<16xi32>
        %lt3A_931 = arith.constant 0 : i32
        %lt3A_932 = vector.broadcast %lt3A_931 : i32 to vector<16xi32>
        %lt3A_933 = arith.cmpi slt, %add3A_930, %lt3A_932 : vector<16xi32>
        %add3A_934 = arith.constant 16 : i32
        %add3A_935 = vector.broadcast %add3A_934 : i32 to vector<16xi32>
        %add3A_936 = arith.addi %add3A_930, %add3A_935 : vector<16xi32>
        %select_n3A_937 = arith.select %lt3A_933, %add3A_936, %add3A_930 : vector<16xi1>, vector<16xi32>
        %broadcast_in_dim3A_938 = vector.shape_cast %select_n3A_937 : vector<16xi32> to vector<16x1xi32>
        %gather3A_939 = vector.shape_cast %broadcast_in_dim3A_938 : vector<16x1xi32> to vector<16xi32>
        %gather3A_940 = tpu.dynamic_gather %masked_sort3A_415[%gather3A_939] in [0] : vector<16xf32>, vector<16xi32> -> vector<16xf32>
        %eq3A_941 = arith.cmpi eq, %while3A_186, %gather3A_925 : vector<16xi32>
        %select_n3A_942 = arith.select %eq3A_941, %while3A_184, %add3A_234 : vector<16xi1>, vector<16xf32>
        %add3A_943 = arith.addf %select_n3A_942, %gather3A_940 : vector<16xf32>
        %mul3A_944 = arith.constant 64 : i32
        %mul3A_945 = vector.broadcast %mul3A_944 : i32 to vector<16xi32>
        %mul3A_946 = arith.muli %iota3A, %mul3A_945 : vector<16xi32>
        %add3A_947 = arith.addi %mul3A_946, %gather3A_925 : vector<16xi32>
        %broadcast_in_dim3A_948 = arith.constant 0 : i32
        %broadcast_in_dim3A_949 = vector.broadcast %broadcast_in_dim3A_948 : i32 to vector<16xi32>
        %add3A_950 = arith.constant 14 : i32
        %add3A_951 = vector.broadcast %add3A_950 : i32 to vector<16xi32>
        %add3A_952 = arith.addi %broadcast_in_dim3A_949, %add3A_951 : vector<16xi32>
        %lt3A_953 = arith.constant 0 : i32
        %lt3A_954 = vector.broadcast %lt3A_953 : i32 to vector<16xi32>
        %lt3A_955 = arith.cmpi slt, %add3A_952, %lt3A_954 : vector<16xi32>
        %add3A_956 = arith.constant 16 : i32
        %add3A_957 = vector.broadcast %add3A_956 : i32 to vector<16xi32>
        %add3A_958 = arith.addi %add3A_952, %add3A_957 : vector<16xi32>
        %select_n3A_959 = arith.select %lt3A_955, %add3A_958, %add3A_952 : vector<16xi1>, vector<16xi32>
        %broadcast_in_dim3A_960 = vector.shape_cast %select_n3A_959 : vector<16xi32> to vector<16x1xi32>
        %gather3A_961 = vector.shape_cast %broadcast_in_dim3A_960 : vector<16x1xi32> to vector<16xi32>
        %gather3A_962 = tpu.dynamic_gather %masked_sort3A_416[%gather3A_961] in [0] : vector<16xi32>, vector<16xi32> -> vector<16xi32>
        %broadcast_in_dim3A_963 = arith.constant 0 : i32
        %broadcast_in_dim3A_964 = vector.broadcast %broadcast_in_dim3A_963 : i32 to vector<16xi32>
        %add3A_965 = arith.constant 14 : i32
        %add3A_966 = vector.broadcast %add3A_965 : i32 to vector<16xi32>
        %add3A_967 = arith.addi %broadcast_in_dim3A_964, %add3A_966 : vector<16xi32>
        %lt3A_968 = arith.constant 0 : i32
        %lt3A_969 = vector.broadcast %lt3A_968 : i32 to vector<16xi32>
        %lt3A_970 = arith.cmpi slt, %add3A_967, %lt3A_969 : vector<16xi32>
        %add3A_971 = arith.constant 16 : i32
        %add3A_972 = vector.broadcast %add3A_971 : i32 to vector<16xi32>
        %add3A_973 = arith.addi %add3A_967, %add3A_972 : vector<16xi32>
        %select_n3A_974 = arith.select %lt3A_970, %add3A_973, %add3A_967 : vector<16xi1>, vector<16xi32>
        %broadcast_in_dim3A_975 = vector.shape_cast %select_n3A_974 : vector<16xi32> to vector<16x1xi32>
        %gather3A_976 = vector.shape_cast %broadcast_in_dim3A_975 : vector<16x1xi32> to vector<16xi32>
        %gather3A_977 = tpu.dynamic_gather %masked_sort3A_415[%gather3A_976] in [0] : vector<16xf32>, vector<16xi32> -> vector<16xf32>
        %eq3A_978 = arith.cmpi eq, %while3A_186, %gather3A_962 : vector<16xi32>
        %select_n3A_979 = arith.select %eq3A_978, %while3A_184, %add3A_234 : vector<16xi1>, vector<16xf32>
        %add3A_980 = arith.addf %select_n3A_979, %gather3A_977 : vector<16xf32>
        %mul3A_981 = arith.constant 64 : i32
        %mul3A_982 = vector.broadcast %mul3A_981 : i32 to vector<16xi32>
        %mul3A_983 = arith.muli %iota3A, %mul3A_982 : vector<16xi32>
        %add3A_984 = arith.addi %mul3A_983, %gather3A_962 : vector<16xi32>
        %broadcast_in_dim3A_985 = arith.constant 0 : i32
        %broadcast_in_dim3A_986 = vector.broadcast %broadcast_in_dim3A_985 : i32 to vector<16xi32>
        %add3A_987 = arith.constant 15 : i32
        %add3A_988 = vector.broadcast %add3A_987 : i32 to vector<16xi32>
        %add3A_989 = arith.addi %broadcast_in_dim3A_986, %add3A_988 : vector<16xi32>
        %lt3A_990 = arith.constant 0 : i32
        %lt3A_991 = vector.broadcast %lt3A_990 : i32 to vector<16xi32>
        %lt3A_992 = arith.cmpi slt, %add3A_989, %lt3A_991 : vector<16xi32>
        %add3A_993 = arith.constant 16 : i32
        %add3A_994 = vector.broadcast %add3A_993 : i32 to vector<16xi32>
        %add3A_995 = arith.addi %add3A_989, %add3A_994 : vector<16xi32>
        %select_n3A_996 = arith.select %lt3A_992, %add3A_995, %add3A_989 : vector<16xi1>, vector<16xi32>
        %broadcast_in_dim3A_997 = vector.shape_cast %select_n3A_996 : vector<16xi32> to vector<16x1xi32>
        %gather3A_998 = vector.shape_cast %broadcast_in_dim3A_997 : vector<16x1xi32> to vector<16xi32>
        %gather3A_999 = tpu.dynamic_gather %masked_sort3A_416[%gather3A_998] in [0] : vector<16xi32>, vector<16xi32> -> vector<16xi32>
        %broadcast_in_dim3A_1000 = arith.constant 0 : i32
        %broadcast_in_dim3A_1001 = vector.broadcast %broadcast_in_dim3A_1000 : i32 to vector<16xi32>
        %add3A_1002 = arith.constant 15 : i32
        %add3A_1003 = vector.broadcast %add3A_1002 : i32 to vector<16xi32>
        %add3A_1004 = arith.addi %broadcast_in_dim3A_1001, %add3A_1003 : vector<16xi32>
        %lt3A_1005 = arith.constant 0 : i32
        %lt3A_1006 = vector.broadcast %lt3A_1005 : i32 to vector<16xi32>
        %lt3A_1007 = arith.cmpi slt, %add3A_1004, %lt3A_1006 : vector<16xi32>
        %add3A_1008 = arith.constant 16 : i32
        %add3A_1009 = vector.broadcast %add3A_1008 : i32 to vector<16xi32>
        %add3A_1010 = arith.addi %add3A_1004, %add3A_1009 : vector<16xi32>
        %select_n3A_1011 = arith.select %lt3A_1007, %add3A_1010, %add3A_1004 : vector<16xi1>, vector<16xi32>
        %broadcast_in_dim3A_1012 = vector.shape_cast %select_n3A_1011 : vector<16xi32> to vector<16x1xi32>
        %gather3A_1013 = vector.shape_cast %broadcast_in_dim3A_1012 : vector<16x1xi32> to vector<16xi32>
        %gather3A_1014 = tpu.dynamic_gather %masked_sort3A_415[%gather3A_1013] in [0] : vector<16xf32>, vector<16xi32> -> vector<16xf32>
        %eq3A_1015 = arith.cmpi eq, %while3A_186, %gather3A_999 : vector<16xi32>
        %select_n3A_1016 = arith.select %eq3A_1015, %while3A_184, %add3A_234 : vector<16xi1>, vector<16xf32>
        %add3A_1017 = arith.addf %select_n3A_1016, %gather3A_1014 : vector<16xf32>
        %mul3A_1018 = arith.constant 64 : i32
        %mul3A_1019 = vector.broadcast %mul3A_1018 : i32 to vector<16xi32>
        %mul3A_1020 = arith.muli %iota3A, %mul3A_1019 : vector<16xi32>
        %add3A_1021 = arith.addi %mul3A_1020, %gather3A_999 : vector<16xi32>
        %broadcast_in_dim3A_1022 = arith.constant 0 : i32
        %broadcast_in_dim3A_1023 = vector.broadcast %broadcast_in_dim3A_1022 : i32 to vector<16xi32>
        %add3A_1024 = arith.constant 0 : i32
        %add3A_1025 = vector.broadcast %add3A_1024 : i32 to vector<16xi32>
        %add3A_1026 = arith.addi %broadcast_in_dim3A_1023, %add3A_1025 : vector<16xi32>
        %lt3A_1027 = arith.constant 0 : i32
        %lt3A_1028 = vector.broadcast %lt3A_1027 : i32 to vector<16xi32>
        %lt3A_1029 = arith.cmpi slt, %add3A_1026, %lt3A_1028 : vector<16xi32>
        %add3A_1030 = arith.constant 16 : i32
        %add3A_1031 = vector.broadcast %add3A_1030 : i32 to vector<16xi32>
        %add3A_1032 = arith.addi %add3A_1026, %add3A_1031 : vector<16xi32>
        %select_n3A_1033 = arith.select %lt3A_1029, %add3A_1032, %add3A_1026 : vector<16xi1>, vector<16xi32>
        %broadcast_in_dim3A_1034 = vector.shape_cast %select_n3A_1033 : vector<16xi32> to vector<16x1xi32>
        %gather3A_1035 = vector.shape_cast %broadcast_in_dim3A_1034 : vector<16x1xi32> to vector<16xi32>
        %gather3A_1036 = tpu.dynamic_gather %masked_sort3A_426[%gather3A_1035] in [0] : vector<16xi32>, vector<16xi32> -> vector<16xi32>
        %broadcast_in_dim3A_1037 = arith.constant 0 : i32
        %broadcast_in_dim3A_1038 = vector.broadcast %broadcast_in_dim3A_1037 : i32 to vector<16xi32>
        %add3A_1039 = arith.constant 0 : i32
        %add3A_1040 = vector.broadcast %add3A_1039 : i32 to vector<16xi32>
        %add3A_1041 = arith.addi %broadcast_in_dim3A_1038, %add3A_1040 : vector<16xi32>
        %lt3A_1042 = arith.constant 0 : i32
        %lt3A_1043 = vector.broadcast %lt3A_1042 : i32 to vector<16xi32>
        %lt3A_1044 = arith.cmpi slt, %add3A_1041, %lt3A_1043 : vector<16xi32>
        %add3A_1045 = arith.constant 16 : i32
        %add3A_1046 = vector.broadcast %add3A_1045 : i32 to vector<16xi32>
        %add3A_1047 = arith.addi %add3A_1041, %add3A_1046 : vector<16xi32>
        %select_n3A_1048 = arith.select %lt3A_1044, %add3A_1047, %add3A_1041 : vector<16xi1>, vector<16xi32>
        %broadcast_in_dim3A_1049 = vector.shape_cast %select_n3A_1048 : vector<16xi32> to vector<16x1xi32>
        %gather3A_1050 = vector.shape_cast %broadcast_in_dim3A_1049 : vector<16x1xi32> to vector<16xi32>
        %gather3A_1051 = tpu.dynamic_gather %masked_sort3A_425[%gather3A_1050] in [0] : vector<16xf32>, vector<16xi32> -> vector<16xf32>
        %eq3A_1052 = arith.cmpi eq, %while3A_186, %gather3A_1036 : vector<16xi32>
        %select_n3A_1053 = arith.select %eq3A_1052, %while3A_184, %add3A_234 : vector<16xi1>, vector<16xf32>
        %add3A_1054 = arith.addf %select_n3A_1053, %gather3A_1051 : vector<16xf32>
        %mul3A_1055 = arith.constant 64 : i32
        %mul3A_1056 = vector.broadcast %mul3A_1055 : i32 to vector<16xi32>
        %mul3A_1057 = arith.muli %iota3A, %mul3A_1056 : vector<16xi32>
        %add3A_1058 = arith.addi %mul3A_1057, %gather3A_1036 : vector<16xi32>
        %masked_sort3A_1059 = arith.constant dense<true> : vector<16xi1>
        %masked_sort3A_1060, %masked_sort3A_1061, %masked_sort3A_1062 = tpu.sort %add3A_306, %mul3A_429 masked %masked_sort3A_1059 {descending = true} : (vector<16xf32>, vector<16xi32>, vector<16xi1>) -> (vector<16xi1>, vector<16xf32>, vector<16xi32>)
        %masked_sort3A_1063 = arith.constant dense<true> : vector<16xi1>
        %masked_sort3A_1064, %masked_sort3A_1065, %masked_sort3A_1066 = tpu.sort %add3A_462, %add3A_466 masked %masked_sort3A_1063 {descending = true} : (vector<16xf32>, vector<16xi32>, vector<16xi1>) -> (vector<16xi1>, vector<16xf32>, vector<16xi32>)
        %masked_sort3A_1067 = arith.constant dense<true> : vector<16xi1>
        %masked_sort3A_1068, %masked_sort3A_1069, %masked_sort3A_1070 = tpu.sort %add3A_499, %add3A_503 masked %masked_sort3A_1067 {descending = true} : (vector<16xf32>, vector<16xi32>, vector<16xi1>) -> (vector<16xi1>, vector<16xf32>, vector<16xi32>)
        %masked_sort3A_1071 = arith.constant dense<true> : vector<16xi1>
        %masked_sort3A_1072, %masked_sort3A_1073, %masked_sort3A_1074 = tpu.sort %add3A_536, %add3A_540 masked %masked_sort3A_1071 {descending = true} : (vector<16xf32>, vector<16xi32>, vector<16xi1>) -> (vector<16xi1>, vector<16xf32>, vector<16xi32>)
        %masked_sort3A_1075 = arith.constant dense<true> : vector<16xi1>
        %masked_sort3A_1076, %masked_sort3A_1077, %masked_sort3A_1078 = tpu.sort %add3A_573, %add3A_577 masked %masked_sort3A_1075 {descending = true} : (vector<16xf32>, vector<16xi32>, vector<16xi1>) -> (vector<16xi1>, vector<16xf32>, vector<16xi32>)
        %masked_sort3A_1079 = arith.constant dense<true> : vector<16xi1>
        %masked_sort3A_1080, %masked_sort3A_1081, %masked_sort3A_1082 = tpu.sort %add3A_610, %add3A_614 masked %masked_sort3A_1079 {descending = true} : (vector<16xf32>, vector<16xi32>, vector<16xi1>) -> (vector<16xi1>, vector<16xf32>, vector<16xi32>)
        %masked_sort3A_1083 = arith.constant dense<true> : vector<16xi1>
        %masked_sort3A_1084, %masked_sort3A_1085, %masked_sort3A_1086 = tpu.sort %add3A_647, %add3A_651 masked %masked_sort3A_1083 {descending = true} : (vector<16xf32>, vector<16xi32>, vector<16xi1>) -> (vector<16xi1>, vector<16xf32>, vector<16xi32>)
        %masked_sort3A_1087 = arith.constant dense<true> : vector<16xi1>
        %masked_sort3A_1088, %masked_sort3A_1089, %masked_sort3A_1090 = tpu.sort %add3A_684, %add3A_688 masked %masked_sort3A_1087 {descending = true} : (vector<16xf32>, vector<16xi32>, vector<16xi1>) -> (vector<16xi1>, vector<16xf32>, vector<16xi32>)
        %masked_sort3A_1091 = arith.constant dense<true> : vector<16xi1>
        %masked_sort3A_1092, %masked_sort3A_1093, %masked_sort3A_1094 = tpu.sort %add3A_721, %add3A_725 masked %masked_sort3A_1091 {descending = true} : (vector<16xf32>, vector<16xi32>, vector<16xi1>) -> (vector<16xi1>, vector<16xf32>, vector<16xi32>)
        %masked_sort3A_1095 = arith.constant dense<true> : vector<16xi1>
        %masked_sort3A_1096, %masked_sort3A_1097, %masked_sort3A_1098 = tpu.sort %add3A_758, %add3A_762 masked %masked_sort3A_1095 {descending = true} : (vector<16xf32>, vector<16xi32>, vector<16xi1>) -> (vector<16xi1>, vector<16xf32>, vector<16xi32>)
        %masked_sort3A_1099 = arith.constant dense<true> : vector<16xi1>
        %masked_sort3A_1100, %masked_sort3A_1101, %masked_sort3A_1102 = tpu.sort %add3A_795, %add3A_799 masked %masked_sort3A_1099 {descending = true} : (vector<16xf32>, vector<16xi32>, vector<16xi1>) -> (vector<16xi1>, vector<16xf32>, vector<16xi32>)
        %masked_sort3A_1103 = arith.constant dense<true> : vector<16xi1>
        %masked_sort3A_1104, %masked_sort3A_1105, %masked_sort3A_1106 = tpu.sort %add3A_832, %add3A_836 masked %masked_sort3A_1103 {descending = true} : (vector<16xf32>, vector<16xi32>, vector<16xi1>) -> (vector<16xi1>, vector<16xf32>, vector<16xi32>)
        %masked_sort3A_1107 = arith.constant dense<true> : vector<16xi1>
        %masked_sort3A_1108, %masked_sort3A_1109, %masked_sort3A_1110 = tpu.sort %add3A_869, %add3A_873 masked %masked_sort3A_1107 {descending = true} : (vector<16xf32>, vector<16xi32>, vector<16xi1>) -> (vector<16xi1>, vector<16xf32>, vector<16xi32>)
        %masked_sort3A_1111 = arith.constant dense<true> : vector<16xi1>
        %masked_sort3A_1112, %masked_sort3A_1113, %masked_sort3A_1114 = tpu.sort %add3A_906, %add3A_910 masked %masked_sort3A_1111 {descending = true} : (vector<16xf32>, vector<16xi32>, vector<16xi1>) -> (vector<16xi1>, vector<16xf32>, vector<16xi32>)
        %masked_sort3A_1115 = arith.constant dense<true> : vector<16xi1>
        %masked_sort3A_1116, %masked_sort3A_1117, %masked_sort3A_1118 = tpu.sort %add3A_943, %add3A_947 masked %masked_sort3A_1115 {descending = true} : (vector<16xf32>, vector<16xi32>, vector<16xi1>) -> (vector<16xi1>, vector<16xf32>, vector<16xi32>)
        %masked_sort3A_1119 = arith.constant dense<true> : vector<16xi1>
        %masked_sort3A_1120, %masked_sort3A_1121, %masked_sort3A_1122 = tpu.sort %add3A_980, %add3A_984 masked %masked_sort3A_1119 {descending = true} : (vector<16xf32>, vector<16xi32>, vector<16xi1>) -> (vector<16xi1>, vector<16xf32>, vector<16xi32>)
        %masked_sort3A_1123 = arith.constant dense<true> : vector<16xi1>
        %masked_sort3A_1124, %masked_sort3A_1125, %masked_sort3A_1126 = tpu.sort %add3A_1017, %add3A_1021 masked %masked_sort3A_1123 {descending = true} : (vector<16xf32>, vector<16xi32>, vector<16xi1>) -> (vector<16xi1>, vector<16xf32>, vector<16xi32>)
        %masked_sort3A_1127 = arith.constant dense<true> : vector<16xi1>
        %masked_sort3A_1128, %masked_sort3A_1129, %masked_sort3A_1130 = tpu.sort %add3A_1054, %add3A_1058 masked %masked_sort3A_1127 {descending = true} : (vector<16xf32>, vector<16xi32>, vector<16xi1>) -> (vector<16xi1>, vector<16xf32>, vector<16xi32>)
        %rev3A_1131 = arith.constant 15 : i32
        %rev3A_1132 = vector.broadcast %rev3A_1131 : i32 to vector<16xi32>
        %rev3A_1133 = tpu.iota {dimensions = array<i32: 0>} : vector<16xi32>
        %rev3A_1134 = arith.subi %rev3A_1132, %rev3A_1133 : vector<16xi32>
        %rev3A_1135 = tpu.dynamic_gather %masked_sort3A_1065[%rev3A_1134] in [0] : vector<16xf32>, vector<16xi32> -> vector<16xf32>
        %rev3A_1136 = arith.constant 15 : i32
        %rev3A_1137 = vector.broadcast %rev3A_1136 : i32 to vector<16xi32>
        %rev3A_1138 = tpu.iota {dimensions = array<i32: 0>} : vector<16xi32>
        %rev3A_1139 = arith.subi %rev3A_1137, %rev3A_1138 : vector<16xi32>
        %rev3A_1140 = tpu.dynamic_gather %masked_sort3A_1066[%rev3A_1139] in [0] : vector<16xi32>, vector<16xi32> -> vector<16xi32>
        %ge3A_1141 = arith.cmpf oge, %masked_sort3A_1061, %rev3A_1135 : vector<16xf32>
        %select_n3A_1142 = arith.select %ge3A_1141, %masked_sort3A_1061, %rev3A_1135 : vector<16xi1>, vector<16xf32>
        %select_n3A_1143 = arith.select %ge3A_1141, %masked_sort3A_1062, %rev3A_1140 : vector<16xi1>, vector<16xi32>
        %select_n3A_1144 = arith.select %ge3A_1141, %rev3A_1135, %masked_sort3A_1061 : vector<16xi1>, vector<16xf32>
        %select_n3A_1145 = arith.select %ge3A_1141, %rev3A_1140, %masked_sort3A_1062 : vector<16xi1>, vector<16xi32>
        %masked_sort3A_1146 = arith.constant dense<true> : vector<16xi1>
        %masked_sort3A_1147, %masked_sort3A_1148, %masked_sort3A_1149 = tpu.sort %select_n3A_1142, %select_n3A_1143 masked %masked_sort3A_1146 {descending = true} : (vector<16xf32>, vector<16xi32>, vector<16xi1>) -> (vector<16xi1>, vector<16xf32>, vector<16xi32>)
        %rev3A_1150 = arith.constant 15 : i32
        %rev3A_1151 = vector.broadcast %rev3A_1150 : i32 to vector<16xi32>
        %rev3A_1152 = tpu.iota {dimensions = array<i32: 0>} : vector<16xi32>
        %rev3A_1153 = arith.subi %rev3A_1151, %rev3A_1152 : vector<16xi32>
        %rev3A_1154 = tpu.dynamic_gather %masked_sort3A_1073[%rev3A_1153] in [0] : vector<16xf32>, vector<16xi32> -> vector<16xf32>
        %rev3A_1155 = arith.constant 15 : i32
        %rev3A_1156 = vector.broadcast %rev3A_1155 : i32 to vector<16xi32>
        %rev3A_1157 = tpu.iota {dimensions = array<i32: 0>} : vector<16xi32>
        %rev3A_1158 = arith.subi %rev3A_1156, %rev3A_1157 : vector<16xi32>
        %rev3A_1159 = tpu.dynamic_gather %masked_sort3A_1074[%rev3A_1158] in [0] : vector<16xi32>, vector<16xi32> -> vector<16xi32>
        %ge3A_1160 = arith.cmpf oge, %masked_sort3A_1069, %rev3A_1154 : vector<16xf32>
        %select_n3A_1161 = arith.select %ge3A_1160, %masked_sort3A_1069, %rev3A_1154 : vector<16xi1>, vector<16xf32>
        %select_n3A_1162 = arith.select %ge3A_1160, %masked_sort3A_1070, %rev3A_1159 : vector<16xi1>, vector<16xi32>
        %select_n3A_1163 = arith.select %ge3A_1160, %rev3A_1154, %masked_sort3A_1069 : vector<16xi1>, vector<16xf32>
        %select_n3A_1164 = arith.select %ge3A_1160, %rev3A_1159, %masked_sort3A_1070 : vector<16xi1>, vector<16xi32>
        %masked_sort3A_1165 = arith.constant dense<true> : vector<16xi1>
        %masked_sort3A_1166, %masked_sort3A_1167, %masked_sort3A_1168 = tpu.sort %select_n3A_1161, %select_n3A_1162 masked %masked_sort3A_1165 {descending = true} : (vector<16xf32>, vector<16xi32>, vector<16xi1>) -> (vector<16xi1>, vector<16xf32>, vector<16xi32>)
        %rev3A_1169 = arith.constant 15 : i32
        %rev3A_1170 = vector.broadcast %rev3A_1169 : i32 to vector<16xi32>
        %rev3A_1171 = tpu.iota {dimensions = array<i32: 0>} : vector<16xi32>
        %rev3A_1172 = arith.subi %rev3A_1170, %rev3A_1171 : vector<16xi32>
        %rev3A_1173 = tpu.dynamic_gather %masked_sort3A_1081[%rev3A_1172] in [0] : vector<16xf32>, vector<16xi32> -> vector<16xf32>
        %rev3A_1174 = arith.constant 15 : i32
        %rev3A_1175 = vector.broadcast %rev3A_1174 : i32 to vector<16xi32>
        %rev3A_1176 = tpu.iota {dimensions = array<i32: 0>} : vector<16xi32>
        %rev3A_1177 = arith.subi %rev3A_1175, %rev3A_1176 : vector<16xi32>
        %rev3A_1178 = tpu.dynamic_gather %masked_sort3A_1082[%rev3A_1177] in [0] : vector<16xi32>, vector<16xi32> -> vector<16xi32>
        %ge3A_1179 = arith.cmpf oge, %masked_sort3A_1077, %rev3A_1173 : vector<16xf32>
        %select_n3A_1180 = arith.select %ge3A_1179, %masked_sort3A_1077, %rev3A_1173 : vector<16xi1>, vector<16xf32>
        %select_n3A_1181 = arith.select %ge3A_1179, %masked_sort3A_1078, %rev3A_1178 : vector<16xi1>, vector<16xi32>
        %select_n3A_1182 = arith.select %ge3A_1179, %rev3A_1173, %masked_sort3A_1077 : vector<16xi1>, vector<16xf32>
        %select_n3A_1183 = arith.select %ge3A_1179, %rev3A_1178, %masked_sort3A_1078 : vector<16xi1>, vector<16xi32>
        %masked_sort3A_1184 = arith.constant dense<true> : vector<16xi1>
        %masked_sort3A_1185, %masked_sort3A_1186, %masked_sort3A_1187 = tpu.sort %select_n3A_1180, %select_n3A_1181 masked %masked_sort3A_1184 {descending = true} : (vector<16xf32>, vector<16xi32>, vector<16xi1>) -> (vector<16xi1>, vector<16xf32>, vector<16xi32>)
        %rev3A_1188 = arith.constant 15 : i32
        %rev3A_1189 = vector.broadcast %rev3A_1188 : i32 to vector<16xi32>
        %rev3A_1190 = tpu.iota {dimensions = array<i32: 0>} : vector<16xi32>
        %rev3A_1191 = arith.subi %rev3A_1189, %rev3A_1190 : vector<16xi32>
        %rev3A_1192 = tpu.dynamic_gather %masked_sort3A_1089[%rev3A_1191] in [0] : vector<16xf32>, vector<16xi32> -> vector<16xf32>
        %rev3A_1193 = arith.constant 15 : i32
        %rev3A_1194 = vector.broadcast %rev3A_1193 : i32 to vector<16xi32>
        %rev3A_1195 = tpu.iota {dimensions = array<i32: 0>} : vector<16xi32>
        %rev3A_1196 = arith.subi %rev3A_1194, %rev3A_1195 : vector<16xi32>
        %rev3A_1197 = tpu.dynamic_gather %masked_sort3A_1090[%rev3A_1196] in [0] : vector<16xi32>, vector<16xi32> -> vector<16xi32>
        %ge3A_1198 = arith.cmpf oge, %masked_sort3A_1085, %rev3A_1192 : vector<16xf32>
        %select_n3A_1199 = arith.select %ge3A_1198, %masked_sort3A_1085, %rev3A_1192 : vector<16xi1>, vector<16xf32>
        %select_n3A_1200 = arith.select %ge3A_1198, %masked_sort3A_1086, %rev3A_1197 : vector<16xi1>, vector<16xi32>
        %select_n3A_1201 = arith.select %ge3A_1198, %rev3A_1192, %masked_sort3A_1085 : vector<16xi1>, vector<16xf32>
        %select_n3A_1202 = arith.select %ge3A_1198, %rev3A_1197, %masked_sort3A_1086 : vector<16xi1>, vector<16xi32>
        %masked_sort3A_1203 = arith.constant dense<true> : vector<16xi1>
        %masked_sort3A_1204, %masked_sort3A_1205, %masked_sort3A_1206 = tpu.sort %select_n3A_1199, %select_n3A_1200 masked %masked_sort3A_1203 {descending = true} : (vector<16xf32>, vector<16xi32>, vector<16xi1>) -> (vector<16xi1>, vector<16xf32>, vector<16xi32>)
        %rev3A_1207 = arith.constant 15 : i32
        %rev3A_1208 = vector.broadcast %rev3A_1207 : i32 to vector<16xi32>
        %rev3A_1209 = tpu.iota {dimensions = array<i32: 0>} : vector<16xi32>
        %rev3A_1210 = arith.subi %rev3A_1208, %rev3A_1209 : vector<16xi32>
        %rev3A_1211 = tpu.dynamic_gather %masked_sort3A_1097[%rev3A_1210] in [0] : vector<16xf32>, vector<16xi32> -> vector<16xf32>
        %rev3A_1212 = arith.constant 15 : i32
        %rev3A_1213 = vector.broadcast %rev3A_1212 : i32 to vector<16xi32>
        %rev3A_1214 = tpu.iota {dimensions = array<i32: 0>} : vector<16xi32>
        %rev3A_1215 = arith.subi %rev3A_1213, %rev3A_1214 : vector<16xi32>
        %rev3A_1216 = tpu.dynamic_gather %masked_sort3A_1098[%rev3A_1215] in [0] : vector<16xi32>, vector<16xi32> -> vector<16xi32>
        %ge3A_1217 = arith.cmpf oge, %masked_sort3A_1093, %rev3A_1211 : vector<16xf32>
        %select_n3A_1218 = arith.select %ge3A_1217, %masked_sort3A_1093, %rev3A_1211 : vector<16xi1>, vector<16xf32>
        %select_n3A_1219 = arith.select %ge3A_1217, %masked_sort3A_1094, %rev3A_1216 : vector<16xi1>, vector<16xi32>
        %select_n3A_1220 = arith.select %ge3A_1217, %rev3A_1211, %masked_sort3A_1093 : vector<16xi1>, vector<16xf32>
        %select_n3A_1221 = arith.select %ge3A_1217, %rev3A_1216, %masked_sort3A_1094 : vector<16xi1>, vector<16xi32>
        %masked_sort3A_1222 = arith.constant dense<true> : vector<16xi1>
        %masked_sort3A_1223, %masked_sort3A_1224, %masked_sort3A_1225 = tpu.sort %select_n3A_1218, %select_n3A_1219 masked %masked_sort3A_1222 {descending = true} : (vector<16xf32>, vector<16xi32>, vector<16xi1>) -> (vector<16xi1>, vector<16xf32>, vector<16xi32>)
        %rev3A_1226 = arith.constant 15 : i32
        %rev3A_1227 = vector.broadcast %rev3A_1226 : i32 to vector<16xi32>
        %rev3A_1228 = tpu.iota {dimensions = array<i32: 0>} : vector<16xi32>
        %rev3A_1229 = arith.subi %rev3A_1227, %rev3A_1228 : vector<16xi32>
        %rev3A_1230 = tpu.dynamic_gather %masked_sort3A_1105[%rev3A_1229] in [0] : vector<16xf32>, vector<16xi32> -> vector<16xf32>
        %rev3A_1231 = arith.constant 15 : i32
        %rev3A_1232 = vector.broadcast %rev3A_1231 : i32 to vector<16xi32>
        %rev3A_1233 = tpu.iota {dimensions = array<i32: 0>} : vector<16xi32>
        %rev3A_1234 = arith.subi %rev3A_1232, %rev3A_1233 : vector<16xi32>
        %rev3A_1235 = tpu.dynamic_gather %masked_sort3A_1106[%rev3A_1234] in [0] : vector<16xi32>, vector<16xi32> -> vector<16xi32>
        %ge3A_1236 = arith.cmpf oge, %masked_sort3A_1101, %rev3A_1230 : vector<16xf32>
        %select_n3A_1237 = arith.select %ge3A_1236, %masked_sort3A_1101, %rev3A_1230 : vector<16xi1>, vector<16xf32>
        %select_n3A_1238 = arith.select %ge3A_1236, %masked_sort3A_1102, %rev3A_1235 : vector<16xi1>, vector<16xi32>
        %select_n3A_1239 = arith.select %ge3A_1236, %rev3A_1230, %masked_sort3A_1101 : vector<16xi1>, vector<16xf32>
        %select_n3A_1240 = arith.select %ge3A_1236, %rev3A_1235, %masked_sort3A_1102 : vector<16xi1>, vector<16xi32>
        %masked_sort3A_1241 = arith.constant dense<true> : vector<16xi1>
        %masked_sort3A_1242, %masked_sort3A_1243, %masked_sort3A_1244 = tpu.sort %select_n3A_1237, %select_n3A_1238 masked %masked_sort3A_1241 {descending = true} : (vector<16xf32>, vector<16xi32>, vector<16xi1>) -> (vector<16xi1>, vector<16xf32>, vector<16xi32>)
        %rev3A_1245 = arith.constant 15 : i32
        %rev3A_1246 = vector.broadcast %rev3A_1245 : i32 to vector<16xi32>
        %rev3A_1247 = tpu.iota {dimensions = array<i32: 0>} : vector<16xi32>
        %rev3A_1248 = arith.subi %rev3A_1246, %rev3A_1247 : vector<16xi32>
        %rev3A_1249 = tpu.dynamic_gather %masked_sort3A_1113[%rev3A_1248] in [0] : vector<16xf32>, vector<16xi32> -> vector<16xf32>
        %rev3A_1250 = arith.constant 15 : i32
        %rev3A_1251 = vector.broadcast %rev3A_1250 : i32 to vector<16xi32>
        %rev3A_1252 = tpu.iota {dimensions = array<i32: 0>} : vector<16xi32>
        %rev3A_1253 = arith.subi %rev3A_1251, %rev3A_1252 : vector<16xi32>
        %rev3A_1254 = tpu.dynamic_gather %masked_sort3A_1114[%rev3A_1253] in [0] : vector<16xi32>, vector<16xi32> -> vector<16xi32>
        %ge3A_1255 = arith.cmpf oge, %masked_sort3A_1109, %rev3A_1249 : vector<16xf32>
        %select_n3A_1256 = arith.select %ge3A_1255, %masked_sort3A_1109, %rev3A_1249 : vector<16xi1>, vector<16xf32>
        %select_n3A_1257 = arith.select %ge3A_1255, %masked_sort3A_1110, %rev3A_1254 : vector<16xi1>, vector<16xi32>
        %select_n3A_1258 = arith.select %ge3A_1255, %rev3A_1249, %masked_sort3A_1109 : vector<16xi1>, vector<16xf32>
        %select_n3A_1259 = arith.select %ge3A_1255, %rev3A_1254, %masked_sort3A_1110 : vector<16xi1>, vector<16xi32>
        %masked_sort3A_1260 = arith.constant dense<true> : vector<16xi1>
        %masked_sort3A_1261, %masked_sort3A_1262, %masked_sort3A_1263 = tpu.sort %select_n3A_1256, %select_n3A_1257 masked %masked_sort3A_1260 {descending = true} : (vector<16xf32>, vector<16xi32>, vector<16xi1>) -> (vector<16xi1>, vector<16xf32>, vector<16xi32>)
        %rev3A_1264 = arith.constant 15 : i32
        %rev3A_1265 = vector.broadcast %rev3A_1264 : i32 to vector<16xi32>
        %rev3A_1266 = tpu.iota {dimensions = array<i32: 0>} : vector<16xi32>
        %rev3A_1267 = arith.subi %rev3A_1265, %rev3A_1266 : vector<16xi32>
        %rev3A_1268 = tpu.dynamic_gather %masked_sort3A_1121[%rev3A_1267] in [0] : vector<16xf32>, vector<16xi32> -> vector<16xf32>
        %rev3A_1269 = arith.constant 15 : i32
        %rev3A_1270 = vector.broadcast %rev3A_1269 : i32 to vector<16xi32>
        %rev3A_1271 = tpu.iota {dimensions = array<i32: 0>} : vector<16xi32>
        %rev3A_1272 = arith.subi %rev3A_1270, %rev3A_1271 : vector<16xi32>
        %rev3A_1273 = tpu.dynamic_gather %masked_sort3A_1122[%rev3A_1272] in [0] : vector<16xi32>, vector<16xi32> -> vector<16xi32>
        %ge3A_1274 = arith.cmpf oge, %masked_sort3A_1117, %rev3A_1268 : vector<16xf32>
        %select_n3A_1275 = arith.select %ge3A_1274, %masked_sort3A_1117, %rev3A_1268 : vector<16xi1>, vector<16xf32>
        %select_n3A_1276 = arith.select %ge3A_1274, %masked_sort3A_1118, %rev3A_1273 : vector<16xi1>, vector<16xi32>
        %select_n3A_1277 = arith.select %ge3A_1274, %rev3A_1268, %masked_sort3A_1117 : vector<16xi1>, vector<16xf32>
        %select_n3A_1278 = arith.select %ge3A_1274, %rev3A_1273, %masked_sort3A_1118 : vector<16xi1>, vector<16xi32>
        %masked_sort3A_1279 = arith.constant dense<true> : vector<16xi1>
        %masked_sort3A_1280, %masked_sort3A_1281, %masked_sort3A_1282 = tpu.sort %select_n3A_1275, %select_n3A_1276 masked %masked_sort3A_1279 {descending = true} : (vector<16xf32>, vector<16xi32>, vector<16xi1>) -> (vector<16xi1>, vector<16xf32>, vector<16xi32>)
        %rev3A_1283 = arith.constant 15 : i32
        %rev3A_1284 = vector.broadcast %rev3A_1283 : i32 to vector<16xi32>
        %rev3A_1285 = tpu.iota {dimensions = array<i32: 0>} : vector<16xi32>
        %rev3A_1286 = arith.subi %rev3A_1284, %rev3A_1285 : vector<16xi32>
        %rev3A_1287 = tpu.dynamic_gather %masked_sort3A_1129[%rev3A_1286] in [0] : vector<16xf32>, vector<16xi32> -> vector<16xf32>
        %rev3A_1288 = arith.constant 15 : i32
        %rev3A_1289 = vector.broadcast %rev3A_1288 : i32 to vector<16xi32>
        %rev3A_1290 = tpu.iota {dimensions = array<i32: 0>} : vector<16xi32>
        %rev3A_1291 = arith.subi %rev3A_1289, %rev3A_1290 : vector<16xi32>
        %rev3A_1292 = tpu.dynamic_gather %masked_sort3A_1130[%rev3A_1291] in [0] : vector<16xi32>, vector<16xi32> -> vector<16xi32>
        %ge3A_1293 = arith.cmpf oge, %masked_sort3A_1125, %rev3A_1287 : vector<16xf32>
        %select_n3A_1294 = arith.select %ge3A_1293, %masked_sort3A_1125, %rev3A_1287 : vector<16xi1>, vector<16xf32>
        %select_n3A_1295 = arith.select %ge3A_1293, %masked_sort3A_1126, %rev3A_1292 : vector<16xi1>, vector<16xi32>
        %select_n3A_1296 = arith.select %ge3A_1293, %rev3A_1287, %masked_sort3A_1125 : vector<16xi1>, vector<16xf32>
        %select_n3A_1297 = arith.select %ge3A_1293, %rev3A_1292, %masked_sort3A_1126 : vector<16xi1>, vector<16xi32>
        %masked_sort3A_1298 = arith.constant dense<true> : vector<16xi1>
        %masked_sort3A_1299, %masked_sort3A_1300, %masked_sort3A_1301 = tpu.sort %select_n3A_1294, %select_n3A_1295 masked %masked_sort3A_1298 {descending = true} : (vector<16xf32>, vector<16xi32>, vector<16xi1>) -> (vector<16xi1>, vector<16xf32>, vector<16xi32>)
        %rev3A_1302 = arith.constant 15 : i32
        %rev3A_1303 = vector.broadcast %rev3A_1302 : i32 to vector<16xi32>
        %rev3A_1304 = tpu.iota {dimensions = array<i32: 0>} : vector<16xi32>
        %rev3A_1305 = arith.subi %rev3A_1303, %rev3A_1304 : vector<16xi32>
        %rev3A_1306 = tpu.dynamic_gather %masked_sort3A_1167[%rev3A_1305] in [0] : vector<16xf32>, vector<16xi32> -> vector<16xf32>
        %rev3A_1307 = arith.constant 15 : i32
        %rev3A_1308 = vector.broadcast %rev3A_1307 : i32 to vector<16xi32>
        %rev3A_1309 = tpu.iota {dimensions = array<i32: 0>} : vector<16xi32>
        %rev3A_1310 = arith.subi %rev3A_1308, %rev3A_1309 : vector<16xi32>
        %rev3A_1311 = tpu.dynamic_gather %masked_sort3A_1168[%rev3A_1310] in [0] : vector<16xi32>, vector<16xi32> -> vector<16xi32>
        %ge3A_1312 = arith.cmpf oge, %masked_sort3A_1148, %rev3A_1306 : vector<16xf32>
        %select_n3A_1313 = arith.select %ge3A_1312, %masked_sort3A_1148, %rev3A_1306 : vector<16xi1>, vector<16xf32>
        %select_n3A_1314 = arith.select %ge3A_1312, %masked_sort3A_1149, %rev3A_1311 : vector<16xi1>, vector<16xi32>
        %select_n3A_1315 = arith.select %ge3A_1312, %rev3A_1306, %masked_sort3A_1148 : vector<16xi1>, vector<16xf32>
        %select_n3A_1316 = arith.select %ge3A_1312, %rev3A_1311, %masked_sort3A_1149 : vector<16xi1>, vector<16xi32>
        %masked_sort3A_1317 = arith.constant dense<true> : vector<16xi1>
        %masked_sort3A_1318, %masked_sort3A_1319, %masked_sort3A_1320 = tpu.sort %select_n3A_1313, %select_n3A_1314 masked %masked_sort3A_1317 {descending = true} : (vector<16xf32>, vector<16xi32>, vector<16xi1>) -> (vector<16xi1>, vector<16xf32>, vector<16xi32>)
        %rev3A_1321 = arith.constant 15 : i32
        %rev3A_1322 = vector.broadcast %rev3A_1321 : i32 to vector<16xi32>
        %rev3A_1323 = tpu.iota {dimensions = array<i32: 0>} : vector<16xi32>
        %rev3A_1324 = arith.subi %rev3A_1322, %rev3A_1323 : vector<16xi32>
        %rev3A_1325 = tpu.dynamic_gather %masked_sort3A_1205[%rev3A_1324] in [0] : vector<16xf32>, vector<16xi32> -> vector<16xf32>
        %rev3A_1326 = arith.constant 15 : i32
        %rev3A_1327 = vector.broadcast %rev3A_1326 : i32 to vector<16xi32>
        %rev3A_1328 = tpu.iota {dimensions = array<i32: 0>} : vector<16xi32>
        %rev3A_1329 = arith.subi %rev3A_1327, %rev3A_1328 : vector<16xi32>
        %rev3A_1330 = tpu.dynamic_gather %masked_sort3A_1206[%rev3A_1329] in [0] : vector<16xi32>, vector<16xi32> -> vector<16xi32>
        %ge3A_1331 = arith.cmpf oge, %masked_sort3A_1186, %rev3A_1325 : vector<16xf32>
        %select_n3A_1332 = arith.select %ge3A_1331, %masked_sort3A_1186, %rev3A_1325 : vector<16xi1>, vector<16xf32>
        %select_n3A_1333 = arith.select %ge3A_1331, %masked_sort3A_1187, %rev3A_1330 : vector<16xi1>, vector<16xi32>
        %select_n3A_1334 = arith.select %ge3A_1331, %rev3A_1325, %masked_sort3A_1186 : vector<16xi1>, vector<16xf32>
        %select_n3A_1335 = arith.select %ge3A_1331, %rev3A_1330, %masked_sort3A_1187 : vector<16xi1>, vector<16xi32>
        %masked_sort3A_1336 = arith.constant dense<true> : vector<16xi1>
        %masked_sort3A_1337, %masked_sort3A_1338, %masked_sort3A_1339 = tpu.sort %select_n3A_1332, %select_n3A_1333 masked %masked_sort3A_1336 {descending = true} : (vector<16xf32>, vector<16xi32>, vector<16xi1>) -> (vector<16xi1>, vector<16xf32>, vector<16xi32>)
        %rev3A_1340 = arith.constant 15 : i32
        %rev3A_1341 = vector.broadcast %rev3A_1340 : i32 to vector<16xi32>
        %rev3A_1342 = tpu.iota {dimensions = array<i32: 0>} : vector<16xi32>
        %rev3A_1343 = arith.subi %rev3A_1341, %rev3A_1342 : vector<16xi32>
        %rev3A_1344 = tpu.dynamic_gather %masked_sort3A_1243[%rev3A_1343] in [0] : vector<16xf32>, vector<16xi32> -> vector<16xf32>
        %rev3A_1345 = arith.constant 15 : i32
        %rev3A_1346 = vector.broadcast %rev3A_1345 : i32 to vector<16xi32>
        %rev3A_1347 = tpu.iota {dimensions = array<i32: 0>} : vector<16xi32>
        %rev3A_1348 = arith.subi %rev3A_1346, %rev3A_1347 : vector<16xi32>
        %rev3A_1349 = tpu.dynamic_gather %masked_sort3A_1244[%rev3A_1348] in [0] : vector<16xi32>, vector<16xi32> -> vector<16xi32>
        %ge3A_1350 = arith.cmpf oge, %masked_sort3A_1224, %rev3A_1344 : vector<16xf32>
        %select_n3A_1351 = arith.select %ge3A_1350, %masked_sort3A_1224, %rev3A_1344 : vector<16xi1>, vector<16xf32>
        %select_n3A_1352 = arith.select %ge3A_1350, %masked_sort3A_1225, %rev3A_1349 : vector<16xi1>, vector<16xi32>
        %select_n3A_1353 = arith.select %ge3A_1350, %rev3A_1344, %masked_sort3A_1224 : vector<16xi1>, vector<16xf32>
        %select_n3A_1354 = arith.select %ge3A_1350, %rev3A_1349, %masked_sort3A_1225 : vector<16xi1>, vector<16xi32>
        %masked_sort3A_1355 = arith.constant dense<true> : vector<16xi1>
        %masked_sort3A_1356, %masked_sort3A_1357, %masked_sort3A_1358 = tpu.sort %select_n3A_1351, %select_n3A_1352 masked %masked_sort3A_1355 {descending = true} : (vector<16xf32>, vector<16xi32>, vector<16xi1>) -> (vector<16xi1>, vector<16xf32>, vector<16xi32>)
        %rev3A_1359 = arith.constant 15 : i32
        %rev3A_1360 = vector.broadcast %rev3A_1359 : i32 to vector<16xi32>
        %rev3A_1361 = tpu.iota {dimensions = array<i32: 0>} : vector<16xi32>
        %rev3A_1362 = arith.subi %rev3A_1360, %rev3A_1361 : vector<16xi32>
        %rev3A_1363 = tpu.dynamic_gather %masked_sort3A_1281[%rev3A_1362] in [0] : vector<16xf32>, vector<16xi32> -> vector<16xf32>
        %rev3A_1364 = arith.constant 15 : i32
        %rev3A_1365 = vector.broadcast %rev3A_1364 : i32 to vector<16xi32>
        %rev3A_1366 = tpu.iota {dimensions = array<i32: 0>} : vector<16xi32>
        %rev3A_1367 = arith.subi %rev3A_1365, %rev3A_1366 : vector<16xi32>
        %rev3A_1368 = tpu.dynamic_gather %masked_sort3A_1282[%rev3A_1367] in [0] : vector<16xi32>, vector<16xi32> -> vector<16xi32>
        %ge3A_1369 = arith.cmpf oge, %masked_sort3A_1262, %rev3A_1363 : vector<16xf32>
        %select_n3A_1370 = arith.select %ge3A_1369, %masked_sort3A_1262, %rev3A_1363 : vector<16xi1>, vector<16xf32>
        %select_n3A_1371 = arith.select %ge3A_1369, %masked_sort3A_1263, %rev3A_1368 : vector<16xi1>, vector<16xi32>
        %select_n3A_1372 = arith.select %ge3A_1369, %rev3A_1363, %masked_sort3A_1262 : vector<16xi1>, vector<16xf32>
        %select_n3A_1373 = arith.select %ge3A_1369, %rev3A_1368, %masked_sort3A_1263 : vector<16xi1>, vector<16xi32>
        %masked_sort3A_1374 = arith.constant dense<true> : vector<16xi1>
        %masked_sort3A_1375, %masked_sort3A_1376, %masked_sort3A_1377 = tpu.sort %select_n3A_1370, %select_n3A_1371 masked %masked_sort3A_1374 {descending = true} : (vector<16xf32>, vector<16xi32>, vector<16xi1>) -> (vector<16xi1>, vector<16xf32>, vector<16xi32>)
        %rev3A_1378 = arith.constant 15 : i32
        %rev3A_1379 = vector.broadcast %rev3A_1378 : i32 to vector<16xi32>
        %rev3A_1380 = tpu.iota {dimensions = array<i32: 0>} : vector<16xi32>
        %rev3A_1381 = arith.subi %rev3A_1379, %rev3A_1380 : vector<16xi32>
        %rev3A_1382 = tpu.dynamic_gather %masked_sort3A_1338[%rev3A_1381] in [0] : vector<16xf32>, vector<16xi32> -> vector<16xf32>
        %rev3A_1383 = arith.constant 15 : i32
        %rev3A_1384 = vector.broadcast %rev3A_1383 : i32 to vector<16xi32>
        %rev3A_1385 = tpu.iota {dimensions = array<i32: 0>} : vector<16xi32>
        %rev3A_1386 = arith.subi %rev3A_1384, %rev3A_1385 : vector<16xi32>
        %rev3A_1387 = tpu.dynamic_gather %masked_sort3A_1339[%rev3A_1386] in [0] : vector<16xi32>, vector<16xi32> -> vector<16xi32>
        %ge3A_1388 = arith.cmpf oge, %masked_sort3A_1319, %rev3A_1382 : vector<16xf32>
        %select_n3A_1389 = arith.select %ge3A_1388, %masked_sort3A_1319, %rev3A_1382 : vector<16xi1>, vector<16xf32>
        %select_n3A_1390 = arith.select %ge3A_1388, %masked_sort3A_1320, %rev3A_1387 : vector<16xi1>, vector<16xi32>
        %select_n3A_1391 = arith.select %ge3A_1388, %rev3A_1382, %masked_sort3A_1319 : vector<16xi1>, vector<16xf32>
        %select_n3A_1392 = arith.select %ge3A_1388, %rev3A_1387, %masked_sort3A_1320 : vector<16xi1>, vector<16xi32>
        %masked_sort3A_1393 = arith.constant dense<true> : vector<16xi1>
        %masked_sort3A_1394, %masked_sort3A_1395, %masked_sort3A_1396 = tpu.sort %select_n3A_1389, %select_n3A_1390 masked %masked_sort3A_1393 {descending = true} : (vector<16xf32>, vector<16xi32>, vector<16xi1>) -> (vector<16xi1>, vector<16xf32>, vector<16xi32>)
        %rev3A_1397 = arith.constant 15 : i32
        %rev3A_1398 = vector.broadcast %rev3A_1397 : i32 to vector<16xi32>
        %rev3A_1399 = tpu.iota {dimensions = array<i32: 0>} : vector<16xi32>
        %rev3A_1400 = arith.subi %rev3A_1398, %rev3A_1399 : vector<16xi32>
        %rev3A_1401 = tpu.dynamic_gather %masked_sort3A_1376[%rev3A_1400] in [0] : vector<16xf32>, vector<16xi32> -> vector<16xf32>
        %rev3A_1402 = arith.constant 15 : i32
        %rev3A_1403 = vector.broadcast %rev3A_1402 : i32 to vector<16xi32>
        %rev3A_1404 = tpu.iota {dimensions = array<i32: 0>} : vector<16xi32>
        %rev3A_1405 = arith.subi %rev3A_1403, %rev3A_1404 : vector<16xi32>
        %rev3A_1406 = tpu.dynamic_gather %masked_sort3A_1377[%rev3A_1405] in [0] : vector<16xi32>, vector<16xi32> -> vector<16xi32>
        %ge3A_1407 = arith.cmpf oge, %masked_sort3A_1357, %rev3A_1401 : vector<16xf32>
        %select_n3A_1408 = arith.select %ge3A_1407, %masked_sort3A_1357, %rev3A_1401 : vector<16xi1>, vector<16xf32>
        %select_n3A_1409 = arith.select %ge3A_1407, %masked_sort3A_1358, %rev3A_1406 : vector<16xi1>, vector<16xi32>
        %select_n3A_1410 = arith.select %ge3A_1407, %rev3A_1401, %masked_sort3A_1357 : vector<16xi1>, vector<16xf32>
        %select_n3A_1411 = arith.select %ge3A_1407, %rev3A_1406, %masked_sort3A_1358 : vector<16xi1>, vector<16xi32>
        %masked_sort3A_1412 = arith.constant dense<true> : vector<16xi1>
        %masked_sort3A_1413, %masked_sort3A_1414, %masked_sort3A_1415 = tpu.sort %select_n3A_1408, %select_n3A_1409 masked %masked_sort3A_1412 {descending = true} : (vector<16xf32>, vector<16xi32>, vector<16xi1>) -> (vector<16xi1>, vector<16xf32>, vector<16xi32>)
        %rev3A_1416 = arith.constant 15 : i32
        %rev3A_1417 = vector.broadcast %rev3A_1416 : i32 to vector<16xi32>
        %rev3A_1418 = tpu.iota {dimensions = array<i32: 0>} : vector<16xi32>
        %rev3A_1419 = arith.subi %rev3A_1417, %rev3A_1418 : vector<16xi32>
        %rev3A_1420 = tpu.dynamic_gather %masked_sort3A_1414[%rev3A_1419] in [0] : vector<16xf32>, vector<16xi32> -> vector<16xf32>
        %rev3A_1421 = arith.constant 15 : i32
        %rev3A_1422 = vector.broadcast %rev3A_1421 : i32 to vector<16xi32>
        %rev3A_1423 = tpu.iota {dimensions = array<i32: 0>} : vector<16xi32>
        %rev3A_1424 = arith.subi %rev3A_1422, %rev3A_1423 : vector<16xi32>
        %rev3A_1425 = tpu.dynamic_gather %masked_sort3A_1415[%rev3A_1424] in [0] : vector<16xi32>, vector<16xi32> -> vector<16xi32>
        %ge3A_1426 = arith.cmpf oge, %masked_sort3A_1395, %rev3A_1420 : vector<16xf32>
        %select_n3A_1427 = arith.select %ge3A_1426, %masked_sort3A_1395, %rev3A_1420 : vector<16xi1>, vector<16xf32>
        %select_n3A_1428 = arith.select %ge3A_1426, %masked_sort3A_1396, %rev3A_1425 : vector<16xi1>, vector<16xi32>
        %select_n3A_1429 = arith.select %ge3A_1426, %rev3A_1420, %masked_sort3A_1395 : vector<16xi1>, vector<16xf32>
        %select_n3A_1430 = arith.select %ge3A_1426, %rev3A_1425, %masked_sort3A_1396 : vector<16xi1>, vector<16xi32>
        %masked_sort3A_1431 = arith.constant dense<true> : vector<16xi1>
        %masked_sort3A_1432, %masked_sort3A_1433, %masked_sort3A_1434 = tpu.sort %select_n3A_1427, %select_n3A_1428 masked %masked_sort3A_1431 {descending = true} : (vector<16xf32>, vector<16xi32>, vector<16xi1>) -> (vector<16xi1>, vector<16xf32>, vector<16xi32>)
        %rev3A_1435 = arith.constant 15 : i32
        %rev3A_1436 = vector.broadcast %rev3A_1435 : i32 to vector<16xi32>
        %rev3A_1437 = tpu.iota {dimensions = array<i32: 0>} : vector<16xi32>
        %rev3A_1438 = arith.subi %rev3A_1436, %rev3A_1437 : vector<16xi32>
        %rev3A_1439 = tpu.dynamic_gather %masked_sort3A_1300[%rev3A_1438] in [0] : vector<16xf32>, vector<16xi32> -> vector<16xf32>
        %rev3A_1440 = arith.constant 15 : i32
        %rev3A_1441 = vector.broadcast %rev3A_1440 : i32 to vector<16xi32>
        %rev3A_1442 = tpu.iota {dimensions = array<i32: 0>} : vector<16xi32>
        %rev3A_1443 = arith.subi %rev3A_1441, %rev3A_1442 : vector<16xi32>
        %rev3A_1444 = tpu.dynamic_gather %masked_sort3A_1301[%rev3A_1443] in [0] : vector<16xi32>, vector<16xi32> -> vector<16xi32>
        %ge3A_1445 = arith.cmpf oge, %masked_sort3A_1433, %rev3A_1439 : vector<16xf32>
        %select_n3A_1446 = arith.select %ge3A_1445, %masked_sort3A_1433, %rev3A_1439 : vector<16xi1>, vector<16xf32>
        %select_n3A_1447 = arith.select %ge3A_1445, %masked_sort3A_1434, %rev3A_1444 : vector<16xi1>, vector<16xi32>
        %select_n3A_1448 = arith.select %ge3A_1445, %rev3A_1439, %masked_sort3A_1433 : vector<16xi1>, vector<16xf32>
        %select_n3A_1449 = arith.select %ge3A_1445, %rev3A_1444, %masked_sort3A_1434 : vector<16xi1>, vector<16xi32>
        %masked_sort3A_1450 = arith.constant dense<true> : vector<16xi1>
        %masked_sort3A_1451, %masked_sort3A_1452, %masked_sort3A_1453 = tpu.sort %select_n3A_1446, %select_n3A_1447 masked %masked_sort3A_1450 {descending = true} : (vector<16xf32>, vector<16xi32>, vector<16xi1>) -> (vector<16xi1>, vector<16xf32>, vector<16xi32>)
        %shift_right_logical3A = arith.constant 6 : i32
        %shift_right_logical3A_1454 = vector.broadcast %shift_right_logical3A : i32 to vector<16xi32>
        %shift_right_logical3A_1455 = arith.shrui %masked_sort3A_1453, %shift_right_logical3A_1454 : vector<16xi32>
        %and3A = arith.constant 63 : i32
        %and3A_1456 = vector.broadcast %and3A : i32 to vector<16xi32>
        %and3A_1457 = arith.andi %masked_sort3A_1453, %and3A_1456 : vector<16xi32>
        %lt3A_1458 = arith.constant 0 : i32
        %lt3A_1459 = vector.broadcast %lt3A_1458 : i32 to vector<16xi32>
        %lt3A_1460 = arith.cmpi slt, %shift_right_logical3A_1455, %lt3A_1459 : vector<16xi32>
        %add3A_1461 = arith.constant 16 : i32
        %add3A_1462 = vector.broadcast %add3A_1461 : i32 to vector<16xi32>
        %add3A_1463 = arith.addi %shift_right_logical3A_1455, %add3A_1462 : vector<16xi32>
        %select_n3A_1464 = arith.select %lt3A_1460, %add3A_1463, %shift_right_logical3A_1455 : vector<16xi1>, vector<16xi32>
        %broadcast_in_dim3A_1465 = vector.shape_cast %select_n3A_1464 : vector<16xi32> to vector<16x1xi32>
        %gather3A_1466 = vector.shape_cast %broadcast_in_dim3A_1465 : vector<16x1xi32> to vector<16xi32>
        %gather3A_1467 = tpu.dynamic_gather %while3A_184[%gather3A_1466] in [0] : vector<16xf32>, vector<16xi32> -> vector<16xf32>
        %lt3A_1468 = arith.constant 0 : i32
        %lt3A_1469 = vector.broadcast %lt3A_1468 : i32 to vector<16xi32>
        %lt3A_1470 = arith.cmpi slt, %shift_right_logical3A_1455, %lt3A_1469 : vector<16xi32>
        %add3A_1471 = arith.constant 16 : i32
        %add3A_1472 = vector.broadcast %add3A_1471 : i32 to vector<16xi32>
        %add3A_1473 = arith.addi %shift_right_logical3A_1455, %add3A_1472 : vector<16xi32>
        %select_n3A_1474 = arith.select %lt3A_1470, %add3A_1473, %shift_right_logical3A_1455 : vector<16xi1>, vector<16xi32>
        %broadcast_in_dim3A_1475 = vector.shape_cast %select_n3A_1474 : vector<16xi32> to vector<16x1xi32>
        %gather3A_1476 = vector.shape_cast %broadcast_in_dim3A_1475 : vector<16x1xi32> to vector<16xi32>
        %gather3A_1477 = tpu.dynamic_gather %add3A_253[%gather3A_1476] in [0] : vector<16xf32>, vector<16xi32> -> vector<16xf32>
        %lt3A_1478 = arith.constant 0 : i32
        %lt3A_1479 = vector.broadcast %lt3A_1478 : i32 to vector<16xi32>
        %lt3A_1480 = arith.cmpi slt, %shift_right_logical3A_1455, %lt3A_1479 : vector<16xi32>
        %add3A_1481 = arith.constant 16 : i32
        %add3A_1482 = vector.broadcast %add3A_1481 : i32 to vector<16xi32>
        %add3A_1483 = arith.addi %shift_right_logical3A_1455, %add3A_1482 : vector<16xi32>
        %select_n3A_1484 = arith.select %lt3A_1480, %add3A_1483, %shift_right_logical3A_1455 : vector<16xi1>, vector<16xi32>
        %broadcast_in_dim3A_1485 = vector.shape_cast %select_n3A_1484 : vector<16xi32> to vector<16x1xi32>
        %gather3A_1486 = vector.shape_cast %broadcast_in_dim3A_1485 : vector<16x1xi32> to vector<16xi32>
        %gather3A_1487 = tpu.dynamic_gather %select_n3A_259[%gather3A_1486] in [0] : vector<16xf32>, vector<16xi32> -> vector<16xf32>
        %lt3A_1488 = arith.constant 0 : i32
        %lt3A_1489 = vector.broadcast %lt3A_1488 : i32 to vector<16xi32>
        %lt3A_1490 = arith.cmpi slt, %shift_right_logical3A_1455, %lt3A_1489 : vector<16xi32>
        %add3A_1491 = arith.constant 16 : i32
        %add3A_1492 = vector.broadcast %add3A_1491 : i32 to vector<16xi32>
        %add3A_1493 = arith.addi %shift_right_logical3A_1455, %add3A_1492 : vector<16xi32>
        %select_n3A_1494 = arith.select %lt3A_1490, %add3A_1493, %shift_right_logical3A_1455 : vector<16xi1>, vector<16xi32>
        %broadcast_in_dim3A_1495 = vector.shape_cast %select_n3A_1494 : vector<16xi32> to vector<16x1xi32>
        %gather3A_1496 = vector.shape_cast %broadcast_in_dim3A_1495 : vector<16x1xi32> to vector<16xi32>
        %gather3A_1497 = tpu.dynamic_gather %add3A_234[%gather3A_1496] in [0] : vector<16xf32>, vector<16xi32> -> vector<16xf32>
        %lt3A_1498 = arith.constant 0 : i32
        %lt3A_1499 = vector.broadcast %lt3A_1498 : i32 to vector<16xi32>
        %lt3A_1500 = arith.cmpi slt, %shift_right_logical3A_1455, %lt3A_1499 : vector<16xi32>
        %add3A_1501 = arith.constant 16 : i32
        %add3A_1502 = vector.broadcast %add3A_1501 : i32 to vector<16xi32>
        %add3A_1503 = arith.addi %shift_right_logical3A_1455, %add3A_1502 : vector<16xi32>
        %select_n3A_1504 = arith.select %lt3A_1500, %add3A_1503, %shift_right_logical3A_1455 : vector<16xi1>, vector<16xi32>
        %broadcast_in_dim3A_1505 = vector.shape_cast %select_n3A_1504 : vector<16xi32> to vector<16x1xi32>
        %gather3A_1506 = vector.shape_cast %broadcast_in_dim3A_1505 : vector<16x1xi32> to vector<16xi32>
        %gather3A_1507 = tpu.dynamic_gather %while3A_186[%gather3A_1506] in [0] : vector<16xi32>, vector<16xi32> -> vector<16xi32>
        %lt3A_1508 = arith.constant 0 : i32
        %lt3A_1509 = vector.broadcast %lt3A_1508 : i32 to vector<16xi32>
        %lt3A_1510 = arith.cmpi slt, %shift_right_logical3A_1455, %lt3A_1509 : vector<16xi32>
        %add3A_1511 = arith.constant 16 : i32
        %add3A_1512 = vector.broadcast %add3A_1511 : i32 to vector<16xi32>
        %add3A_1513 = arith.addi %shift_right_logical3A_1455, %add3A_1512 : vector<16xi32>
        %select_n3A_1514 = arith.select %lt3A_1510, %add3A_1513, %shift_right_logical3A_1455 : vector<16xi1>, vector<16xi32>
        %broadcast_in_dim3A_1515 = vector.shape_cast %select_n3A_1514 : vector<16xi32> to vector<16x1xi32>
        %gather3A_1516 = vector.shape_cast %broadcast_in_dim3A_1515 : vector<16x1xi32> to vector<16xi32>
        %gather3A_1517 = tpu.dynamic_gather %while3A_187[%gather3A_1516] in [0] : vector<16xi32>, vector<16xi32> -> vector<16xi32>
        %broadcast_in_dim3A_1518 = arith.constant 0 : i32
        %broadcast_in_dim3A_1519 = vector.broadcast %broadcast_in_dim3A_1518 : i32 to vector<16xi32>
        %add3A_1520 = vector.broadcast %while3A_183 : i32 to vector<16xi32>
        %add3A_1521 = arith.addi %broadcast_in_dim3A_1519, %add3A_1520 : vector<16xi32>
        %gather3A_1522 = tpu.vector_load_idx %arg5[%add3A_1521, %and3A_1457] : memref<256x64xf32, #tpu.memory_space<vmem>>[vector<16xi32>, vector<16xi32>], vector<16xf32>,
        %eq3A_1523 = arith.cmpi eq, %and3A_1457, %gather3A_1507 : vector<16xi32>
        %select_n3A_1524 = arith.select %eq3A_1523, %gather3A_1467, %gather3A_1497 : vector<16xi1>, vector<16xf32>
        %add3A_1525 = arith.addf %select_n3A_1524, %gather3A_1522 : vector<16xf32>
        %eq3A_1526 = arith.constant 0 : i32
        %eq3A_1527 = vector.broadcast %eq3A_1526 : i32 to vector<16xi32>
        %eq3A_1528 = arith.cmpi eq, %and3A_1457, %eq3A_1527 : vector<16xi32>
        %jit3A_1529 = arith.constant -1.000000e+30 : f32
        %broadcast_in_dim3A_1530 = vector.broadcast %jit3A_1529 : f32 to vector<16xf32>
        %select_n3A_1531 = arith.select %eq3A_1528, %gather3A_1477, %broadcast_in_dim3A_1530 : vector<16xi1>, vector<16xf32>
        %select_n3A_1532 = arith.select %eq3A_1528, %gather3A_1487, %add3A_1525 : vector<16xi1>, vector<16xf32>
        %select_n3A_1533 = arith.select %eq3A_1528, %gather3A_1507, %and3A_1457 : vector<16xi1>, vector<16xi32>
        %add3A_1534 = arith.constant 1 : i32
        %add3A_1535 = vector.broadcast %add3A_1534 : i32 to vector<16xi32>
        %add3A_1536 = arith.addi %gather3A_1517, %add3A_1535 : vector<16xi32>
        %min3A = arith.constant 256 : i32
        %min3A_1537 = vector.broadcast %min3A : i32 to vector<16xi32>
        %min3A_1538 = arith.minsi %add3A_1536, %min3A_1537 : vector<16xi32>
        %select_n3A_1539 = arith.select %eq3A_1528, %gather3A_1517, %min3A_1538 : vector<16xi1>, vector<16xi32>
        %swap3A_1540 = arith.index_cast %while3A_183 : i32 to index
        %swap3A_1541 = arith.constant 0 : index
        %swap3A_1542 = tpu.vector_load %arg7[%swap3A_1540, %swap3A_1541] {strides = array<i32>} : memref<256x16xi32, #tpu.memory_space<vmem>>, vector<16xi32>,
        tpu.vector_store %arg7[%swap3A_1540, %swap3A_1541], %shift_right_logical3A_1455 {strides = array<i32>} : memref<256x16xi32, #tpu.memory_space<vmem>>, vector<16xi32>,
        %jit3A_1543 = arith.constant -1 : i32
        %broadcast_in_dim3A_1544 = vector.broadcast %jit3A_1543 : i32 to vector<16xi32>
        %select_n3A_1545 = arith.select %eq3A_1528, %broadcast_in_dim3A_1544, %and3A_1457 : vector<16xi1>, vector<16xi32>
        %swap3A_1546 = arith.index_cast %while3A_183 : i32 to index
        %swap3A_1547 = arith.constant 0 : index
        %swap3A_1548 = tpu.vector_load %arg8[%swap3A_1546, %swap3A_1547] {strides = array<i32>} : memref<256x16xi32, #tpu.memory_space<vmem>>, vector<16xi32>,
        tpu.vector_store %arg8[%swap3A_1546, %swap3A_1547], %select_n3A_1545 {strides = array<i32>} : memref<256x16xi32, #tpu.memory_space<vmem>>, vector<16xi32>,
        scf.yield %select_n3A_1531, %select_n3A_1532, %select_n3A_1533, %select_n3A_1539 : vector<16xf32>, vector<16xf32>, vector<16xi32>, vector<16xi32>
      }
      %max3A = arith.maximumf %while3A_26#0, %while3A_26#1 : vector<16xf32>
      %sub3A = arith.subf %while3A_26#0, %while3A_26#1 : vector<16xf32>
      %abs3A = math.absf %sub3A : vector<16xf32>
      %neg3A = arith.constant 0.000000e+00 : f32
      %neg3A_27 = vector.broadcast %neg3A : f32 to vector<16xf32>
      %neg3A_28 = arith.subf %neg3A_27, %abs3A : vector<16xf32>
      %exp3A = math.exp %neg3A_28 : vector<16xf32>
      %add3A_29 = arith.constant 2.000000e+00 : f32
      %add3A_30 = vector.broadcast %add3A_29 : f32 to vector<16xf32>
      %add3A_31 = arith.addf %exp3A, %add3A_30 : vector<16xf32>
      %div3A = arith.divf %exp3A, %add3A_31 : vector<16xf32>
      %mul3A_32 = arith.mulf %div3A, %div3A : vector<16xf32>
      %broadcast_in_dim3A_33 = arith.constant 0.0666666701 : f32
      %broadcast_in_dim3A_34 = vector.broadcast %broadcast_in_dim3A_33 : f32 to vector<16xf32>
      %mul3A_35 = arith.mulf %broadcast_in_dim3A_34, %mul3A_32 : vector<16xf32>
      %add3A_36 = arith.constant 0.0769230798 : f32
      %add3A_37 = vector.broadcast %add3A_36 : f32 to vector<16xf32>
      %add3A_38 = arith.addf %mul3A_35, %add3A_37 : vector<16xf32>
      %mul3A_39 = arith.mulf %add3A_38, %mul3A_32 : vector<16xf32>
      %add3A_40 = arith.constant 0.0909090936 : f32
      %add3A_41 = vector.broadcast %add3A_40 : f32 to vector<16xf32>
      %add3A_42 = arith.addf %mul3A_39, %add3A_41 : vector<16xf32>
      %mul3A_43 = arith.mulf %add3A_42, %mul3A_32 : vector<16xf32>
      %add3A_44 = arith.constant 0.111111112 : f32
      %add3A_45 = vector.broadcast %add3A_44 : f32 to vector<16xf32>
      %add3A_46 = arith.addf %mul3A_43, %add3A_45 : vector<16xf32>
      %mul3A_47 = arith.mulf %add3A_46, %mul3A_32 : vector<16xf32>
      %add3A_48 = arith.constant 0.142857149 : f32
      %add3A_49 = vector.broadcast %add3A_48 : f32 to vector<16xf32>
      %add3A_50 = arith.addf %mul3A_47, %add3A_49 : vector<16xf32>
      %mul3A_51 = arith.mulf %add3A_50, %mul3A_32 : vector<16xf32>
      %add3A_52 = arith.constant 2.000000e-01 : f32
      %add3A_53 = vector.broadcast %add3A_52 : f32 to vector<16xf32>
      %add3A_54 = arith.addf %mul3A_51, %add3A_53 : vector<16xf32>
      %mul3A_55 = arith.mulf %add3A_54, %mul3A_32 : vector<16xf32>
      %add3A_56 = arith.constant 0.333333343 : f32
      %add3A_57 = vector.broadcast %add3A_56 : f32 to vector<16xf32>
      %add3A_58 = arith.addf %mul3A_55, %add3A_57 : vector<16xf32>
      %mul3A_59 = arith.mulf %add3A_58, %mul3A_32 : vector<16xf32>
      %add3A_60 = arith.constant 1.000000e+00 : f32
      %add3A_61 = vector.broadcast %add3A_60 : f32 to vector<16xf32>
      %add3A_62 = arith.addf %mul3A_59, %add3A_61 : vector<16xf32>
      %mul3A_63 = arith.constant 2.000000e+00 : f32
      %mul3A_64 = vector.broadcast %mul3A_63 : f32 to vector<16xf32>
      %mul3A_65 = arith.mulf %mul3A_64, %div3A : vector<16xf32>
      %mul3A_66 = arith.mulf %mul3A_65, %add3A_62 : vector<16xf32>
      %add3A_67 = arith.addf %max3A, %mul3A_66 : vector<16xf32>
      %masked_sort3A = arith.constant dense<true> : vector<16xi1>
      %masked_sort3A_68, %masked_sort3A_69, %masked_sort3A_70 = tpu.sort %add3A_67, %iota3A masked %masked_sort3A {descending = true} : (vector<16xf32>, vector<16xi32>, vector<16xi1>) -> (vector<16xi1>, vector<16xf32>, vector<16xi32>)
      %broadcast_in_dim3A_71 = arith.constant 0 : i32
      %broadcast_in_dim3A_72 = vector.broadcast %broadcast_in_dim3A_71 : i32 to vector<16xi32>
      %add3A_73 = arith.constant 0 : i32
      %add3A_74 = vector.broadcast %add3A_73 : i32 to vector<16xi32>
      %add3A_75 = arith.addi %broadcast_in_dim3A_72, %add3A_74 : vector<16xi32>
      %lt3A_76 = arith.constant 0 : i32
      %lt3A_77 = vector.broadcast %lt3A_76 : i32 to vector<16xi32>
      %lt3A_78 = arith.cmpi slt, %add3A_75, %lt3A_77 : vector<16xi32>
      %add3A_79 = arith.constant 16 : i32
      %add3A_80 = vector.broadcast %add3A_79 : i32 to vector<16xi32>
      %add3A_81 = arith.addi %add3A_75, %add3A_80 : vector<16xi32>
      %select_n3A_82 = arith.select %lt3A_78, %add3A_81, %add3A_75 : vector<16xi1>, vector<16xi32>
      %broadcast_in_dim3A_83 = vector.shape_cast %select_n3A_82 : vector<16xi32> to vector<16x1xi32>
      %gather3A_84 = vector.shape_cast %broadcast_in_dim3A_83 : vector<16x1xi32> to vector<16xi32>
      %gather3A_85 = tpu.dynamic_gather %masked_sort3A_69[%gather3A_84] in [0] : vector<16xf32>, vector<16xi32> -> vector<16xf32>
      %eq3A_86 = arith.cmpf oeq, %add3A_67, %gather3A_85 : vector<16xf32>
      %all_reduce_ffs3A = tpu.all_reduce %eq3A_86 {dim = 0 : i64, kind = #tpu.reduction_kind<find_first_set>} : vector<16xi1> -> vector<16xi32>
      %broadcast_in_dim3A_87 = arith.constant 0 : i32
      %broadcast_in_dim3A_88 = vector.broadcast %broadcast_in_dim3A_87 : i32 to vector<16xi32>
      %add3A_89 = arith.constant 0 : i32
      %add3A_90 = vector.broadcast %add3A_89 : i32 to vector<16xi32>
      %add3A_91 = arith.addi %broadcast_in_dim3A_88, %add3A_90 : vector<16xi32>
      %add3A_92 = arith.addi %add3A_91, %all_reduce_ffs3A : vector<16xi32>
      %lt3A_93 = arith.constant 0 : i32
      %lt3A_94 = vector.broadcast %lt3A_93 : i32 to vector<16xi32>
      %lt3A_95 = arith.cmpi slt, %add3A_92, %lt3A_94 : vector<16xi32>
      %add3A_96 = arith.constant 16 : i32
      %add3A_97 = vector.broadcast %add3A_96 : i32 to vector<16xi32>
      %add3A_98 = arith.addi %add3A_92, %add3A_97 : vector<16xi32>
      %select_n3A_99 = arith.select %lt3A_95, %add3A_98, %add3A_92 : vector<16xi1>, vector<16xi32>
      %broadcast_in_dim3A_100 = vector.shape_cast %select_n3A_99 : vector<16xi32> to vector<16x1xi32>
      %gather3A_101 = vector.shape_cast %broadcast_in_dim3A_100 : vector<16x1xi32> to vector<16xi32>
      %gather3A_102 = tpu.dynamic_gather %while3A_26#3[%gather3A_101] in [0] : vector<16xi32>, vector<16xi32> -> vector<16xi32>
      %broadcast_in_dim3A_103 = arith.constant 0 : i32
      %broadcast_in_dim3A_104 = vector.broadcast %broadcast_in_dim3A_103 : i32 to vector<16xi32>
      %swap3A = arith.constant 0 : index
      %swap3A_105 = tpu.vector_load %arg9[%swap3A] {strides = array<i32>} : memref<256xi32, #tpu.memory_space<vmem>>, vector<16xi32>,
      tpu.vector_store %arg9[%swap3A], %broadcast_in_dim3A_104 {strides = array<i32>} : memref<256xi32, #tpu.memory_space<vmem>>, vector<16xi32>,
      %broadcast_in_dim3A_106 = arith.constant 0 : i32
      %broadcast_in_dim3A_107 = vector.broadcast %broadcast_in_dim3A_106 : i32 to vector<16xi32>
      %swap3A_108 = arith.constant 16 : index
      %swap3A_109 = tpu.vector_load %arg9[%swap3A_108] {strides = array<i32>} : memref<256xi32, #tpu.memory_space<vmem>>, vector<16xi32>,
      tpu.vector_store %arg9[%swap3A_108], %broadcast_in_dim3A_107 {strides = array<i32>} : memref<256xi32, #tpu.memory_space<vmem>>, vector<16xi32>,
      %broadcast_in_dim3A_110 = arith.constant 0 : i32
      %broadcast_in_dim3A_111 = vector.broadcast %broadcast_in_dim3A_110 : i32 to vector<16xi32>
      %swap3A_112 = arith.constant 32 : index
      %swap3A_113 = tpu.vector_load %arg9[%swap3A_112] {strides = array<i32>} : memref<256xi32, #tpu.memory_space<vmem>>, vector<16xi32>,
      tpu.vector_store %arg9[%swap3A_112], %broadcast_in_dim3A_111 {strides = array<i32>} : memref<256xi32, #tpu.memory_space<vmem>>, vector<16xi32>,
      %broadcast_in_dim3A_114 = arith.constant 0 : i32
      %broadcast_in_dim3A_115 = vector.broadcast %broadcast_in_dim3A_114 : i32 to vector<16xi32>
      %swap3A_116 = arith.constant 48 : index
      %swap3A_117 = tpu.vector_load %arg9[%swap3A_116] {strides = array<i32>} : memref<256xi32, #tpu.memory_space<vmem>>, vector<16xi32>,
      tpu.vector_store %arg9[%swap3A_116], %broadcast_in_dim3A_115 {strides = array<i32>} : memref<256xi32, #tpu.memory_space<vmem>>, vector<16xi32>,
      %broadcast_in_dim3A_118 = arith.constant 0 : i32
      %broadcast_in_dim3A_119 = vector.broadcast %broadcast_in_dim3A_118 : i32 to vector<16xi32>
      %swap3A_120 = arith.constant 64 : index
      %swap3A_121 = tpu.vector_load %arg9[%swap3A_120] {strides = array<i32>} : memref<256xi32, #tpu.memory_space<vmem>>, vector<16xi32>,
      tpu.vector_store %arg9[%swap3A_120], %broadcast_in_dim3A_119 {strides = array<i32>} : memref<256xi32, #tpu.memory_space<vmem>>, vector<16xi32>,
      %broadcast_in_dim3A_122 = arith.constant 0 : i32
      %broadcast_in_dim3A_123 = vector.broadcast %broadcast_in_dim3A_122 : i32 to vector<16xi32>
      %swap3A_124 = arith.constant 80 : index
      %swap3A_125 = tpu.vector_load %arg9[%swap3A_124] {strides = array<i32>} : memref<256xi32, #tpu.memory_space<vmem>>, vector<16xi32>,
      tpu.vector_store %arg9[%swap3A_124], %broadcast_in_dim3A_123 {strides = array<i32>} : memref<256xi32, #tpu.memory_space<vmem>>, vector<16xi32>,
      %broadcast_in_dim3A_126 = arith.constant 0 : i32
      %broadcast_in_dim3A_127 = vector.broadcast %broadcast_in_dim3A_126 : i32 to vector<16xi32>
      %swap3A_128 = arith.constant 96 : index
      %swap3A_129 = tpu.vector_load %arg9[%swap3A_128] {strides = array<i32>} : memref<256xi32, #tpu.memory_space<vmem>>, vector<16xi32>,
      tpu.vector_store %arg9[%swap3A_128], %broadcast_in_dim3A_127 {strides = array<i32>} : memref<256xi32, #tpu.memory_space<vmem>>, vector<16xi32>,
      %broadcast_in_dim3A_130 = arith.constant 0 : i32
      %broadcast_in_dim3A_131 = vector.broadcast %broadcast_in_dim3A_130 : i32 to vector<16xi32>
      %swap3A_132 = arith.constant 112 : index
      %swap3A_133 = tpu.vector_load %arg9[%swap3A_132] {strides = array<i32>} : memref<256xi32, #tpu.memory_space<vmem>>, vector<16xi32>,
      tpu.vector_store %arg9[%swap3A_132], %broadcast_in_dim3A_131 {strides = array<i32>} : memref<256xi32, #tpu.memory_space<vmem>>, vector<16xi32>,
      %broadcast_in_dim3A_134 = arith.constant 0 : i32
      %broadcast_in_dim3A_135 = vector.broadcast %broadcast_in_dim3A_134 : i32 to vector<16xi32>
      %swap3A_136 = arith.constant 128 : index
      %swap3A_137 = tpu.vector_load %arg9[%swap3A_136] {strides = array<i32>} : memref<256xi32, #tpu.memory_space<vmem>>, vector<16xi32>,
      tpu.vector_store %arg9[%swap3A_136], %broadcast_in_dim3A_135 {strides = array<i32>} : memref<256xi32, #tpu.memory_space<vmem>>, vector<16xi32>,
      %broadcast_in_dim3A_138 = arith.constant 0 : i32
      %broadcast_in_dim3A_139 = vector.broadcast %broadcast_in_dim3A_138 : i32 to vector<16xi32>
      %swap3A_140 = arith.constant 144 : index
      %swap3A_141 = tpu.vector_load %arg9[%swap3A_140] {strides = array<i32>} : memref<256xi32, #tpu.memory_space<vmem>>, vector<16xi32>,
      tpu.vector_store %arg9[%swap3A_140], %broadcast_in_dim3A_139 {strides = array<i32>} : memref<256xi32, #tpu.memory_space<vmem>>, vector<16xi32>,
      %broadcast_in_dim3A_142 = arith.constant 0 : i32
      %broadcast_in_dim3A_143 = vector.broadcast %broadcast_in_dim3A_142 : i32 to vector<16xi32>
      %swap3A_144 = arith.constant 160 : index
      %swap3A_145 = tpu.vector_load %arg9[%swap3A_144] {strides = array<i32>} : memref<256xi32, #tpu.memory_space<vmem>>, vector<16xi32>,
      tpu.vector_store %arg9[%swap3A_144], %broadcast_in_dim3A_143 {strides = array<i32>} : memref<256xi32, #tpu.memory_space<vmem>>, vector<16xi32>,
      %broadcast_in_dim3A_146 = arith.constant 0 : i32
      %broadcast_in_dim3A_147 = vector.broadcast %broadcast_in_dim3A_146 : i32 to vector<16xi32>
      %swap3A_148 = arith.constant 176 : index
      %swap3A_149 = tpu.vector_load %arg9[%swap3A_148] {strides = array<i32>} : memref<256xi32, #tpu.memory_space<vmem>>, vector<16xi32>,
      tpu.vector_store %arg9[%swap3A_148], %broadcast_in_dim3A_147 {strides = array<i32>} : memref<256xi32, #tpu.memory_space<vmem>>, vector<16xi32>,
      %broadcast_in_dim3A_150 = arith.constant 0 : i32
      %broadcast_in_dim3A_151 = vector.broadcast %broadcast_in_dim3A_150 : i32 to vector<16xi32>
      %swap3A_152 = arith.constant 192 : index
      %swap3A_153 = tpu.vector_load %arg9[%swap3A_152] {strides = array<i32>} : memref<256xi32, #tpu.memory_space<vmem>>, vector<16xi32>,
      tpu.vector_store %arg9[%swap3A_152], %broadcast_in_dim3A_151 {strides = array<i32>} : memref<256xi32, #tpu.memory_space<vmem>>, vector<16xi32>,
      %broadcast_in_dim3A_154 = arith.constant 0 : i32
      %broadcast_in_dim3A_155 = vector.broadcast %broadcast_in_dim3A_154 : i32 to vector<16xi32>
      %swap3A_156 = arith.constant 208 : index
      %swap3A_157 = tpu.vector_load %arg9[%swap3A_156] {strides = array<i32>} : memref<256xi32, #tpu.memory_space<vmem>>, vector<16xi32>,
      tpu.vector_store %arg9[%swap3A_156], %broadcast_in_dim3A_155 {strides = array<i32>} : memref<256xi32, #tpu.memory_space<vmem>>, vector<16xi32>,
      %broadcast_in_dim3A_158 = arith.constant 0 : i32
      %broadcast_in_dim3A_159 = vector.broadcast %broadcast_in_dim3A_158 : i32 to vector<16xi32>
      %swap3A_160 = arith.constant 224 : index
      %swap3A_161 = tpu.vector_load %arg9[%swap3A_160] {strides = array<i32>} : memref<256xi32, #tpu.memory_space<vmem>>, vector<16xi32>,
      tpu.vector_store %arg9[%swap3A_160], %broadcast_in_dim3A_159 {strides = array<i32>} : memref<256xi32, #tpu.memory_space<vmem>>, vector<16xi32>,
      %broadcast_in_dim3A_162 = arith.constant 0 : i32
      %broadcast_in_dim3A_163 = vector.broadcast %broadcast_in_dim3A_162 : i32 to vector<16xi32>
      %swap3A_164 = arith.constant 240 : index
      %swap3A_165 = tpu.vector_load %arg9[%swap3A_164] {strides = array<i32>} : memref<256xi32, #tpu.memory_space<vmem>>, vector<16xi32>,
      tpu.vector_store %arg9[%swap3A_164], %broadcast_in_dim3A_163 {strides = array<i32>} : memref<256xi32, #tpu.memory_space<vmem>>, vector<16xi32>,
      %broadcast_in_dim3A_166 = arith.constant 0 : i32
      %broadcast_in_dim3A_167 = vector.broadcast %broadcast_in_dim3A_166 : i32 to vector<16xi32>
      %add3A_168 = arith.constant 0 : i32
      %add3A_169 = vector.broadcast %add3A_168 : i32 to vector<16xi32>
      %add3A_170 = arith.addi %broadcast_in_dim3A_167, %add3A_169 : vector<16xi32>
      %add3A_171 = arith.addi %add3A_170, %all_reduce_ffs3A : vector<16xi32>
      %while3A_172 = arith.constant 0 : i32
      %while3A_173 = arith.subi %squeeze3A, %while3A_172 : i32
      %while3A_174 = arith.addi %while3A_172, %while3A_173 : i32
      %while3A_175 = arith.constant 1 : i32
      %while3A_176 = arith.divsi %while3A_173, %while3A_175 : i32
      %while3A_177 = arith.muli %while3A_176, %while3A_175 : i32
      %while3A_178 = arith.addi %while3A_172, %while3A_177 : i32
      %while3A_179 = arith.constant 1 : i32
      %while3A_180:2 = scf.for %while3A_183 = %while3A_172 to %while3A_178 step %while3A_179 iter_args(%while3A_184 = %add3A_171, %while3A_185 = %gather3A_102) -> (vector<16xi32>, vector<16xi32>)  : i32 {
        %sub3A_186 = arith.constant 1 : i32
        %sub3A_187 = arith.subi %squeeze3A, %sub3A_186 : i32
        %sub3A_188 = arith.subi %sub3A_187, %while3A_183 : i32
        %broadcast_in_dim3A_189 = arith.constant 0 : i32
        %broadcast_in_dim3A_190 = vector.broadcast %broadcast_in_dim3A_189 : i32 to vector<16xi32>
        %add3A_191 = vector.broadcast %sub3A_188 : i32 to vector<16xi32>
        %add3A_192 = arith.addi %broadcast_in_dim3A_190, %add3A_191 : vector<16xi32>
        %gather3A_193 = tpu.vector_load_idx %arg8[%add3A_192, %while3A_184] : memref<256x16xi32, #tpu.memory_space<vmem>>[vector<16xi32>, vector<16xi32>], vector<16xi32>,
        %broadcast_in_dim3A_194 = arith.constant 0 : i32
        %broadcast_in_dim3A_195 = vector.broadcast %broadcast_in_dim3A_194 : i32 to vector<16xi32>
        %add3A_196 = vector.broadcast %sub3A_188 : i32 to vector<16xi32>
        %add3A_197 = arith.addi %broadcast_in_dim3A_195, %add3A_196 : vector<16xi32>
        %gather3A_198 = tpu.vector_load_idx %arg7[%add3A_197, %while3A_184] : memref<256x16xi32, #tpu.memory_space<vmem>>[vector<16xi32>, vector<16xi32>], vector<16xi32>,
        %ge3A = arith.constant 0 : i32
        %ge3A_199 = vector.broadcast %ge3A : i32 to vector<16xi32>
        %ge3A_200 = arith.cmpi sge, %gather3A_193, %ge3A_199 : vector<16xi32>
        %jit3A_201 = arith.constant 1 : i32
        %jit3A_202 = arith.constant 0 : i32
        %broadcast_in_dim3A_203 = vector.broadcast %jit3A_201 : i32 to vector<16xi32>
        %broadcast_in_dim3A_204 = vector.broadcast %jit3A_202 : i32 to vector<16xi32>
        %select_n3A_205 = arith.select %ge3A_200, %broadcast_in_dim3A_203, %broadcast_in_dim3A_204 : vector<16xi1>, vector<16xi32>
        %sub3A_206 = arith.subi %while3A_185, %select_n3A_205 : vector<16xi32>
        %eq3A_207 = arith.constant 0 : i32
        %eq3A_208 = vector.broadcast %eq3A_207 : i32 to vector<16xi32>
        %eq3A_209 = arith.cmpi eq, %iota3A, %eq3A_208 : vector<16xi32>
        %and3A = arith.andi %eq3A_209, %ge3A_200 : vector<16xi1>
        tpu.vector_store_idx %arg9[%sub3A_206], %gather3A_193 masked %and3A : memref<256xi32, #tpu.memory_space<vmem>>[vector<16xi32>], vector<16xi32>, vector<16xi1>
        scf.yield %gather3A_198, %sub3A_206 : vector<16xi32>, vector<16xi32>
      }
      %while3A_181 = arith.constant 1 : i32
      %while3A_182:2 = scf.for %while3A_183 = %while3A_178 to %while3A_174 step %while3A_181 iter_args(%while3A_184 = %while3A_180#0, %while3A_185 = %while3A_180#1) -> (vector<16xi32>, vector<16xi32>)  : i32 {
        %sub3A_186 = arith.constant 1 : i32
        %sub3A_187 = arith.subi %squeeze3A, %sub3A_186 : i32
        %sub3A_188 = arith.subi %sub3A_187, %while3A_183 : i32
        %broadcast_in_dim3A_189 = arith.constant 0 : i32
        %broadcast_in_dim3A_190 = vector.broadcast %broadcast_in_dim3A_189 : i32 to vector<16xi32>
        %add3A_191 = vector.broadcast %sub3A_188 : i32 to vector<16xi32>
        %add3A_192 = arith.addi %broadcast_in_dim3A_190, %add3A_191 : vector<16xi32>
        %gather3A_193 = tpu.vector_load_idx %arg8[%add3A_192, %while3A_184] : memref<256x16xi32, #tpu.memory_space<vmem>>[vector<16xi32>, vector<16xi32>], vector<16xi32>,
        %broadcast_in_dim3A_194 = arith.constant 0 : i32
        %broadcast_in_dim3A_195 = vector.broadcast %broadcast_in_dim3A_194 : i32 to vector<16xi32>
        %add3A_196 = vector.broadcast %sub3A_188 : i32 to vector<16xi32>
        %add3A_197 = arith.addi %broadcast_in_dim3A_195, %add3A_196 : vector<16xi32>
        %gather3A_198 = tpu.vector_load_idx %arg7[%add3A_197, %while3A_184] : memref<256x16xi32, #tpu.memory_space<vmem>>[vector<16xi32>, vector<16xi32>], vector<16xi32>,
        %ge3A = arith.constant 0 : i32
        %ge3A_199 = vector.broadcast %ge3A : i32 to vector<16xi32>
        %ge3A_200 = arith.cmpi sge, %gather3A_193, %ge3A_199 : vector<16xi32>
        %jit3A_201 = arith.constant 1 : i32
        %jit3A_202 = arith.constant 0 : i32
        %broadcast_in_dim3A_203 = vector.broadcast %jit3A_201 : i32 to vector<16xi32>
        %broadcast_in_dim3A_204 = vector.broadcast %jit3A_202 : i32 to vector<16xi32>
        %select_n3A_205 = arith.select %ge3A_200, %broadcast_in_dim3A_203, %broadcast_in_dim3A_204 : vector<16xi1>, vector<16xi32>
        %sub3A_206 = arith.subi %while3A_185, %select_n3A_205 : vector<16xi32>
        %eq3A_207 = arith.constant 0 : i32
        %eq3A_208 = vector.broadcast %eq3A_207 : i32 to vector<16xi32>
        %eq3A_209 = arith.cmpi eq, %iota3A, %eq3A_208 : vector<16xi32>
        %and3A = arith.andi %eq3A_209, %ge3A_200 : vector<16xi1>
        tpu.vector_store_idx %arg9[%sub3A_206], %gather3A_193 masked %and3A : memref<256xi32, #tpu.memory_space<vmem>>[vector<16xi32>], vector<16xi32>, vector<16xi1>
        scf.yield %gather3A_198, %sub3A_206 : vector<16xi32>, vector<16xi32>
      }
      "tpu.region"() ({
        %run_scoped3A = tpu.sem_alloc : memref<!tpu.dma_semaphore, #tpu.memory_space<semaphore_mem>>
        %dma_start3A = arith.constant 0 : i32
        %dma_start3A_183 = tpu.memref_slice %arg4[%add3A, %dma_start3A] : memref<16x256xi32, #tpu.memory_space<hbm>> -> memref<1x256xi32, #tpu.memory_space<hbm>>
        %dma_start3A_184 = tpu.memref_squeeze %dma_start3A_183 : memref<1x256xi32, #tpu.memory_space<hbm>> -> memref<256xi32, #tpu.memory_space<hbm>>
        %dma_start3A_185 = arith.constant 0 : i32
        %dma_start3A_186 = tpu.memref_slice %arg4[%add3A, %dma_start3A_185] : memref<16x256xi32, #tpu.memory_space<hbm>> -> memref<1x256xi32, #tpu.memory_space<hbm>>
        %dma_start3A_187 = tpu.memref_squeeze %dma_start3A_186 : memref<1x256xi32, #tpu.memory_space<hbm>> -> memref<256xi32, #tpu.memory_space<hbm>>
        tpu.enqueue_dma source(%arg9 : memref<256xi32, #tpu.memory_space<vmem>>) target(%dma_start3A_187 : memref<256xi32, #tpu.memory_space<hbm>>) target_semaphore(%run_scoped3A : memref<!tpu.dma_semaphore, #tpu.memory_space<semaphore_mem>>)
        %dma_wait3A = arith.constant 0 : i32
        %dma_wait3A_188 = tpu.memref_slice %arg4[%add3A, %dma_wait3A] : memref<16x256xi32, #tpu.memory_space<hbm>> -> memref<1x256xi32, #tpu.memory_space<hbm>>
        %dma_wait3A_189 = tpu.memref_squeeze %dma_wait3A_188 : memref<1x256xi32, #tpu.memory_space<hbm>> -> memref<256xi32, #tpu.memory_space<hbm>>
        %dma_wait3A_190 = arith.constant 0 : i32
        %dma_wait3A_191 = tpu.memref_slice %arg4[%add3A, %dma_wait3A_190] : memref<16x256xi32, #tpu.memory_space<hbm>> -> memref<1x256xi32, #tpu.memory_space<hbm>>
        %dma_wait3A_192 = tpu.memref_squeeze %dma_wait3A_191 : memref<1x256xi32, #tpu.memory_space<hbm>> -> memref<256xi32, #tpu.memory_space<hbm>>
        tpu.wait_dma2 semaphore(%run_scoped3A : memref<!tpu.dma_semaphore, #tpu.memory_space<semaphore_mem>>) src(%arg9 : memref<256xi32, #tpu.memory_space<vmem>>) dst(%dma_wait3A_192 : memref<256xi32, #tpu.memory_space<hbm>>)
        tpu.yield
      }) : () -> ()
    } else {
    }
    return
  }
}

</mosaic_0001>

<sc_bundles>
// kernel: kernel.3.cloned.1.call-start
scs
__scs_entry_jumppad:
0x0: {  	(pc) =	sbr.rel $0x88, $3  }
0x1: {  	(tag) =	ssettag $0x0;
	lr =	simm.s32 $0x1  }
0x2: {  	[smem:$0x3F9F] =	sst lr;
	_ =	strace $0xD0000000  }
0x3: {  	_ = 	snop  }
0x4: {  	_ = 	snop  }
0x5: {  	_ = 	snop  }
0x6: {  	_ = 	snop  }
0x7: {  	_ = 	snop  }
__scs_overlays_trampoline_lowered:
0x8: {  	[smem:$0x3FAE] =	sst s0  }
0x9: {  	[smem:$0x3FAF] =	sst s1  }
0xa: {  	[smem:$0x3FB0] =	sst s2  }
0xb: {  	[smem:$0x3FB1] =	sst s3  }
0xc: {  	[smem:$0x3FB2] =	sst s4  }
0xd: {  	[smem:$0x3FB3] =	sst s5  }
0xe: {  	[smem:$0x3FB4] =	sst s6  }
0xf: {  	[smem:$0x3FB5] =	sst s7  }
0x10: {  	[smem:$0x3FB6] =	sst s8  }
0x11: {  	[smem:$0x3FB7] =	sst s9;
	s0 =	simm.s32 @!p0 $0x0  }
0x12: {  	s1 =	sld [smem:$0x3F9D];
	s0 =	simm.s32 @p0 $0x1  }
0x13: {  	[smem:$0x3FB8] =	sst s0;
	s0 =	simm.s32 @!p1 $0x0  }
0x14: {  	s2 =	sld [smem:$0x3F9C];
	s0 =	simm.s32 @p1 $0x1  }
0x15: {  	[smem:$0x3FB9] =	sst s0;
	s0 =	simm.s32 @!p2 $0x0  }
0x16: {  	s3 =	sld [smem:$0x3FDB];
	s0 =	simm.s32 @p2 $0x1  }
0x17: {  	s4 =	simm.s32 $0x1BF5;
	[smem:$0x3FBB] =	sst s0  }
0x18: {  	s0 =	sld [smem:$0x3F9E];
	_ =	swait.ge [sflag:s4], $0x0  }
0x19: {  	s7 =	sld [smem:$0x3F9F]  }
0x1a: {  	s8 =	sadd.s32 $0xFFFFE003, lr  }
0x1b: {  	s9 =	sadd.s32 $0xFFFFFEF7, lr;
	s5 =	simm.s32 $0xFFFFFFFF;
	p2 =	slt.u32 s8, $0xFFFFF086  }
0x1c: {  	p1 =	slt.u32 s9, $0xF7A;
	s5 =	simm.s32 @!p2 $0x0  }
0x1d: {  	s5 =	simm.s32 @p1 $0x1;
	p0 =	seq.s32 s7, s2  }
0x1e: {  	s7 =	smul.u32 @!p0 $0xF7A, s2;
	p2 =	seq.s32 @!p0 s5, $0x0  }
0x1f: {  	s9 =	smul.u32 $0xF7A, s1;
	s8 =	simm.s32 @!p0 $0x1BF5;
	p2 =	por !p2, p0  }
0x20: {  	[sflag:s8] =	ssyncset.s32 @!p0 $0xFFFFF086;
	s6 =	sadd.s32 @!p0 s3, s7;
	s7 =	simm.s32 @!p0 $0x108  }
0x21: {  	s3 =	sadd.s32 s3, s9;
	s6 =	sadd.s32 @!p0 $0x88, s6;
	s7 =	simm.s32 @p2 $0x1082  }
0x22: {  	[simem:s7], [sflag:s8] =	dma.local @!p0 [hbm:s6], $0xF7A  }
0x23: {  	s9 =	sor.u32 $0xD0000000, s2;
	s6 =	simm.s32 $0x108;
	_ =	swait.ge @!p0 [sflag:s8], $0x0  }
0x24: {  	s3 =	sadd.s32 $0x88, s3;
	s6 =	simm.s32 @!p1 $0x1082;
	[sflag:s4] =	ssyncset.s32 $0xFFFFF086  }
0x25: {  	[simem:s6], [sflag:s4] =	dma.local [hbm:s3], $0xF7A  }
0x26: {  	[smem:$0x3F9F] =	sst s1;
	(tag) =	ssettag s2;
	_ =	strace s9  }
0x27: {  	s1 =	sld [smem:$0x3FAF]  }
0x28: {  	s2 =	sld [smem:$0x3FB0]  }
0x29: {  	s4 =	sld [smem:$0x3FB2]  }
0x2a: {  	p0 =	seq.s32 s5, $0x0;
	s5 =	sld [smem:$0x3FB3]  }
0x2b: {  	s6 =	sld [smem:$0x3FB4]  }
0x2c: {  	s7 =	sld [smem:$0x3FB5]  }
0x2d: {  	s3 =	simm.s32 $0x108;
	s8 =	sld [smem:$0x3FB6]  }
0x2e: {  	s3 =	simm.s32 @!p0 $0x1082;
	s9 =	sld [smem:$0x3FB7]  }
0x2f: {  	lr =	sadd.s32 s0, s3;
	s0 =	sld [smem:$0x3FAE]  }
0x30: {  	s3 =	sld [smem:$0x3FB1]  }
0x31: {  	[smem:$0x3FBA] =	sst s10  }
0x32: {  	s10 =	sld [smem:$0x3FB8];
	_ =	sdelay $0x3  }
0x33: {  	p0 =	seq.s32 s10, $0x1;
	s10 =	sld [smem:$0x3FBA];
	_ =	sdelay $0x3  }
0x34: {  	[smem:$0x3FBA] =	sst s10  }
0x35: {  	s10 =	sld [smem:$0x3FB9];
	_ =	sdelay $0x3  }
0x36: {  	p1 =	seq.s32 s10, $0x1;
	s10 =	sld [smem:$0x3FBA];
	_ =	sdelay $0x3  }
0x37: {  	[smem:$0x3FBA] =	sst s10  }
0x38: {  	s10 =	sld [smem:$0x3FBB]  }
0x39: {  	_ = 	snop;
	(pc) =	sbr.ind lr, $3  }
0x3a: {  	_ = 	snop  }
0x3b: {  	_ = 	snop  }
0x3c: {  	p2 =	seq.s32 s10, $0x1;
	s10 =	sld [smem:$0x3FBA]  }
0x3d: {  	_ =	shalt  }
0x3e: {  	_ =	shalt  }
0x3f: {  	_ =	shalt  }
0x40: {  	_ =	shalt  }
0x41: {  	_ =	shalt  }
0x42: {  	_ =	shalt  }
0x43: {  	_ =	shalt  }
0x44: {  	_ =	shalt  }
0x45: {  	_ =	shalt  }
0x46: {  	_ =	shalt  }
0x47: {  	_ =	shalt  }
0x48: {  	_ =	shalt  }
0x49: {  	_ =	shalt  }
0x4a: {  	_ =	shalt  }
0x4b: {  	_ =	shalt  }
0x4c: {  	_ =	shalt  }
0x4d: {  	_ =	shalt  }
0x4e: {  	_ =	shalt  }
0x4f: {  	_ =	shalt  }
0x50: {  	_ =	shalt  }
0x51: {  	_ =	shalt  }
0x52: {  	_ =	shalt  }
0x53: {  	_ =	shalt  }
0x54: {  	_ =	shalt  }
0x55: {  	_ =	shalt  }
0x56: {  	_ =	shalt  }
0x57: {  	_ =	shalt  }
0x58: {  	_ =	shalt  }
0x59: {  	_ =	shalt  }
0x5a: {  	_ =	shalt  }
0x5b: {  	_ =	shalt  }
0x5c: {  	_ =	shalt  }
0x5d: {  	_ =	shalt  }
0x5e: {  	_ =	shalt  }
0x5f: {  	_ =	shalt  }
0x60: {  	_ =	shalt  }
0x61: {  	_ =	shalt  }
0x62: {  	_ =	shalt  }
0x63: {  	_ =	shalt  }
0x64: {  	_ =	shalt  }
0x65: {  	_ =	shalt  }
0x66: {  	_ =	shalt  }
0x67: {  	_ =	shalt  }
0x68: {  	_ =	shalt  }
0x69: {  	_ =	shalt  }
0x6a: {  	_ =	shalt  }
0x6b: {  	_ =	shalt  }
0x6c: {  	_ =	shalt  }
0x6d: {  	_ =	shalt  }
0x6e: {  	_ =	shalt  }
0x6f: {  	_ =	shalt  }
0x70: {  	_ =	shalt  }
0x71: {  	_ =	shalt  }
0x72: {  	_ =	shalt  }
0x73: {  	_ =	shalt  }
0x74: {  	_ =	shalt  }
0x75: {  	_ =	shalt  }
0x76: {  	_ =	shalt  }
0x77: {  	_ =	shalt  }
0x78: {  	_ =	shalt  }
0x79: {  	_ =	shalt  }
0x7a: {  	_ =	shalt  }
0x7b: {  	_ =	shalt  }
0x7c: {  	_ =	shalt  }
0x7d: {  	_ =	shalt  }
0x7e: {  	_ =	shalt  }
0x7f: {  	_ =	shalt  }
0x80: {  	_ =	shalt  }
0x81: {  	_ =	shalt  }
0x82: {  	_ =	shalt  }
0x83: {  	_ =	shalt  }
0x84: {  	_ =	shalt  }
0x85: {  	_ =	shalt  }
0x86: {  	_ =	shalt  }
0x87: {  	_ =	shalt  }
.Lfunc_end0:
.L_simem_size_0:
called_computation_lowered:
.L_overlay_start_0:
0x88: {  	s2 =	sld [smem:$0x3FD9]  }
0x89: {  	s3 =	sld [smem:$0x3FFE];
	_ =	sdelay $0x1  }
0x8a: {  	s1 =	srdreg.scid  }
0x8b: {  	s0 =	sand.u32 $0x1, s1  }
0x8c: {  	s17 =	sshll.u32 s0, $0xA;
	s2 =	sadd.s32 s3, s2  }
0x8d: {  	s2 =	sadd.s32 s2, s17  }
0x8e: {  	[smem:$0x3FC6] =	sst s2  }
0x8f: {  	_ = 	snop  }
0x90: {  	s2 =	sld [smem:$0x3FC8]  }
0x91: {  	s18 =	sld [smem:$0x3FD0];
	(tm) =	ssettm $0x1  }
0x92: {  	s4 =	sld [smem:$0x3FFB];
	_ =	sdelay $0x3  }
0x93: {  	_ =	strace s4  }
0x94: {  	s4 =	sld [smem:$0x3FFC];
	_ =	sdelay $0x3  }
0x95: {  	_ =	strace s4  }
0x96: {  	s4 =	sld [smem:$0x3FFD];
	_ =	sdelay $0x3  }
0x97: {  	_ =	strace s4  }
0x98: {  	_ =	strace $0x8FFFFFFF  }
0x99: {  	s19 =	sld [smem:$0x3FDB];
	_ =	sdelay $0x1  }
0x9a: {  	s5 =	simm.s32 $_scs_section_size  }
0x9b: {  	s6 =	simm.s32 $_size__tile_overlayer_lowered;
	s7 =	simm.s32 $_tile_overlayer_lowered  }
0x9c: {  	s22 =	simm.s32 $0x1BFF;
	s21 =	sshll.u32 s7, $0x1;
	s4 =	sadd.s32 s5, s19  }
0x9d: {  	s8 =	simm.s32 $0x0;
	s20 =	sshll.u32 s6, $0x1;
	s6 =	sadd.s32 s21, s4  }
0x9e: {  	[timem:s8], [sflag:s22] =	dma.local [hbm:s6], s20  }
0x9f: {  	_ =	swait.ge [sflag:s22], s20  }
0xa0: {  	s5 =	ssub.s32 $0x0, s20;
	[sflag:s22] =	ssyncset.done $0x0  }
0xa1: {  	[sflag:s22] =	ssyncadd.s32 s5;
	_ =	sdelay $0x1  }
0xa2: {  	s23 =	simm.s32 $0x1B8B  }
0xa3: {  	_ =	swait.ge [sflag:s23], $0x1  }
0xa4: {  	[sflag:s23] =	ssyncset.done $0x0  }
0xa5: {  	s25 =	simm.s32 $0x1B8E;
	s24 =	sld [smem:$0x3FFE];
	[sflag:s23] =	ssyncadd.s32 $0xFFFFFFFF  }
0xa6: {  	s26 =	simm.s32 $execute0_lowered;
	[smem:$0x3FD2] =	sst s25  }
0xa7: {  	s6 =	sshll.u32 s26, $0x1;
	_ =	strace $0x80000046;
	[dreg:$0x1] =	wrdreg $0xFFFFFFFF  }
0xa8: {  	s28 =	simm.s32 $_size_execute0_lowered;
	s4 =	sadd.s32 s4, s6;
	[dreg:$0x0] =	wrdreg $0x0  }
0xa9: {  	s6 =	sshll.u32 s28, $0x1;
	[dreg:$0x2] =	wrdreg s4  }
0xaa: {  	[dreg:$0x3] =	wrdreg s6  }
0xab: {  	[dreg:$0x4] =	wrdreg $0xC0  }
0xac: {  	_ =	task [dreg:s8], $0x5FFFF  }
0xad: {  	[dreg:$0x1] =	wrdreg $0xFFFFFFFF  }
0xae: {  	[dreg:$0x0] =	wrdreg $0x60  }
0xaf: {  	[dreg:$0x2] =	wrdreg s24  }
0xb0: {  	[dreg:$0x3] =	wrdreg s2  }
0xb1: {  	[dreg:$0x4] =	wrdreg s18  }
0xb2: {  	[dreg:$0x5] =	wrdreg $0x9  }
0xb3: {  	_ =	task.clear_ibuf [dreg:s8], $0x6FFFF;
	_ =	strace $0x90000046  }
0xb4: {  	s29 =	simm.s32 $0x9;
	_ =	strace $0x80000048  }
0xb5: {  	_ =	swait.ge [sflag:s29], $0x1  }
0xb6: {  	[sflag:s29] =	ssyncadd.s32 $0xFFFFFFFF  }
0xb7: {  	_ =	strace $0x90000048  }
0xb8: {  	_ =	sfence  }
0xb9: {  	s30 =	sld [smem:$0x0];
	_ =	sdelay $0x2  }
0xba: {  	s31 =	sshll.u32 s1, $0xD;
	s1 =	sshrl.u32 s1, $0x2  }
0xbb: {  	s3 =	sand.u32 $0x4000, s31;
	s1 =	sadd.s32 s1, s30  }
0xbc: {  	s0 =	sor.u32 s3, s0;
	s1 =	sshll.u32 s1, $0x11  }
0xbd: {  	s0 =	sor.u32 s1, s0  }
0xbe: {  	s0 =	sadd.s32 $0x8F2B, s0  }
0xbf: {  	[sflag:s0] =	ssyncadd.remote.s32 $0x1  }
0xc0: {  	_ =	sfence.sel $0xFFFF  }
0xc1: {  	[dreg:$0x0] =	wrdreg $0xFFFFFFFF;
	(pc) =	sbr.abs _section_cstart, $3  }
0xc2: {  	[dreg:$0x1] =	wrdreg $0xFFFFFFFF  }
0xc3: {  	_ =	task.clear_ibuf [dreg:s8], $0x2FFFF;
	_ =	strace $0x9FFFFFFF  }
0xc4: {  	(tm) =	ssettm $0x7FFFFFFF  }
0xc5: {  	_ =	shalt  }
tec
execute0_lowered:
.L_overlay_start_1:
0x0: {  	(tag) =	ssettag $0x1  }
0x1: {  	s1 =	stileid.u32  }
0x2: {  	p0 =	sgt.u32 s1, $0x7  }
.Ltmp0:
0x3: {  	s5 =	rddreg [dreg:$0x0];
	(pc) =	sbr.rel @p0 .LBB2_11-.Ltmp0, $4  }
0x4: {  	s2 =	rddreg [dreg:$0x1]  }
0x5: {  	s4 =	rddreg [dreg:$0x2];
	s3 =	simm.s32 $0x0  }
0x6: {  	[smem:$0x7FF] =	sst s3  }
0x7: {  	s0 =	rddreg [dreg:$0x3];
	_ =	strace $0x80000047  }
0x8: {  	s6 =	srdreg.scid;
	s7 =	sshll.u32 s1, $0x1;
	v0 =	vlaneseq.u32  }
0x9: {  	vm0 =	vcmask $0x300;
	s5 =	sadd.s32 $0x400, s5;
	s8 =	sshll.u32 s1, $0x6;
	v2 =	vimm.s32 $0x0;
	v8 =	vimm.s32 $0x1;
	s10 =	simm.s32 $0x8080  }
0xa: {  	v9 =	vimm.s32 $0x2;
	v10 =	vimm.s32 $0x3;
	v11 =	vimm.s32 $0x4;
	s11 =	simm.s32 $0x18080;
	s12 =	simm.s32 $0x80;
	s13 =	simm.s32 $0x400  }
0xb: {  	v12 =	vimm.s32 $0x5;
	v13 =	vimm.s32 $0x6;
	v14 =	vimm.s32 $0x7;
	s14 =	simm.s32 $0x0;
	s6 =	sand.u32 $0x1, s6;
	s8 =	sand.u32 $0x100, s8  }
.Ltmp1:
0xc: {  	v15 =	vimm.s32 $0x8;
	v16 =	vimm.s32 $0x9;
	v17 =	vimm.s32 $0xA;
	s7 =	sor.u32 s6, s7;
	s6 =	ssub.s32 $0x2, s6;
	(pc) =	sbr.rel .LBB2_2-.Ltmp1, $4  }
0xd: {  	v18 =	vimm.s32 $0xB;
	v19 =	vimm.s32 $0xC;
	v20 =	vimm.s32 $0xD;
	s4 =	sadd.s32 s4, s8;
	s8 =	simm.s32 $0x8000;
	s9 =	sshll.u32 s7, $0x4  }
0xe: {  	v21 =	vimm.s32 $0xE;
	v6 =	vmul.u32 $0xFFFFFFFF, v0;
	v1 =	vmov s7;
	s31 =	sshrl.u32 s6, $0x1;
	s7 =	sshll.u32 s7, $0xC;
	s9 =	sand.u32 $0x70, s9  }
0xf: {  	v22 =	vimm.s32 $0xF;
	v3 =	vor.u32 $0x10, v0;
	v4 =	vor.u32 $0x20, v0;
	s6 =	ssub.s32 s6, s31;
	s5 =	sadd.s32 s5, s7;
	s7 =	simm.s32 $0x1  }
0x10: {  	v5 =	vor.u32 $0x30, v0;
	v7 =	vmul.u32 $0x40, v0;
	v6 =	vadd.s32 $0xF, v6;
	s4 =	sadd.s32 s9, s4;
	s6 =	smax.u32 s6, $0x1;
	s9 =	simm.s32 $0x10080  }
.LBB2_6:
0x11: {  	_ = 	snop  }
.LBB2_9:
0x12: {  	_ =	sdelay $0x4  }
0x13: {  	[tilespmem:v23+s11+$0x0] =	vst.idx.msk @p0 vm2, v24  }
0x14: {  	v24 =	vld.idx.msk [tilespmem:v25+s9+$0x0], $0xffff;
	_ =	sdelay $0x4  }
0x15: {  	vm2 =	vmmov $0x1;
	vm1 =	vgt.s32 v24, $0xFFFFFFFF  }
0x16: {  	v63 =	vsel vm1, $0xFFFFFFFF, v2;
	vm1 =	vmand vm1, vm2  }
0x17: {  	v23 =	vadd.s32 v63, v23;
	_ =	sdelay $0x4  }
0x18: {  	[tilespmem:v23+s11+$0x0] =	vst.idx.msk vm1, v24  }
.LBB2_10:
0x19: {  	s14 =	sadd.s32 $0x1, s14  }
0x1a: {  	p0 =	sne.s32 s14, s6  }
.Ltmp2:
0x1b: {  	_ = 	snop;
	(pc) =	sbr.rel @!p0 .LBB2_11-.Ltmp2, $4  }
0x1c: {  	[hbm4b:s4+s12] =	stream.strided.scatter [tilespmem:s11], [sflag:$0x1], $0x100, s13, s12, $0x38;
	[tilespmem:$0x18180] =	vst v63  }
0x1d: {  	_ =	swait.ge [sflag:s7], $0x100  }
0x1e: {  	[sflag:s7] =	ssyncset.done $0x0  }
0x1f: {  	[sflag:s7] =	ssyncadd.s32 $0xFFFFFF00  }
.LBB2_2:
0x20: {  	s16 =	simm.s32 $0x0  }
0x21: {  	[tilespmem:s16], [sflag:$0x1] =	stream.linear.gather [hbm4b:s5+s16], $0x8000, $0x38;
	[tilespmem:$0x18180] =	vst v63  }
0x22: {  	_ =	swait.ge [sflag:s7], $0x8000  }
0x23: {  	[sflag:s7] =	ssyncset.done $0x0  }
0x24: {  	[sflag:s7] =	ssyncadd.s32 $0xFFFF8000  }
0x25: {  	[tilespmem:s8], [sflag:$0x1] =	stream.linear.gather [hbm4b:s2+s16], $0x80, $0x38;
	[tilespmem:$0x18180] =	vst v63  }
0x26: {  	_ =	swait.ge [sflag:s7], $0x80  }
0x27: {  	[sflag:s7] =	ssyncset.done $0x0  }
0x28: {  	[sflag:s7] =	ssyncadd.s32 $0xFFFFFF80  }
0x29: {  	v23 =	vld.idx.msk [tilespmem:v1+s8+$0x0], $0xffff;
	_ =	sdelay $0x4  }
0x2a: {  	(v2sf) =	vpush v23, $0x0;
	_ =	sdelay $0xe  }
0x2b: {  	s15 =	spop (v2sf)  }
0x2c: {  	p0 =	slt.s32 s15, $0x1  }
.Ltmp3:
0x2d: {  	_ = 	snop;
	(pc) =	sbr.rel @p0 .LBB2_4-.Ltmp3, $3  }
0x2e: {  	_ =	sdelay $0x1  }
0x2f: {  	v27 =	vimm.f32 $-1.000000020e+30  }
0x30: {  	v25 =	vimm.s32 $0xFFFFFFFF;
	s17 =	simm.s32 $0x10080;
	s18 =	simm.s32 $0x8080;
	v24 =	vsel vm0, $0x0, v27;
	v23 =	vimm.s32 $0x0  }
.LBB2_3:
0x31: {  	v26 =	vsub.f32 v24, v27;
	_ =	sdelay $0x1  }
0x32: {  	v26 =	vand.u32 $0x7FFFFFFF, v26  }
0x33: {  	v26 =	vsub.f32 $0.0e+00, v26;
	_ =	sdelay $0x1  }
0x34: {  	v26 =	vmul.f32 $1.442695020e+00, v26;
	_ =	sdelay $0x1  }
0x35: {  	(erf) = vpow2.f32 v26;
	_ =	sdelay $0x8  }
0x36: {  	v26 =	vpop (erf)  }
0x37: {  	v28 =	vadd.f32 $2.000000000e+00, v26;
	_ =	sdelay $0x1  }
0x38: {  	(erf) = vrcp.f32 v28;
	_ =	sdelay $0x8  }
0x39: {  	v28 =	vpop (erf)  }
0x3a: {  	v26 =	vmul.f32 v28, v26;
	_ =	sdelay $0x1  }
0x3b: {  	v28 =	vmul.f32 v26, v26;
	_ =	sdelay $0x1  }
0x3c: {  	v29 =	vmul.f32 $6.666667010e-02, v28;
	_ =	sdelay $0x1  }
0x3d: {  	v29 =	vadd.f32 $7.692307980e-02, v29;
	_ =	sdelay $0x1  }
0x3e: {  	v29 =	vmul.f32 v29, v28;
	_ =	sdelay $0x1  }
0x3f: {  	v29 =	vadd.f32 $9.090909360e-02, v29;
	_ =	sdelay $0x1  }
0x40: {  	v29 =	vmul.f32 v29, v28;
	_ =	sdelay $0x1  }
0x41: {  	v29 =	vadd.f32 $1.111111120e-01, v29;
	_ =	sdelay $0x1  }
0x42: {  	v29 =	vmul.f32 v29, v28;
	_ =	sdelay $0x1  }
0x43: {  	v29 =	vadd.f32 $1.428571490e-01, v29;
	_ =	sdelay $0x1  }
0x44: {  	v29 =	vmul.f32 v29, v28  }
0x45: {  	vm1 =	vgt.s32 v25, $0x0  }
0x46: {  	v30 =	vnsel vm1, $0x0, v25;
	v29 =	vadd.f32 $2.000000030e-01, v29  }
0x47: {  	s19 =	sshll.u32 s16, $0x7;
	v31 =	vand.u32 $0x7FFFFF80, v30  }
0x48: {  	v30 =	vand.u32 $0x7F, v30;
	v31 =	vadd.s32 s19, v31;
	v29 =	vmul.f32 v29, v28  }
0x49: {  	v30 =	vor.u32 v30, v31  }
0x4a: {  	v44 =	vmov s19;
	v29 =	vadd.f32 $3.333333430e-01, v29;
	_ =	sdelay $0x1  }
0x4b: {  	v28 =	vmul.f32 v29, v28;
	_ =	sdelay $0x1  }
0x4c: {  	v26 =	vadd.f32 v26, v26;
	v29 =	vld.idx.msk [tilespmem:v30+s3+$0x0], $0xffff;
	v28 =	vadd.f32 $1.000000000e+00, v28  }
0x4d: {  	v45 =	vld.idx.msk [tilespmem:v44+s3+$0x0], $0xffff  }
0x4e: {  	v26 =	vmul.f32 v28, v26  }
0x4f: {  	v46 =	vor.u32 s19, v0;
	v28 =	vmax.f32 v24, v27  }
0x50: {  	v26 =	vadd.f32 v26, v28  }
0x51: {  	v28 =	vadd.f32 v29, v27;
	v29 =	vor.u32 s19, v3  }
0x52: {  	vm1 =	vgt.s32 v25, $0xFFFFFFFF;
	v47 =	vor.u32 s19, v4;
	v27 =	vadd.f32 v45, v26  }
0x53: {  	v33 =	vor.u32 s19, v5;
	v28 =	vnsel vm1, $0xF149F2CA, v28  }
0x54: {  	v31 =	vld.idx.msk [tilespmem:v46+s3+$0x0], $0xffff;
	v32 =	vsub.f32 v27, v28;
	_ =	sdelay $0x1  }
0x55: {  	v29 =	vld.idx.msk [tilespmem:v29+s3+$0x0], $0xffff;
	v32 =	vand.u32 $0x7FFFFFFF, v32  }
0x56: {  	v30 =	vld.idx.msk [tilespmem:v47+s3+$0x0], $0xffff;
	v32 =	vsub.f32 $0.0e+00, v32  }
0x57: {  	v33 =	vld.idx.msk [tilespmem:v33+s3+$0x0], $0xffff;
	vm1 =	veq.s32 v0, $0x0  }
0x58: {  	v31 =	vsel vm1, $0xF149F2CA, v31;
	v32 =	vmul.f32 $1.442695020e+00, v32  }
0x59: {  	(xrf1) =	vsort.dscd.msk.f32 $0xffff, v31, v0  }
0x5a: {  	(xrf1) =	vsort.dscd.msk.f32 $0xffff, v29, v3;
	(erf) = vpow2.f32 v32  }
0x5b: {  	(xrf1) =	vsort.dscd.msk.f32 $0xffff, v30, v4  }
0x5c: {  	(xrf1) =	vsort.dscd.msk.f32 $0xffff, v33, v5;
	_ =	sdelay $0x6  }
0x5d: {  	v29 =	vpop (erf)  }
0x5e: {  	v48 =	vadd.f32 $2.000000000e+00, v29;
	_ =	sdelay $0x1  }
0x5f: {  	(erf) = vrcp.f32 v48  }
0x60: {  	v49, v31, _ =	vpop (xrf1)  }
0x61: {  	v50, v51, _ =	vpop (xrf1)  }
0x62: {  	v34, v35, _ =	vpop (xrf1)  }
0x63: {  	v32 =	vperm.xlane v50, v6;
	v36, v37, _ =	vpop (xrf1)  }
0x64: {  	v33 =	vperm.xlane v51, v6;
	v36 =	vperm.xlane v36, v6  }
0x65: {  	vm1 =	vge.f32 v49, v32;
	v37 =	vperm.xlane v37, v6  }
0x66: {  	v38 =	vsel vm1, v49, v32;
	v39 =	vsel vm1, v31, v33;
	vm2 =	vge.f32 v34, v36  }
0x67: {  	(xrf1) =	vsort.dscd.msk.f32 $0xffff, v38, v39;
	v52 =	vsel vm2, v34, v36;
	v53 =	vsel vm2, v35, v37  }
0x68: {  	(xrf1) =	vsort.dscd.msk.f32 $0xffff, v52, v53;
	v40 =	vpop (erf)  }
0x69: {  	v29 =	vmul.f32 v40, v29;
	_ =	sdelay $0x1  }
0x6a: {  	v54 =	vmul.f32 v29, v29;
	_ =	sdelay $0x1  }
0x6b: {  	v55 =	vmul.f32 $6.666667010e-02, v54;
	_ =	sdelay $0x1  }
0x6c: {  	v39 =	vadd.f32 $7.692307980e-02, v55;
	_ =	sdelay $0x1  }
0x6d: {  	v39 =	vmul.f32 v39, v54;
	_ =	sdelay $0x1  }
0x6e: {  	v39 =	vadd.f32 $9.090909360e-02, v39;
	_ =	sdelay $0x1  }
0x6f: {  	v56, v41, _ =	vpop (xrf1);
	v39 =	vmul.f32 v39, v54  }
0x70: {  	v42, v43, _ =	vpop (xrf1)  }
0x71: {  	v42 =	vperm.xlane v42, v6;
	v39 =	vadd.f32 $1.111111120e-01, v39  }
0x72: {  	v43 =	vperm.xlane v43, v6  }
0x73: {  	vm3 =	vge.f32 v56, v42;
	v39 =	vmul.f32 v39, v54  }
0x74: {  	v44 =	vsel vm3, v56, v42;
	v45 =	vsel vm3, v41, v43  }
0x75: {  	(xrf1) =	vsort.dscd.msk.f32 $0xffff, v44, v45;
	v39 =	vadd.f32 $1.428571490e-01, v39;
	_ =	sdelay $0x1  }
0x76: {  	v39 =	vmul.f32 v39, v54;
	_ =	sdelay $0x1  }
0x77: {  	v39 =	vadd.f32 $2.000000030e-01, v39;
	_ =	sdelay $0x1  }
0x78: {  	v39 =	vmul.f32 v39, v54;
	_ =	sdelay $0x1  }
0x79: {  	v39 =	vadd.f32 $3.333333430e-01, v39;
	_ =	sdelay $0x1  }
0x7a: {  	v38 =	vmul.f32 v39, v54  }
0x7b: {  	v30 =	vsel vm1, v32, v49  }
0x7c: {  	v57 =	vsel vm2, v36, v34;
	v29 =	vadd.f32 v29, v29;
	v58 =	vadd.f32 $1.000000000e+00, v38  }
0x7d: {  	v61 =	vmax.f32 v27, v28;
	v31 =	vsel vm1, v33, v31;
	vm1 =	vge.f32 v30, v57  }
0x7e: {  	v59 =	vsel vm2, v37, v35;
	v30 =	vsel vm1, v30, v57;
	v33, v37, _ =	vpop (xrf1);
	v29 =	vmul.f32 v58, v29  }
0x7f: {  	v60 =	vsel vm3, v42, v56;
	v63 =	vperm.xlane v37, v2;
	v40 =	vperm.xlane v37, v8  }
0x80: {  	v62 =	vsel vm3, v43, v41;
	v41 =	vperm.xlane v33, v2;
	v42 =	vperm.xlane v33, v8  }
0x81: {  	v31 =	vsel vm1, v31, v59;
	v45 =	vperm.xlane v37, v9;
	v46 =	vperm.xlane v33, v9  }
0x82: {  	vm2 =	vge.f32 v30, v60;
	v48 =	vperm.xlane v37, v10;
	v49 =	vperm.xlane v37, v11  }
0x83: {  	v30 =	vsel vm2, v30, v60;
	v50 =	vperm.xlane v33, v10;
	v51 =	vperm.xlane v33, v11  }
0x84: {  	v31 =	vsel vm2, v31, v62;
	v54 =	vperm.xlane v37, v12;
	v55 =	vperm.xlane v33, v12  }
0x85: {  	(xrf1) =	vsort.dscd.msk.f32 $0xffff, v30, v31;
	v57 =	vperm.xlane v37, v13;
	v58 =	vperm.xlane v33, v13  }
0x86: {  	v59 =	vperm.xlane v33, v15;
	v62 =	vperm.xlane v33, v18;
	v29 =	vadd.f32 v29, v61  }
0x87: {  	vm1 =	veq.s32 v25, v63;
	vm2 =	veq.s32 v25, v40;
	v32 =	vadd.s32 v7, v63  }
0x88: {  	v34 =	vadd.s32 v7, v40;
	v36 =	vadd.s32 v7, v45;
	v39 =	vadd.s32 v7, v48  }
0x89: {  	v40 =	vadd.s32 v7, v49;
	v61 =	vperm.xlane v33, v16;
	v63 =	vperm.xlane v37, v19  }
0x8a: {  	v43 =	vsel vm1, v24, v26;
	v44 =	vsel vm2, v24, v26;
	vm1 =	veq.s32 v25, v45  }
0x8b: {  	vm2 =	veq.s32 v25, v49;
	v45 =	vadd.s32 v7, v57;
	v30 =	vadd.f32 v43, v41  }
0x8c: {  	v31 =	vadd.f32 v44, v42;
	v47 =	vsel vm1, v24, v26;
	vm1 =	veq.s32 v25, v48  }
0x8d: {  	v53 =	vsel vm2, v24, v26;
	v43 =	vadd.s32 v7, v54;
	(xrf1) =	vsort.dscd.msk.f32 $0xffff, v29, v7  }
0x8e: {  	v35 =	vadd.f32 v47, v46;
	v52 =	vsel vm1, v24, v26;
	v41 =	vadd.f32 v53, v51  }
0x8f: {  	vm1 =	veq.s32 v25, v54;
	v46 =	vperm.xlane v37, v14;
	v47 =	vperm.xlane v33, v14  }
0x90: {  	v51 =	vperm.xlane v37, v16;
	v53 =	vperm.xlane v33, v17;
	v38 =	vadd.f32 v52, v50  }
0x91: {  	v56 =	vsel vm1, v24, v26;
	vm1 =	veq.s32 v25, v57;
	v50 =	vperm.xlane v37, v15  }
0x92: {  	v52 =	vperm.xlane v37, v17;
	(xrf1) =	vsort.dscd.msk.f32 $0xffff, v30, v32;
	v57 =	vperm.xlane v37, v20  }
0x93: {  	v42 =	vadd.f32 v56, v55;
	vm2 =	veq.s32 v25, v46;
	v48 =	vsel vm1, v24, v26  }
0x94: {  	v46 =	vadd.s32 v7, v46;
	v56 =	vperm.xlane v37, v18;
	(xrf1) =	vsort.dscd.msk.f32 $0xffff, v31, v34  }
0x95: {  	v49 =	vsel vm2, v24, v26;
	v44 =	vadd.f32 v48, v58;
	vm1 =	veq.s32 v25, v50  }
0x96: {  	vm2 =	veq.s32 v25, v52;
	v30 =	vadd.s32 v7, v52;
	v52 =	vperm.xlane v33, v19  }
0x97: {  	(xrf1) =	vsort.dscd.msk.f32 $0xffff, v35, v36;
	v34 =	vadd.s32 v7, v57;
	v47 =	vadd.f32 v49, v47  }
0x98: {  	v60 =	vsel vm1, v24, v26;
	v49 =	vadd.s32 v7, v50;
	vm1 =	veq.s32 v25, v51  }
0x99: {  	v55 =	vsel vm2, v24, v26;
	v51 =	vadd.s32 v7, v51;
	(xrf1) =	vsort.dscd.msk.f32 $0xffff, v38, v39  }
0x9a: {  	v58 =	vadd.s32 v7, v56;
	v48 =	vadd.f32 v60, v59;
	v54 =	vsel vm1, v24, v26  }
0x9b: {  	v53 =	vadd.f32 v55, v53;
	vm1 =	veq.s32 v25, v56;
	(xrf1) =	vsort.dscd.msk.f32 $0xffff, v41, v40  }
0x9c: {  	v59 =	vperm.xlane v33, v20;
	v50 =	vadd.f32 v54, v61;
	v29 =	vsel vm1, v24, v26  }
0x9d: {  	vm1 =	veq.s32 v25, v63;
	(xrf1) =	vsort.dscd.msk.f32 $0xffff, v42, v43;
	v61 =	vperm.xlane v37, v21  }
0x9e: {  	v37 =	vperm.xlane v37, v22;
	v29 =	vadd.f32 v29, v62;
	v54 =	vsel vm1, v24, v26  }
0x9f: {  	vm1 =	veq.s32 v25, v57;
	(xrf1) =	vsort.dscd.msk.f32 $0xffff, v44, v45;
	v62 =	vadd.s32 v7, v63  }
0xa0: {  	v63 =	vperm.xlane v33, v21;
	v33 =	vperm.xlane v33, v22;
	(xrf1) =	vsort.dscd.msk.f32 $0xffff, v47, v46  }
0xa1: {  	v60 =	vsel vm1, v24, v26;
	vm1 =	veq.s32 v25, v61;
	(xrf1) =	vsort.dscd.msk.f32 $0xffff, v48, v49  }
0xa2: {  	v31 =	vadd.f32 v54, v52;
	v44 =	vsel vm1, v24, v26;
	(xrf1) =	vsort.dscd.msk.f32 $0xffff, v50, v51  }
0xa3: {  	v46, v45, _ =	vpop (xrf1);
	v32 =	vadd.f32 v60, v59;
	v36 =	vadd.f32 v44, v63;
	(xrf1) =	vsort.dscd.msk.f32 $0xffff, v53, v30  }
0xa4: {  	vm1 =	veq.s32 v25, v37;
	v47 =	vperm.xlane v45, v2;
	(xrf1) =	vsort.dscd.msk.f32 $0xffff, v29, v58  }
0xa5: {  	v48 =	vadd.s32 v7, v61;
	v29 =	vsel vm1, v24, v26;
	(xrf1) =	vsort.dscd.msk.f32 $0xffff, v31, v62  }
0xa6: {  	v37 =	vadd.s32 v7, v37;
	v29 =	vadd.f32 v29, v33;
	v50, v49, _ =	vpop (xrf1);
	(xrf1) =	vsort.dscd.msk.f32 $0xffff, v32, v34  }
0xa7: {  	v30 =	vperm.xlane v46, v2;
	vm1 =	veq.s32 v25, v47;
	v32, v34, _ =	vpop (xrf1);
	(xrf1) =	vsort.dscd.msk.f32 $0xffff, v36, v48  }
0xa8: {  	v51 =	vsel vm1, v24, v26;
	v31, v36, _ =	vpop (xrf1);
	v32 =	vperm.xlane v32, v6  }
0xa9: {  	v35 =	vadd.s32 v7, v47;
	v30 =	vadd.f32 v51, v30;
	(xrf1) =	vsort.dscd.msk.f32 $0xffff, v29, v37;
	v53, v52, _ =	vpop (xrf1)  }
0xaa: {  	v34 =	vperm.xlane v34, v6;
	v29, v37, _ =	vpop (xrf1);
	vm1 =	vge.f32 v50, v32;
	v39 =	vperm.xlane v53, v6  }
0xab: {  	(xrf1) =	vsort.dscd.msk.f32 $0xffff, v30, v35;
	v56 =	vperm.xlane v52, v6;
	v41, v54, _ =	vpop (xrf1);
	v55 =	vsel vm1, v50, v32  }
0xac: {  	v34 =	vsel vm1, v49, v34;
	v58, v57, _ =	vpop (xrf1);
	vm1 =	vge.f32 v31, v39;
	v59 =	vperm.xlane v41, v6  }
0xad: {  	(xrf1) =	vsort.dscd.msk.f32 $0xffff, v55, v34;
	v47 =	vperm.xlane v54, v6;
	v60, v61, _ =	vpop (xrf1);
	v62 =	vsel vm1, v31, v39  }
0xae: {  	v63 =	vsel vm1, v36, v56;
	v46, v45, _ =	vpop (xrf1);
	vm1 =	vge.f32 v29, v59;
	v48 =	vperm.xlane v60, v6  }
0xaf: {  	(xrf1) =	vsort.dscd.msk.f32 $0xffff, v62, v63;
	v51 =	vperm.xlane v61, v6;
	v50, v49, _ =	vpop (xrf1);
	v29 =	vsel vm1, v29, v59  }
0xb0: {  	v36 =	vsel vm1, v37, v47;
	v52, v53, _ =	vpop (xrf1);
	vm1 =	vge.f32 v58, v48;
	v54 =	vperm.xlane v50, v6  }
0xb1: {  	(xrf1) =	vsort.dscd.msk.f32 $0xffff, v29, v36;
	v59 =	vperm.xlane v49, v6;
	v56, v55, _ =	vpop (xrf1);
	v29 =	vsel vm1, v58, v48  }
0xb2: {  	v30 =	vsel vm1, v57, v51;
	v57, v58, _ =	vpop (xrf1);
	vm1 =	vge.f32 v46, v54;
	v60 =	vperm.xlane v56, v6  }
0xb3: {  	(xrf1) =	vsort.dscd.msk.f32 $0xffff, v29, v30;
	v62, v61, _ =	vpop (xrf1);
	v29 =	vsel vm1, v46, v54  }
0xb4: {  	v34 =	vsel vm1, v45, v59;
	v45 =	vperm.xlane v55, v6;
	v63, v44, _ =	vpop (xrf1);
	vm1 =	vge.f32 v52, v60  }
0xb5: {  	(xrf1) =	vsort.dscd.msk.f32 $0xffff, v29, v34;
	v48 =	vperm.xlane v62, v6;
	v50 =	vperm.xlane v61, v6;
	v46, v47, _ =	vpop (xrf1)  }
0xb6: {  	v29 =	vsel vm1, v52, v60;
	v49 =	vsel vm1, v53, v45;
	v37 =	vperm.xlane v46, v6  }
0xb7: {  	(xrf1) =	vsort.dscd.msk.f32 $0xffff, v29, v49;
	vm1 =	vge.f32 v57, v48;
	v29 =	vperm.xlane v47, v6  }
0xb8: {  	v31 =	vsel vm1, v57, v48;
	v51 =	vsel vm1, v58, v50;
	vm1 =	vge.f32 v63, v37  }
0xb9: {  	(xrf1) =	vsort.dscd.msk.f32 $0xffff, v31, v51;
	v30 =	vsel vm1, v63, v37;
	v29 =	vsel vm1, v44, v29  }
0xba: {  	(xrf1) =	vsort.dscd.msk.f32 $0xffff, v30, v29;
	_ =	sdelay $0x4  }
0xbb: {  	v29, v30, _ =	vpop (xrf1)  }
0xbc: {  	v52, v53, _ =	vpop (xrf1)  }
0xbd: {  	v55, v54, _ =	vpop (xrf1)  }
0xbe: {  	v31 =	vperm.xlane v52, v6;
	v35, v36, _ =	vpop (xrf1)  }
0xbf: {  	v32 =	vperm.xlane v53, v6;
	v57, v56, _ =	vpop (xrf1)  }
0xc0: {  	vm1 =	vge.f32 v29, v31;
	v35 =	vperm.xlane v35, v6;
	v36 =	vperm.xlane v36, v6;
	v58, v59, _ =	vpop (xrf1)  }
0xc1: {  	v29 =	vsel vm1, v29, v31;
	v30 =	vsel vm1, v30, v32;
	v60, v61, _ =	vpop (xrf1);
	v39 =	vperm.xlane v58, v6  }
0xc2: {  	vm1 =	vge.f32 v55, v35;
	(xrf1) =	vsort.dscd.msk.f32 $0xffff, v29, v30;
	v47 =	vperm.xlane v59, v6;
	v63, v62, _ =	vpop (xrf1)  }
0xc3: {  	v29 =	vsel vm1, v55, v35;
	v34 =	vsel vm1, v54, v36;
	vm1 =	vge.f32 v57, v39;
	v45, v46, _ =	vpop (xrf1)  }
0xc4: {  	(xrf1) =	vsort.dscd.msk.f32 $0xffff, v29, v34;
	v50 =	vperm.xlane v63, v6;
	v51 =	vperm.xlane v62, v6;
	v48, v49, _ =	vpop (xrf1)  }
0xc5: {  	v29 =	vsel vm1, v57, v39;
	v35 =	vsel vm1, v56, v47;
	v36 =	vperm.xlane v48, v6  }
0xc6: {  	(xrf1) =	vsort.dscd.msk.f32 $0xffff, v29, v35;
	vm1 =	vge.f32 v60, v50;
	v29 =	vperm.xlane v49, v6  }
0xc7: {  	v31 =	vsel vm1, v60, v50;
	v32 =	vsel vm1, v61, v51;
	vm1 =	vge.f32 v45, v36  }
0xc8: {  	(xrf1) =	vsort.dscd.msk.f32 $0xffff, v31, v32;
	v30 =	vsel vm1, v45, v36;
	v29 =	vsel vm1, v46, v29  }
0xc9: {  	(xrf1) =	vsort.dscd.msk.f32 $0xffff, v30, v29;
	_ =	sdelay $0x9  }
0xca: {  	v29, v30, _ =	vpop (xrf1)  }
0xcb: {  	v31, v32, _ =	vpop (xrf1)  }
0xcc: {  	v53, v52, _ =	vpop (xrf1)  }
0xcd: {  	v54, v55, _ =	vpop (xrf1)  }
0xce: {  	v33 =	vperm.xlane v53, v6;
	v57, v56, _ =	vpop (xrf1)  }
0xcf: {  	v34 =	vperm.xlane v52, v6;
	v37 =	vperm.xlane v57, v6  }
0xd0: {  	vm1 =	vge.f32 v31, v33;
	v38 =	vperm.xlane v56, v6  }
0xd1: {  	v31 =	vsel vm1, v31, v33;
	v32 =	vsel vm1, v32, v34;
	vm1 =	vge.f32 v54, v37  }
0xd2: {  	(xrf1) =	vsort.dscd.msk.f32 $0xffff, v31, v32;
	v58 =	vsel vm1, v54, v37;
	v59 =	vsel vm1, v55, v38  }
0xd3: {  	(xrf1) =	vsort.dscd.msk.f32 $0xffff, v58, v59;
	_ =	sdelay $0xc  }
0xd4: {  	v31, v32, _ =	vpop (xrf1)  }
0xd5: {  	v60, v61, _ =	vpop (xrf1)  }
0xd6: {  	v33 =	vperm.xlane v60, v6  }
0xd7: {  	v34 =	vperm.xlane v61, v6  }
0xd8: {  	vm1 =	vge.f32 v31, v33  }
0xd9: {  	v31 =	vsel vm1, v31, v33;
	v32 =	vsel vm1, v32, v34  }
0xda: {  	(xrf1) =	vsort.dscd.msk.f32 $0xffff, v31, v32;
	_ =	sdelay $0xc  }
0xdb: {  	v29 =	vperm.xlane v29, v6  }
0xdc: {  	v30 =	vperm.xlane v30, v6;
	v31, v32, _ =	vpop (xrf1)  }
0xdd: {  	vm1 =	vge.f32 v31, v29  }
0xde: {  	v29 =	vsel vm1, v31, v29;
	v30 =	vsel vm1, v32, v30  }
0xdf: {  	(xrf1) =	vsort.dscd.msk.f32 $0xffff, v29, v30;
	_ =	sdelay $0xd  }
0xe0: {  	_, v29, _ =	vpop (xrf1)  }
0xe1: {  	v62 =	vand.u32 $0x3F, v29  }
0xe2: {  	v63 =	vor.u32 s19, v62;
	_ =	sdelay $0x4  }
0xe3: {  	v29 =	vshrl.u32 v29, $0x6;
	v31 =	vld.idx.msk [tilespmem:v63+s3+$0x0], $0xffff  }
0xe4: {  	s16 =	sadd.s32 $0x1, s16;
	v24 =	vperm.xlane v24, v29;
	v25 =	vperm.xlane v25, v29  }
0xe5: {  	p1 =	sne.s32 s15, s16;
	v26 =	vperm.xlane v26, v29;
	v23 =	vperm.xlane v23, v29  }
.Ltmp4:
0xe6: {  	v27 =	vperm.xlane v27, v29;
	vm1 =	veq.s32 v62, v25;
	(pc) =	sbr.rel @p1 .LBB2_3-.Ltmp4, $4  }
0xe7: {  	v28 =	vperm.xlane v28, v29;
	v24 =	vsel vm1, v24, v26;
	v26 =	vadd.s32 $0x1, v23  }
0xe8: {  	vm1 =	veq.s32 v62, $0x0;
	vm2 =	vlt.s32 v26, $0x100;
	v31 =	vadd.f32 v24, v31  }
0xe9: {  	v25 =	vsel vm1, v25, v62;
	[tilespmem:s18+$0x0] =	vst v29;
	v29 =	vsel vm1, $0xFFFFFFFF, v62;
	v26 =	vnsel vm2, $0x100, v26  }
0xea: {  	s18 =	sadd.s32 $0x80, s18;
	[tilespmem:s17+$0x0] =	vst v29;
	v23 =	vsel vm1, v23, v26;
	s17 =	sadd.s32 $0x80, s17;
	v24 =	vnsel vm1, $0xF149F2CA, v27;
	v27 =	vsel vm1, v28, v31  }
.LBB2_4:
0xeb: {  	v25 =	vsub.f32 v24, v27;
	_ =	sdelay $0x1  }
0xec: {  	v25 =	vand.u32 $0x7FFFFFFF, v25  }
0xed: {  	v25 =	vsub.f32 $0.0e+00, v25;
	_ =	sdelay $0x1  }
0xee: {  	v25 =	vmul.f32 $1.442695020e+00, v25;
	_ =	sdelay $0x1  }
0xef: {  	(erf) = vpow2.f32 v25;
	_ =	sdelay $0x8  }
0xf0: {  	v25 =	vpop (erf)  }
0xf1: {  	v26 =	vadd.f32 $2.000000000e+00, v25;
	_ =	sdelay $0x1  }
0xf2: {  	(erf) = vrcp.f32 v26;
	_ =	sdelay $0x8  }
0xf3: {  	v26 =	vpop (erf)  }
0xf4: {  	v25 =	vmul.f32 v26, v25;
	_ =	sdelay $0x1  }
0xf5: {  	v26 =	vmul.f32 v25, v25;
	_ =	sdelay $0x1  }
0xf6: {  	v28 =	vmul.f32 $6.666667010e-02, v26;
	_ =	sdelay $0x1  }
0xf7: {  	v28 =	vadd.f32 $7.692307980e-02, v28;
	_ =	sdelay $0x1  }
0xf8: {  	v28 =	vmul.f32 v28, v26;
	_ =	sdelay $0x1  }
0xf9: {  	v28 =	vadd.f32 $9.090909360e-02, v28;
	_ =	sdelay $0x1  }
0xfa: {  	v28 =	vmul.f32 v28, v26;
	_ =	sdelay $0x1  }
0xfb: {  	v28 =	vadd.f32 $1.111111120e-01, v28;
	_ =	sdelay $0x1  }
0xfc: {  	v28 =	vmul.f32 v28, v26;
	_ =	sdelay $0x1  }
0xfd: {  	v28 =	vadd.f32 $1.428571490e-01, v28;
	_ =	sdelay $0x1  }
0xfe: {  	v28 =	vmul.f32 v28, v26;
	_ =	sdelay $0x1  }
0xff: {  	v28 =	vadd.f32 $2.000000030e-01, v28;
	_ =	sdelay $0x1  }
0x100: {  	v28 =	vmul.f32 v28, v26;
	_ =	sdelay $0x1  }
0x101: {  	v28 =	vadd.f32 $3.333333430e-01, v28;
	_ =	sdelay $0x1  }
0x102: {  	v26 =	vmul.f32 v28, v26;
	_ =	sdelay $0x1  }
0x103: {  	v25 =	vadd.f32 v25, v25;
	v26 =	vadd.f32 $1.000000000e+00, v26;
	_ =	sdelay $0x1  }
0x104: {  	v25 =	vmul.f32 v26, v25  }
0x105: {  	v24 =	vmax.f32 v24, v27  }
0x106: {  	v24 =	vadd.f32 v25, v24  }
0x107: {  	[tilespmem:$0x18080] =	vst v2  }
0x108: {  	[tilespmem:$0x18090] =	vst v2;
	(xrf1) =	vsort.dscd.msk.f32 $0xffff, v24, v0  }
0x109: {  	[tilespmem:$0x180A0] =	vst v2  }
0x10a: {  	[tilespmem:$0x180B0] =	vst v2  }
0x10b: {  	[tilespmem:$0x180C0] =	vst v2  }
0x10c: {  	[tilespmem:$0x180D0] =	vst v2  }
0x10d: {  	[tilespmem:$0x180E0] =	vst v2  }
0x10e: {  	[tilespmem:$0x180F0] =	vst v2  }
0x10f: {  	[tilespmem:$0x18100] =	vst v2  }
0x110: {  	[tilespmem:$0x18110] =	vst v2  }
0x111: {  	[tilespmem:$0x18120] =	vst v2  }
.Ltmp5:
0x112: {  	[tilespmem:$0x18130] =	vst v2;
	(pc) =	sbr.rel @p0 .LBB2_10-.Ltmp5, $4  }
0x113: {  	[tilespmem:$0x18140] =	vst v2  }
0x114: {  	[tilespmem:$0x18150] =	vst v2  }
0x115: {  	[tilespmem:$0x18160] =	vst v2  }
0x116: {  	[tilespmem:$0x18170] =	vst v2;
	v25, _, _ =	vpop (xrf1)  }
0x117: {  	v25 =	vperm.xlane v25, v2  }
0x118: {  	s15 =	sadd.s32 $0xFFFFFFFF, s15  }
0x119: {  	p1 =	sne.s32 s15, $0x0;
	vm1 =	veq.f32 v24, v25  }
.Ltmp6:
0x11a: {  	v24 =	vmctz.xlane vm1;
	(pc) =	sbr.rel @!p1 .LBB2_6-.Ltmp6, $4  }
0x11b: {  	_ = 	snop  }
0x11c: {  	s16 =	sshll.u32 s15, $0x7;
	v25 =	vand.u32 $0xFFFFFF80, v24  }
0x11d: {  	v26 =	vand.u32 $0x7F, v24;
	v25 =	vadd.s32 s16, v25  }
0x11e: {  	p0 =	por $0x0, $0x0;
	s15 =	sadd.s32 $0xFFFFFFFF, s15;
	v23 =	vperm.xlane v23, v24;
	v25 =	vor.u32 v26, v25  }
0x11f: {  	_ =	sdelay $0x3  }
0x120: {  	v24 =	vld.idx.msk [tilespmem:v25+s9+$0x0], $0xffff  }
0x121: {  	v25 =	vld.idx.msk [tilespmem:v25+s10+$0x0], $0xffff;
	_ =	sdelay $0x3  }
0x122: {  	vm1 =	vmmov $0x1;
	vm2 =	vgt.s32 v24, $0xFFFFFFFF  }
0x123: {  	s16 =	sshll.u32 s15, $0x7;
	p1 =	sne.s32 s15, $0x0;
	v26 =	vand.u32 $0xFFFFFF80, v25;
	v27 =	vsel vm2, $0xFFFFFFFF, v2;
	vm2 =	vmand vm2, vm1  }
.Ltmp7:
0x124: {  	v25 =	vand.u32 $0x7F, v25;
	v26 =	vadd.s32 s16, v26;
	v23 =	vadd.s32 v27, v23;
	(pc) =	sbr.rel @!p1 .LBB2_9-.Ltmp7, $2  }
0x125: {  	v25 =	vor.u32 v25, v26;
	_ =	sdelay $0x2  }
0x126: {  	s15 =	sadd.s32 $0xFFFFFFFF, s15;
	p0 =	por $0x1, $0x1  }
.LBB2_8:
0x127: {  	p1 =	sne.s32 s15, $0x0;
	[tilespmem:v23+s11+$0x0] =	vst.idx.msk vm2, v24;
	s16 =	smov.u32 s15;
	s15 =	sadd.s32 $0xFFFFFFFF, s15  }
0x128: {  	v24 =	vld.idx.msk [tilespmem:v25+s9+$0x0], $0xffff;
	_ =	sdelay $0x1  }
0x129: {  	v25 =	vld.idx.msk [tilespmem:v25+s10+$0x0], $0xffff;
	_ =	sdelay $0x2  }
.Ltmp8:
0x12a: {  	(pc) =	sbr.rel @p1 .LBB2_8-.Ltmp8, $4  }
0x12b: {  	vm2 =	vgt.s32 v24, $0xFFFFFFFF  }
0x12c: {  	s16 =	sshll.u32 s16, $0x7;
	v27 =	vsel vm2, $0xFFFFFFFF, v2;
	vm2 =	vmand vm2, vm1;
	v26 =	vand.u32 $0xFFFFFF80, v25  }
0x12d: {  	v25 =	vand.u32 $0x7F, v25;
	v23 =	vadd.s32 v27, v23;
	v26 =	vadd.s32 s16, v26  }
0x12e: {  	v25 =	vor.u32 v25, v26  }
.Ltmp9:
0x12f: {  	_ = 	snop;
	(pc) =	sbr.rel .LBB2_9-.Ltmp9, $1  }
0x130: {  	_ =	sdelay $0x3  }
.LBB2_11:
0x131: {  	_ =	sfence.sel $0x180000  }
0x132: {  	[bflag:$0x0] =	sbarrier.arrive $0xFFFF  }
0x133: {  	p0 =	sne.s32 s1, $0x0;
	_ =	strace $0x90000047  }
0x134: {  	s0 =	sadd.s32 @!p0 $0x100000, s0;
	[bflag:$0x2] =	sbarrier.arrive $0xFFFF  }
0x135: {  	[sflag:s0] =	ssyncadd.tile.s32 @!p0 $0x1;
	_ =	shalt  }
.Lfunc_end2:
_tile_overlayer_lowered:
.L_overlay_start_2:
0x136: {  	(tag) =	ssettag $0x2  }
0x137: {  	s0 =	rddreg [dreg:$0x0];
	s2 =	stileid.u32  }
0x138: {  	s1 =	rddreg [dreg:$0x1];
	p0 =	sne.s32 s2, $0x0  }
0x139: {  	s3 =	rddreg [dreg:$0x2];
	[bflag:$0x3] =	sbarrier.arrive $0xFFFF;
	s2 =	simm.s32 @!p0 $0x1C01  }
0x13a: {  	[timem:s3], [sflag:s2] =	dma.local @!p0 [hbm:s0], s1  }
0x13b: {  	s0 =	simm.s32 @!p0 $0x1  }
0x13c: {  	_ =	swait.ge @!p0 [sflag:s0], s1  }
0x13d: {  	s1 =	ssub.s32 @!p0 $0x0, s1;
	[sflag:s0] =	ssyncset.done @!p0 $0x0  }
0x13e: {  	[sflag:s0] =	ssyncadd.s32 @!p0 s1  }
0x13f: {  	[bflag:$0x3] =	sbarrier.arrive $0xFFFF  }
0x140: {  	_ =	shalt  }

</sc_bundles>
